<compile_context>
chip_gen: v7x
topology: tpu7x:2x2x1
jax: 0.10.2.dev20260603
libtpu: 0.0.44.dev20260713+nightly
codegen_flags: <defaults>
</compile_context>

<pallas_src>
import functools

import jax
import jax.numpy as jnp
from jax import lax
from jax.experimental import pallas as pl
from jax.experimental.pallas import tpu as pltpu
from jax.experimental.pallas import tpu_sc as plsc

_NC = 2
_NS = 16
_NW = _NC * _NS


@functools.lru_cache(maxsize=None)
def _make_sc_gather_add(n_rows, n_out, n_idx, feat, chunk):
    assert n_idx % (_NW * chunk) == 0
    n_chunks = n_idx // (_NW * chunk)
    assert chunk <= 128 and chunk % 8 == 0
    assert feat % 16 == 0
    assert n_out % (_NS * 8) == 0
    rpt = n_out // _NS
    zr = 128 if rpt % 128 == 0 else rpt
    assert rpt % zr == 0

    mesh = plsc.VectorSubcoreMesh(core_axis_name="c", subcore_axis_name="s",
                                  num_cores=_NC, num_subcores=_NS)

    @functools.partial(
        pl.kernel,
        out_type=jax.ShapeDtypeStruct((_NC, n_out, feat), jnp.float32),
        mesh=mesh,
        scratch_types=[
            pltpu.VMEM((n_chunks, chunk), jnp.int32),
            pltpu.VMEM((n_chunks, chunk), jnp.int32),
            pltpu.VMEM((2, chunk, feat), jnp.float32),
            pltpu.VMEM((zr, feat), jnp.float32),
            pltpu.VMEM_SHARED((n_out, feat), jnp.float32),
            pltpu.SemaphoreType.DMA,
            pltpu.SemaphoreType.DMA,
        ],
        compiler_params=pltpu.CompilerParams(use_tc_tiling_on_sc=False),
    )
    def k(table_hbm, src_hbm, dst_hbm, out_hbm,
          src_v, dst_v, rows_v, zer_v, agg_sh, sem0, sem1):
        cid = lax.axis_index("c")
        sid = lax.axis_index("s")
        wid = sid * _NC + cid

        pltpu.sync_copy(src_hbm.at[wid], src_v)
        pltpu.sync_copy(dst_hbm.at[wid], dst_v)

        sems = (sem0, sem1)

        def gather(j, buf):
            pltpu.async_copy(
                table_hbm.at[src_v.at[j]], rows_v.at[buf], sems[buf])

        def wait(j, buf):
            pltpu.make_async_copy(
                table_hbm.at[src_v.at[j]], rows_v.at[buf], sems[buf]).wait()

        def scat(j, buf):
            pltpu.sync_copy(rows_v.at[buf], agg_sh.at[dst_v.at[j]], add=True)

        gather(0, 0)

        def zfill(r, _):
            for c in range(feat // 16):
                zer_v[r, pl.ds(c * 16, 16)] = jnp.zeros((16,), jnp.float32)
            return 0
        lax.fori_loop(0, zr, zfill, 0)

        for j in range(rpt // zr):
            pltpu.sync_copy(zer_v, agg_sh.at[pl.ds(sid * rpt + j * zr, zr)])
        plsc.subcore_barrier()

        def body(jj, _):
            j = jj * 2
            gather(j + 1, 1)
            wait(j, 0)
            scat(j, 0)
            gather(lax.min(j + 2, n_chunks - 1), 0)
            wait(j + 1, 1)
            scat(j + 1, 1)
            return 0

        lax.fori_loop(0, n_chunks // 2, body, 0)
        if n_chunks % 2 == 1:
            wait(n_chunks - 1, 0)
            scat(n_chunks - 1, 0)
        else:
            wait(n_chunks - 1, 0)
        plsc.subcore_barrier()

        pltpu.sync_copy(agg_sh.at[pl.ds(sid * rpt, rpt)],
                        out_hbm.at[cid, pl.ds(sid * rpt, rpt)])

    return k


_DN = (((1,), (1,)), ((), ()))


def _tc_fy(wc, f, parts, bn=1024):
    n, din = f.shape
    h2 = wc.shape[0]
    h = h2 // 2

    def body(*refs):
        f_ref, o1_ref, o2_ref = refs[0], refs[-2], refs[-1]
        v = f_ref[...]
        if parts is not None:
            v = jnp.maximum(v + refs[1][...] + refs[2][...], 0.0)
        w_ref = refs[-3]
        acc = lax.dot_general(v, w_ref[...], _DN,
                              preferred_element_type=jnp.float32,
                              precision=lax.Precision.HIGHEST)
        o1_ref[...] = acc[:, :h]
        o2_ref[...] = acc[:, h:]

    in_specs = [pl.BlockSpec((bn, din), lambda i: (i, 0))]
    ops = [f]
    if parts is not None:
        in_specs += [pl.BlockSpec((bn, din), lambda i: (i, 0))] * 2
        ops += [parts[0], parts[1]]
    in_specs.append(pl.BlockSpec((h2, din), lambda i: (0, 0)))
    ops.append(wc)

    return pl.pallas_call(
        body,
        grid=(n // bn,),
        in_specs=in_specs,
        out_specs=[pl.BlockSpec((bn, h), lambda i: (i, 0))] * 2,
        out_shape=[jax.ShapeDtypeStruct((n, h), jnp.float32)] * 2,
    )(*ops)


def _tc_poolin(f, parts, feat_p, bn=1024):
    n, h = f.shape

    def body(f_ref, p0_ref, p1_ref, o_ref):
        v = jnp.maximum(f_ref[...] + p0_ref[...] + p1_ref[...], 0.0)
        o_ref[...] = jnp.concatenate(
            [v, jnp.ones((bn, 1), jnp.float32),
             jnp.zeros((bn, feat_p - h - 1), jnp.float32)], axis=1)

    return pl.pallas_call(
        body,
        grid=(n // bn,),
        in_specs=[pl.BlockSpec((bn, h), lambda i: (i, 0))] * 3,
        out_specs=pl.BlockSpec((bn, feat_p), lambda i: (i, 0)),
        out_shape=jax.ShapeDtypeStruct((n, feat_p), jnp.float32),
    )(f, parts[0], parts[1])


def _tc_head(p0, p1, c0_w, c0_b, c2_w, c2_b, g, h):
    def body(p0_ref, p1_ref, w0_ref, b0_ref, w2_ref, b2_ref, o_ref):
        p = p0_ref[...] + p1_ref[...]
        sums = p[:g, :h]
        cnt = p[:g, h:h + 1]
        pooled = sums / jnp.maximum(cnt, 1.0)
        z = jnp.maximum(
            lax.dot_general(pooled, w0_ref[...], _DN,
                            preferred_element_type=jnp.float32,
                            precision=lax.Precision.HIGHEST) + b0_ref[...],
            0.0)
        o_ref[...] = lax.dot_general(z, w2_ref[...], _DN,
                                     preferred_element_type=jnp.float32,
                                     precision=lax.Precision.HIGHEST) + b2_ref[...]

    w2_pad = jnp.zeros((128, h), jnp.float32).at[0].set(c2_w[0])
    b2_pad = jnp.zeros((g, 128), jnp.float32).at[:, 0].set(c2_b[0])
    out = pl.pallas_call(
        body,
        out_shape=jax.ShapeDtypeStruct((g, 128), jnp.float32),
    )(p0, p1, c0_w,
      jnp.broadcast_to(c0_b.reshape(1, h), (g, h)),
      w2_pad, b2_pad)
    return out[:, :1]


def kernel(x, edge_index, batch, W1_1, W2_1, W1_2, W2_2, W1_3, W2_3,
           C0_W, C0_b, C2_W, C2_b):
    n, d = x.shape
    e = edge_index.shape[1]
    h = W1_1.shape[0]
    g = 64
    chunk = 80
    np_ = ((n + _NW * chunk - 1) // (_NW * chunk)) * (_NW * chunk)

    ep = ((e + _NW * chunk - 1) // (_NW * chunk)) * (_NW * chunk)
    n_chunks = ep // (_NW * chunk)
    src = jnp.pad(edge_index[0], (0, ep - e)).reshape(_NW, n_chunks, chunk)
    dst = jnp.pad(edge_index[1], (0, ep - e),
                  constant_values=np_ - 1).reshape(_NW, n_chunks, chunk)
    sc = _make_sc_gather_add(np_, np_, ep, h, chunk)

    x_p = jnp.pad(x, ((0, np_ - n), (0, 0)))
    wc1 = jnp.concatenate([W1_1, W2_1], axis=0)
    wc2 = jnp.concatenate([W1_2, W2_2], axis=0)
    wc3 = jnp.concatenate([W1_3, W2_3], axis=0)

    f1, y1 = _tc_fy(wc1, x_p, None)
    p1 = sc(y1, src, dst)
    f2, y2 = _tc_fy(wc2, f1, p1)
    p2 = sc(y2, src, dst)
    f3, y3 = _tc_fy(wc3, f2, p2)
    p3 = sc(y3, src, dst)

    feat_p = h + 16
    h3a = _tc_poolin(f3, p3, feat_p)
    batch_p = jnp.pad(batch, (0, np_ - n), constant_values=g)
    pc = np_ // (_NW * chunk)
    pool_src = jnp.arange(np_, dtype=jnp.int32).reshape(_NW, pc, chunk)
    pool_dst = batch_p.reshape(_NW, pc, chunk)
    n_out_p = 128
    pooled = _make_sc_gather_add(np_, n_out_p, np_, feat_p, chunk)(
        h3a, pool_src, pool_dst)

    return _tc_head(pooled[0], pooled[1], C0_W, C0_b, C2_W, C2_b, g, h)

# --- scband reference (transcript-rebuilt; emitter-appended) ---
"""Pipeline reference for scband-graph-discriminator-37177236914939 (READ-ONLY COPY).

The authoritative reference and input builder live on the scoring server;
editing this copy changes nothing except your own understanding.
"""

import jax, jax.numpy as jnp
import numpy as np

N = 10000
E = 320000
D = 128
H = 64
G = 64


def setup_inputs(seed: int = 0) -> dict:
    key = jax.random.key(seed)
    ks = jax.random.split(key, 13)
    x = jax.random.normal(ks[0], (N, D), dtype=jnp.float32)
    edge_index = jax.random.randint(ks[1], (2, E), 0, N, dtype=jnp.int32)
    batch = jnp.sort(jax.random.randint(ks[2], (N,), 0, G, dtype=jnp.int32))

    def lin(k, out_dim, in_dim):
        return jax.random.normal(k, (out_dim, in_dim), dtype=jnp.float32) * (1.0 / np.sqrt(in_dim))

    W1_1 = lin(ks[3], H, D)
    W2_1 = lin(ks[4], H, D)
    W1_2 = lin(ks[5], H, H)
    W2_2 = lin(ks[6], H, H)
    W1_3 = lin(ks[7], H, H)
    W2_3 = lin(ks[8], H, H)
    C0_W = lin(ks[9], H, H)
    C0_b = jnp.zeros((H,), dtype=jnp.float32)
    C2_W = lin(ks[10], 1, H)
    C2_b = jnp.zeros((1,), dtype=jnp.float32)
    return {
        "x": x, "edge_index": edge_index, "batch": batch,
        "W1_1": W1_1, "W2_1": W2_1,
        "W1_2": W1_2, "W2_2": W2_2,
        "W1_3": W1_3, "W2_3": W2_3,
        "C0_W": C0_W, "C0_b": C0_b,
        "C2_W": C2_W, "C2_b": C2_b,
    }


def _gnn_layer(x, W1, W2, src, dst, n_nodes):
    # f(v) = relu( x[v] @ W1^T + sum_{u in N(v)} x[u] @ W2^T )
    self_part = x @ W1.T
    msg = x[src] @ W2.T  # message: W2(x_j), x_j gathered from source nodes
    neighbor_part = jax.ops.segment_sum(msg, dst, num_segments=n_nodes)
    return jax.nn.relu(self_part + neighbor_part)


def reference(x, edge_index, batch, W1_1, W2_1, W1_2, W2_2, W1_3, W2_3, C0_W, C0_b, C2_W, C2_b):
    src = edge_index[0]
    dst = edge_index[1]
    h = _gnn_layer(x, W1_1, W2_1, src, dst, N)
    h = _gnn_layer(h, W1_2, W2_2, src, dst, N)
    h = _gnn_layer(h, W1_3, W2_3, src, dst, N)
    # global_mean_pool over `batch` graph ids
    sums = jax.ops.segment_sum(h, batch, num_segments=G)
    counts = jax.ops.segment_sum(jnp.ones((h.shape[0],), dtype=h.dtype), batch, num_segments=G)
    pooled = sums / jnp.clip(counts, 1.0, None)[:, None]
    # classifier: Linear -> ReLU -> Linear
    z = jax.nn.relu(pooled @ C0_W.T + C0_b)
    out = z @ C2_W.T + C2_b
    return out

if __name__ == "__main__":
    import jax
    _d = setup_inputs()
    print(jax.jit(kernel)(*tuple(_d.values())))

</pallas_src>

<mosaic_0001>
#map = affine_map<(d0, d1) -> (0, 0)>
#map1 = affine_map<(d0, d1) -> (0, 0, 0)>
module attributes {stable_mosaic.version = 14 : i64} {
  func.func @k(%arg0: i32, %arg1: i32, %arg2: memref<10240x64xf32, #tpu.memory_space<hbm>>, %arg3: memref<32x125x80xi32, #tpu.memory_space<hbm>>, %arg4: memref<32x125x80xi32, #tpu.memory_space<hbm>>, %arg5: memref<2x10240x64xf32, #tpu.memory_space<hbm>>, %arg6: memref<125x80xi32, #tpu.memory_space<vmem>>, %arg7: memref<125x80xi32, #tpu.memory_space<vmem>>, %arg8: memref<2x80x64xf32, #tpu.memory_space<vmem>>, %arg9: memref<128x64xf32, #tpu.memory_space<vmem>>, %arg10: memref<10240x64xf32, #tpu.memory_space<vmem_shared>>, %arg11: memref<!tpu.dma_semaphore, #tpu.memory_space<semaphore_mem>>, %arg12: memref<!tpu.dma_semaphore, #tpu.memory_space<semaphore_mem>>) attributes {dimension_semantics = [#tpu.dimension_semantics<core_parallel>, #tpu.dimension_semantics<subcore_parallel>], iteration_bounds = array<i64: 2, 16>, scalar_prefetch = 0 : i64, scratch_operands = 7 : i64, tpu.core_type = #tpu.core_type<sc_vector_subcore>, window_params = [{transform_indices = #map}, {transform_indices = #map1}, {transform_indices = #map1}, {transform_indices = #map1}]} {
    %mul3A = arith.constant 2 : i32
    %mul3A_0 = arith.muli %arg1, %mul3A : i32
    %add3A = arith.addi %mul3A_0, %arg0 : i32
    "tpu.region"() ({
      %run_scoped3A_62 = tpu.sem_alloc : memref<!tpu.dma_semaphore, #tpu.memory_space<semaphore_mem>>
      %dma_start3A_63 = arith.constant 0 : i32
      %dma_start3A_64 = arith.constant 0 : i32
      %dma_start3A_65 = tpu.memref_slice %arg3[%add3A, %dma_start3A_63, %dma_start3A_64] : memref<32x125x80xi32, #tpu.memory_space<hbm>> -> memref<1x125x80xi32, #tpu.memory_space<hbm>>
      %dma_start3A_66 = tpu.memref_squeeze %dma_start3A_65 : memref<1x125x80xi32, #tpu.memory_space<hbm>> -> memref<125x80xi32, #tpu.memory_space<hbm>>
      %dma_start3A_67 = arith.constant 0 : i32
      %dma_start3A_68 = arith.constant 0 : i32
      %dma_start3A_69 = tpu.memref_slice %arg3[%add3A, %dma_start3A_67, %dma_start3A_68] : memref<32x125x80xi32, #tpu.memory_space<hbm>> -> memref<1x125x80xi32, #tpu.memory_space<hbm>>
      %dma_start3A_70 = tpu.memref_squeeze %dma_start3A_69 : memref<1x125x80xi32, #tpu.memory_space<hbm>> -> memref<125x80xi32, #tpu.memory_space<hbm>>
      tpu.enqueue_dma source(%dma_start3A_70 : memref<125x80xi32, #tpu.memory_space<hbm>>) target(%arg6 : memref<125x80xi32, #tpu.memory_space<vmem>>) target_semaphore(%run_scoped3A_62 : memref<!tpu.dma_semaphore, #tpu.memory_space<semaphore_mem>>)
      %dma_wait3A_71 = arith.constant 0 : i32
      %dma_wait3A_72 = arith.constant 0 : i32
      %dma_wait3A_73 = tpu.memref_slice %arg3[%add3A, %dma_wait3A_71, %dma_wait3A_72] : memref<32x125x80xi32, #tpu.memory_space<hbm>> -> memref<1x125x80xi32, #tpu.memory_space<hbm>>
      %dma_wait3A_74 = tpu.memref_squeeze %dma_wait3A_73 : memref<1x125x80xi32, #tpu.memory_space<hbm>> -> memref<125x80xi32, #tpu.memory_space<hbm>>
      %dma_wait3A_75 = arith.constant 0 : i32
      %dma_wait3A_76 = arith.constant 0 : i32
      %dma_wait3A_77 = tpu.memref_slice %arg3[%add3A, %dma_wait3A_75, %dma_wait3A_76] : memref<32x125x80xi32, #tpu.memory_space<hbm>> -> memref<1x125x80xi32, #tpu.memory_space<hbm>>
      %dma_wait3A_78 = tpu.memref_squeeze %dma_wait3A_77 : memref<1x125x80xi32, #tpu.memory_space<hbm>> -> memref<125x80xi32, #tpu.memory_space<hbm>>
      tpu.wait_dma2 semaphore(%run_scoped3A_62 : memref<!tpu.dma_semaphore, #tpu.memory_space<semaphore_mem>>) src(%dma_wait3A_78 : memref<125x80xi32, #tpu.memory_space<hbm>>) dst(%arg6 : memref<125x80xi32, #tpu.memory_space<vmem>>)
      tpu.yield
    }) : () -> ()
    "tpu.region"() ({
      %run_scoped3A_62 = tpu.sem_alloc : memref<!tpu.dma_semaphore, #tpu.memory_space<semaphore_mem>>
      %dma_start3A_63 = arith.constant 0 : i32
      %dma_start3A_64 = arith.constant 0 : i32
      %dma_start3A_65 = tpu.memref_slice %arg4[%add3A, %dma_start3A_63, %dma_start3A_64] : memref<32x125x80xi32, #tpu.memory_space<hbm>> -> memref<1x125x80xi32, #tpu.memory_space<hbm>>
      %dma_start3A_66 = tpu.memref_squeeze %dma_start3A_65 : memref<1x125x80xi32, #tpu.memory_space<hbm>> -> memref<125x80xi32, #tpu.memory_space<hbm>>
      %dma_start3A_67 = arith.constant 0 : i32
      %dma_start3A_68 = arith.constant 0 : i32
      %dma_start3A_69 = tpu.memref_slice %arg4[%add3A, %dma_start3A_67, %dma_start3A_68] : memref<32x125x80xi32, #tpu.memory_space<hbm>> -> memref<1x125x80xi32, #tpu.memory_space<hbm>>
      %dma_start3A_70 = tpu.memref_squeeze %dma_start3A_69 : memref<1x125x80xi32, #tpu.memory_space<hbm>> -> memref<125x80xi32, #tpu.memory_space<hbm>>
      tpu.enqueue_dma source(%dma_start3A_70 : memref<125x80xi32, #tpu.memory_space<hbm>>) target(%arg7 : memref<125x80xi32, #tpu.memory_space<vmem>>) target_semaphore(%run_scoped3A_62 : memref<!tpu.dma_semaphore, #tpu.memory_space<semaphore_mem>>)
      %dma_wait3A_71 = arith.constant 0 : i32
      %dma_wait3A_72 = arith.constant 0 : i32
      %dma_wait3A_73 = tpu.memref_slice %arg4[%add3A, %dma_wait3A_71, %dma_wait3A_72] : memref<32x125x80xi32, #tpu.memory_space<hbm>> -> memref<1x125x80xi32, #tpu.memory_space<hbm>>
      %dma_wait3A_74 = tpu.memref_squeeze %dma_wait3A_73 : memref<1x125x80xi32, #tpu.memory_space<hbm>> -> memref<125x80xi32, #tpu.memory_space<hbm>>
      %dma_wait3A_75 = arith.constant 0 : i32
      %dma_wait3A_76 = arith.constant 0 : i32
      %dma_wait3A_77 = tpu.memref_slice %arg4[%add3A, %dma_wait3A_75, %dma_wait3A_76] : memref<32x125x80xi32, #tpu.memory_space<hbm>> -> memref<1x125x80xi32, #tpu.memory_space<hbm>>
      %dma_wait3A_78 = tpu.memref_squeeze %dma_wait3A_77 : memref<1x125x80xi32, #tpu.memory_space<hbm>> -> memref<125x80xi32, #tpu.memory_space<hbm>>
      tpu.wait_dma2 semaphore(%run_scoped3A_62 : memref<!tpu.dma_semaphore, #tpu.memory_space<semaphore_mem>>) src(%dma_wait3A_78 : memref<125x80xi32, #tpu.memory_space<hbm>>) dst(%arg7 : memref<125x80xi32, #tpu.memory_space<vmem>>)
      tpu.yield
    }) : () -> ()
    %dma_start3A = arith.constant 0 : i32
    %dma_start3A_1 = arith.constant 0 : i32
    %dma_start3A_2 = arith.constant 0 : i32
    %dma_start3A_3 = arith.constant 0 : i32
    %dma_start3A_4 = tpu.memref_slice %arg8[%dma_start3A_1, %dma_start3A_2, %dma_start3A_3] : memref<2x80x64xf32, #tpu.memory_space<vmem>> -> memref<1x80x64xf32, #tpu.memory_space<vmem>>
    %dma_start3A_5 = tpu.memref_squeeze %dma_start3A_4 : memref<1x80x64xf32, #tpu.memory_space<vmem>> -> memref<80x64xf32, #tpu.memory_space<vmem>>
    %dma_start3A_6 = arith.constant 0 : i32
    %dma_start3A_7 = tpu.memref_slice %arg6[%dma_start3A, %dma_start3A_6] : memref<125x80xi32, #tpu.memory_space<vmem>> -> memref<1x80xi32, #tpu.memory_space<vmem>>
    %dma_start3A_8 = tpu.memref_squeeze %dma_start3A_7 : memref<1x80xi32, #tpu.memory_space<vmem>> -> memref<80xi32, #tpu.memory_space<vmem>>
    %dma_start3A_9 = arith.constant 0 : i32
    %dma_start3A_10 = arith.constant 0 : i32
    %dma_start3A_11 = tpu.memref_slice %arg2[%dma_start3A_9, %dma_start3A_10] : memref<10240x64xf32, #tpu.memory_space<hbm>> -> memref<10240x64xf32, #tpu.memory_space<hbm>>
    tpu.enqueue_indirect_dma source(%dma_start3A_11 : memref<10240x64xf32, #tpu.memory_space<hbm>>) target(%dma_start3A_5 : memref<80x64xf32, #tpu.memory_space<vmem>>) offsets(%dma_start3A_8 : memref<80xi32, #tpu.memory_space<vmem>>) semaphore(%arg11 : memref<!tpu.dma_semaphore, #tpu.memory_space<semaphore_mem>>)
    %scan3A = arith.constant 0 : i32
    %scan3A_12 = arith.constant 0 : i32
    %scan3A_13 = arith.constant 128 : i32
    %scan3A_14 = arith.addi %scan3A_12, %scan3A_13 : i32
    %scan3A_15 = arith.constant 1 : i32
    %scan3A_16 = scf.for %scan3A_62 = %scan3A_12 to %scan3A_14 step %scan3A_15 iter_args(%scan3A_63 = %scan3A) -> (i32)  : i32 {
      %broadcast_in_dim3A = arith.constant 0.000000e+00 : f32
      %broadcast_in_dim3A_64 = vector.broadcast %broadcast_in_dim3A : f32 to vector<16xf32>
      %swap3A = arith.index_cast %scan3A_62 : i32 to index
      %swap3A_65 = arith.constant 0 : index
      %swap3A_66 = tpu.vector_load %arg9[%swap3A, %swap3A_65] {strides = array<i32>} : memref<128x64xf32, #tpu.memory_space<vmem>>, vector<1x16xf32>,
      %swap3A_67 = vector.shape_cast %swap3A_66 : vector<1x16xf32> to vector<16xf32>
      %swap3A_68 = vector.shape_cast %broadcast_in_dim3A_64 : vector<16xf32> to vector<1x16xf32>
      tpu.vector_store %arg9[%swap3A, %swap3A_65], %swap3A_68 {strides = array<i32>} : memref<128x64xf32, #tpu.memory_space<vmem>>, vector<1x16xf32>,
      %broadcast_in_dim3A_69 = arith.constant 0.000000e+00 : f32
      %broadcast_in_dim3A_70 = vector.broadcast %broadcast_in_dim3A_69 : f32 to vector<16xf32>
      %swap3A_71 = arith.index_cast %scan3A_62 : i32 to index
      %swap3A_72 = arith.constant 16 : index
      %swap3A_73 = tpu.vector_load %arg9[%swap3A_71, %swap3A_72] {strides = array<i32>} : memref<128x64xf32, #tpu.memory_space<vmem>>, vector<1x16xf32>,
      %swap3A_74 = vector.shape_cast %swap3A_73 : vector<1x16xf32> to vector<16xf32>
      %swap3A_75 = vector.shape_cast %broadcast_in_dim3A_70 : vector<16xf32> to vector<1x16xf32>
      tpu.vector_store %arg9[%swap3A_71, %swap3A_72], %swap3A_75 {strides = array<i32>} : memref<128x64xf32, #tpu.memory_space<vmem>>, vector<1x16xf32>,
      %broadcast_in_dim3A_76 = arith.constant 0.000000e+00 : f32
      %broadcast_in_dim3A_77 = vector.broadcast %broadcast_in_dim3A_76 : f32 to vector<16xf32>
      %swap3A_78 = arith.index_cast %scan3A_62 : i32 to index
      %swap3A_79 = arith.constant 32 : index
      %swap3A_80 = tpu.vector_load %arg9[%swap3A_78, %swap3A_79] {strides = array<i32>} : memref<128x64xf32, #tpu.memory_space<vmem>>, vector<1x16xf32>,
      %swap3A_81 = vector.shape_cast %swap3A_80 : vector<1x16xf32> to vector<16xf32>
      %swap3A_82 = vector.shape_cast %broadcast_in_dim3A_77 : vector<16xf32> to vector<1x16xf32>
      tpu.vector_store %arg9[%swap3A_78, %swap3A_79], %swap3A_82 {strides = array<i32>} : memref<128x64xf32, #tpu.memory_space<vmem>>, vector<1x16xf32>,
      %broadcast_in_dim3A_83 = arith.constant 0.000000e+00 : f32
      %broadcast_in_dim3A_84 = vector.broadcast %broadcast_in_dim3A_83 : f32 to vector<16xf32>
      %swap3A_85 = arith.index_cast %scan3A_62 : i32 to index
      %swap3A_86 = arith.constant 48 : index
      %swap3A_87 = tpu.vector_load %arg9[%swap3A_85, %swap3A_86] {strides = array<i32>} : memref<128x64xf32, #tpu.memory_space<vmem>>, vector<1x16xf32>,
      %swap3A_88 = vector.shape_cast %swap3A_87 : vector<1x16xf32> to vector<16xf32>
      %swap3A_89 = vector.shape_cast %broadcast_in_dim3A_84 : vector<16xf32> to vector<1x16xf32>
      tpu.vector_store %arg9[%swap3A_85, %swap3A_86], %swap3A_89 {strides = array<i32>} : memref<128x64xf32, #tpu.memory_space<vmem>>, vector<1x16xf32>,
      %scan3A_90 = arith.constant 0 : i32
      scf.yield %scan3A_90 : i32
    }
    %scan3A_17 = arith.constant 128 : i32
    %mul3A_18 = arith.constant 640 : i32
    %mul3A_19 = arith.muli %arg1, %mul3A_18 : i32
    %add3A_20 = arith.constant 0 : i32
    %add3A_21 = arith.addi %mul3A_19, %add3A_20 : i32
    "tpu.region"() ({
      %run_scoped3A_62 = tpu.sem_alloc : memref<!tpu.dma_semaphore, #tpu.memory_space<semaphore_mem>>
      %dma_start3A_63 = arith.constant 0 : i32
      %dma_start3A_64 = tpu.memref_slice %arg10[%add3A_21, %dma_start3A_63] : memref<10240x64xf32, #tpu.memory_space<vmem_shared>> -> memref<128x64xf32, #tpu.memory_space<vmem_shared>>
      %dma_start3A_65 = arith.constant 0 : i32
      %dma_start3A_66 = tpu.memref_slice %arg10[%add3A_21, %dma_start3A_65] : memref<10240x64xf32, #tpu.memory_space<vmem_shared>> -> memref<128x64xf32, #tpu.memory_space<vmem_shared>>
      tpu.enqueue_dma source(%arg9 : memref<128x64xf32, #tpu.memory_space<vmem>>) target(%dma_start3A_66 : memref<128x64xf32, #tpu.memory_space<vmem_shared>>) target_semaphore(%run_scoped3A_62 : memref<!tpu.dma_semaphore, #tpu.memory_space<semaphore_mem>>)
      %dma_wait3A_67 = arith.constant 0 : i32
      %dma_wait3A_68 = tpu.memref_slice %arg10[%add3A_21, %dma_wait3A_67] : memref<10240x64xf32, #tpu.memory_space<vmem_shared>> -> memref<128x64xf32, #tpu.memory_space<vmem_shared>>
      %dma_wait3A_69 = arith.constant 0 : i32
      %dma_wait3A_70 = tpu.memref_slice %arg10[%add3A_21, %dma_wait3A_69] : memref<10240x64xf32, #tpu.memory_space<vmem_shared>> -> memref<128x64xf32, #tpu.memory_space<vmem_shared>>
      tpu.wait_dma2 semaphore(%run_scoped3A_62 : memref<!tpu.dma_semaphore, #tpu.memory_space<semaphore_mem>>) src(%arg9 : memref<128x64xf32, #tpu.memory_space<vmem>>) dst(%dma_wait3A_70 : memref<128x64xf32, #tpu.memory_space<vmem_shared>>)
      tpu.yield
    }) : () -> ()
    %mul3A_22 = arith.constant 640 : i32
    %mul3A_23 = arith.muli %arg1, %mul3A_22 : i32
    %add3A_24 = arith.constant 128 : i32
    %add3A_25 = arith.addi %mul3A_23, %add3A_24 : i32
    "tpu.region"() ({
      %run_scoped3A_62 = tpu.sem_alloc : memref<!tpu.dma_semaphore, #tpu.memory_space<semaphore_mem>>
      %dma_start3A_63 = arith.constant 0 : i32
      %dma_start3A_64 = tpu.memref_slice %arg10[%add3A_25, %dma_start3A_63] : memref<10240x64xf32, #tpu.memory_space<vmem_shared>> -> memref<128x64xf32, #tpu.memory_space<vmem_shared>>
      %dma_start3A_65 = arith.constant 0 : i32
      %dma_start3A_66 = tpu.memref_slice %arg10[%add3A_25, %dma_start3A_65] : memref<10240x64xf32, #tpu.memory_space<vmem_shared>> -> memref<128x64xf32, #tpu.memory_space<vmem_shared>>
      tpu.enqueue_dma source(%arg9 : memref<128x64xf32, #tpu.memory_space<vmem>>) target(%dma_start3A_66 : memref<128x64xf32, #tpu.memory_space<vmem_shared>>) target_semaphore(%run_scoped3A_62 : memref<!tpu.dma_semaphore, #tpu.memory_space<semaphore_mem>>)
      %dma_wait3A_67 = arith.constant 0 : i32
      %dma_wait3A_68 = tpu.memref_slice %arg10[%add3A_25, %dma_wait3A_67] : memref<10240x64xf32, #tpu.memory_space<vmem_shared>> -> memref<128x64xf32, #tpu.memory_space<vmem_shared>>
      %dma_wait3A_69 = arith.constant 0 : i32
      %dma_wait3A_70 = tpu.memref_slice %arg10[%add3A_25, %dma_wait3A_69] : memref<10240x64xf32, #tpu.memory_space<vmem_shared>> -> memref<128x64xf32, #tpu.memory_space<vmem_shared>>
      tpu.wait_dma2 semaphore(%run_scoped3A_62 : memref<!tpu.dma_semaphore, #tpu.memory_space<semaphore_mem>>) src(%arg9 : memref<128x64xf32, #tpu.memory_space<vmem>>) dst(%dma_wait3A_70 : memref<128x64xf32, #tpu.memory_space<vmem_shared>>)
      tpu.yield
    }) : () -> ()
    %mul3A_26 = arith.constant 640 : i32
    %mul3A_27 = arith.muli %arg1, %mul3A_26 : i32
    %add3A_28 = arith.constant 256 : i32
    %add3A_29 = arith.addi %mul3A_27, %add3A_28 : i32
    "tpu.region"() ({
      %run_scoped3A_62 = tpu.sem_alloc : memref<!tpu.dma_semaphore, #tpu.memory_space<semaphore_mem>>
      %dma_start3A_63 = arith.constant 0 : i32
      %dma_start3A_64 = tpu.memref_slice %arg10[%add3A_29, %dma_start3A_63] : memref<10240x64xf32, #tpu.memory_space<vmem_shared>> -> memref<128x64xf32, #tpu.memory_space<vmem_shared>>
      %dma_start3A_65 = arith.constant 0 : i32
      %dma_start3A_66 = tpu.memref_slice %arg10[%add3A_29, %dma_start3A_65] : memref<10240x64xf32, #tpu.memory_space<vmem_shared>> -> memref<128x64xf32, #tpu.memory_space<vmem_shared>>
      tpu.enqueue_dma source(%arg9 : memref<128x64xf32, #tpu.memory_space<vmem>>) target(%dma_start3A_66 : memref<128x64xf32, #tpu.memory_space<vmem_shared>>) target_semaphore(%run_scoped3A_62 : memref<!tpu.dma_semaphore, #tpu.memory_space<semaphore_mem>>)
      %dma_wait3A_67 = arith.constant 0 : i32
      %dma_wait3A_68 = tpu.memref_slice %arg10[%add3A_29, %dma_wait3A_67] : memref<10240x64xf32, #tpu.memory_space<vmem_shared>> -> memref<128x64xf32, #tpu.memory_space<vmem_shared>>
      %dma_wait3A_69 = arith.constant 0 : i32
      %dma_wait3A_70 = tpu.memref_slice %arg10[%add3A_29, %dma_wait3A_69] : memref<10240x64xf32, #tpu.memory_space<vmem_shared>> -> memref<128x64xf32, #tpu.memory_space<vmem_shared>>
      tpu.wait_dma2 semaphore(%run_scoped3A_62 : memref<!tpu.dma_semaphore, #tpu.memory_space<semaphore_mem>>) src(%arg9 : memref<128x64xf32, #tpu.memory_space<vmem>>) dst(%dma_wait3A_70 : memref<128x64xf32, #tpu.memory_space<vmem_shared>>)
      tpu.yield
    }) : () -> ()
    %mul3A_30 = arith.constant 640 : i32
    %mul3A_31 = arith.muli %arg1, %mul3A_30 : i32
    %add3A_32 = arith.constant 384 : i32
    %add3A_33 = arith.addi %mul3A_31, %add3A_32 : i32
    "tpu.region"() ({
      %run_scoped3A_62 = tpu.sem_alloc : memref<!tpu.dma_semaphore, #tpu.memory_space<semaphore_mem>>
      %dma_start3A_63 = arith.constant 0 : i32
      %dma_start3A_64 = tpu.memref_slice %arg10[%add3A_33, %dma_start3A_63] : memref<10240x64xf32, #tpu.memory_space<vmem_shared>> -> memref<128x64xf32, #tpu.memory_space<vmem_shared>>
      %dma_start3A_65 = arith.constant 0 : i32
      %dma_start3A_66 = tpu.memref_slice %arg10[%add3A_33, %dma_start3A_65] : memref<10240x64xf32, #tpu.memory_space<vmem_shared>> -> memref<128x64xf32, #tpu.memory_space<vmem_shared>>
      tpu.enqueue_dma source(%arg9 : memref<128x64xf32, #tpu.memory_space<vmem>>) target(%dma_start3A_66 : memref<128x64xf32, #tpu.memory_space<vmem_shared>>) target_semaphore(%run_scoped3A_62 : memref<!tpu.dma_semaphore, #tpu.memory_space<semaphore_mem>>)
      %dma_wait3A_67 = arith.constant 0 : i32
      %dma_wait3A_68 = tpu.memref_slice %arg10[%add3A_33, %dma_wait3A_67] : memref<10240x64xf32, #tpu.memory_space<vmem_shared>> -> memref<128x64xf32, #tpu.memory_space<vmem_shared>>
      %dma_wait3A_69 = arith.constant 0 : i32
      %dma_wait3A_70 = tpu.memref_slice %arg10[%add3A_33, %dma_wait3A_69] : memref<10240x64xf32, #tpu.memory_space<vmem_shared>> -> memref<128x64xf32, #tpu.memory_space<vmem_shared>>
      tpu.wait_dma2 semaphore(%run_scoped3A_62 : memref<!tpu.dma_semaphore, #tpu.memory_space<semaphore_mem>>) src(%arg9 : memref<128x64xf32, #tpu.memory_space<vmem>>) dst(%dma_wait3A_70 : memref<128x64xf32, #tpu.memory_space<vmem_shared>>)
      tpu.yield
    }) : () -> ()
    %mul3A_34 = arith.constant 640 : i32
    %mul3A_35 = arith.muli %arg1, %mul3A_34 : i32
    %add3A_36 = arith.constant 512 : i32
    %add3A_37 = arith.addi %mul3A_35, %add3A_36 : i32
    "tpu.region"() ({
      %run_scoped3A_62 = tpu.sem_alloc : memref<!tpu.dma_semaphore, #tpu.memory_space<semaphore_mem>>
      %dma_start3A_63 = arith.constant 0 : i32
      %dma_start3A_64 = tpu.memref_slice %arg10[%add3A_37, %dma_start3A_63] : memref<10240x64xf32, #tpu.memory_space<vmem_shared>> -> memref<128x64xf32, #tpu.memory_space<vmem_shared>>
      %dma_start3A_65 = arith.constant 0 : i32
      %dma_start3A_66 = tpu.memref_slice %arg10[%add3A_37, %dma_start3A_65] : memref<10240x64xf32, #tpu.memory_space<vmem_shared>> -> memref<128x64xf32, #tpu.memory_space<vmem_shared>>
      tpu.enqueue_dma source(%arg9 : memref<128x64xf32, #tpu.memory_space<vmem>>) target(%dma_start3A_66 : memref<128x64xf32, #tpu.memory_space<vmem_shared>>) target_semaphore(%run_scoped3A_62 : memref<!tpu.dma_semaphore, #tpu.memory_space<semaphore_mem>>)
      %dma_wait3A_67 = arith.constant 0 : i32
      %dma_wait3A_68 = tpu.memref_slice %arg10[%add3A_37, %dma_wait3A_67] : memref<10240x64xf32, #tpu.memory_space<vmem_shared>> -> memref<128x64xf32, #tpu.memory_space<vmem_shared>>
      %dma_wait3A_69 = arith.constant 0 : i32
      %dma_wait3A_70 = tpu.memref_slice %arg10[%add3A_37, %dma_wait3A_69] : memref<10240x64xf32, #tpu.memory_space<vmem_shared>> -> memref<128x64xf32, #tpu.memory_space<vmem_shared>>
      tpu.wait_dma2 semaphore(%run_scoped3A_62 : memref<!tpu.dma_semaphore, #tpu.memory_space<semaphore_mem>>) src(%arg9 : memref<128x64xf32, #tpu.memory_space<vmem>>) dst(%dma_wait3A_70 : memref<128x64xf32, #tpu.memory_space<vmem_shared>>)
      tpu.yield
    }) : () -> ()
    %barrier3A = arith.constant 0 : index
    tpu.barrier barrier_id(%barrier3A)
    %scan3A_38 = arith.constant 0 : i32
    %scan3A_39 = arith.constant 0 : i32
    %scan3A_40 = arith.constant 62 : i32
    %scan3A_41 = arith.addi %scan3A_39, %scan3A_40 : i32
    %scan3A_42 = arith.constant 1 : i32
    %scan3A_43 = scf.for %scan3A_62 = %scan3A_39 to %scan3A_41 step %scan3A_42 iter_args(%scan3A_63 = %scan3A_38) -> (i32)  : i32 {
      %mul3A_64 = arith.constant 2 : i32
      %mul3A_65 = arith.muli %scan3A_62, %mul3A_64 : i32
      %add3A_66 = arith.constant 1 : i32
      %add3A_67 = arith.addi %mul3A_65, %add3A_66 : i32
      %dma_start3A_68 = arith.constant 1 : i32
      %dma_start3A_69 = arith.constant 0 : i32
      %dma_start3A_70 = arith.constant 0 : i32
      %dma_start3A_71 = tpu.memref_slice %arg8[%dma_start3A_68, %dma_start3A_69, %dma_start3A_70] : memref<2x80x64xf32, #tpu.memory_space<vmem>> -> memref<1x80x64xf32, #tpu.memory_space<vmem>>
      %dma_start3A_72 = tpu.memref_squeeze %dma_start3A_71 : memref<1x80x64xf32, #tpu.memory_space<vmem>> -> memref<80x64xf32, #tpu.memory_space<vmem>>
      %dma_start3A_73 = arith.constant 0 : i32
      %dma_start3A_74 = tpu.memref_slice %arg6[%add3A_67, %dma_start3A_73] : memref<125x80xi32, #tpu.memory_space<vmem>> -> memref<1x80xi32, #tpu.memory_space<vmem>>
      %dma_start3A_75 = tpu.memref_squeeze %dma_start3A_74 : memref<1x80xi32, #tpu.memory_space<vmem>> -> memref<80xi32, #tpu.memory_space<vmem>>
      %dma_start3A_76 = arith.constant 0 : i32
      %dma_start3A_77 = arith.constant 0 : i32
      %dma_start3A_78 = tpu.memref_slice %arg2[%dma_start3A_76, %dma_start3A_77] : memref<10240x64xf32, #tpu.memory_space<hbm>> -> memref<10240x64xf32, #tpu.memory_space<hbm>>
      tpu.enqueue_indirect_dma source(%dma_start3A_78 : memref<10240x64xf32, #tpu.memory_space<hbm>>) target(%dma_start3A_72 : memref<80x64xf32, #tpu.memory_space<vmem>>) offsets(%dma_start3A_75 : memref<80xi32, #tpu.memory_space<vmem>>) semaphore(%arg12 : memref<!tpu.dma_semaphore, #tpu.memory_space<semaphore_mem>>)
      %dma_wait3A_79 = arith.constant 0 : i32
      %dma_wait3A_80 = arith.constant 0 : i32
      %dma_wait3A_81 = arith.constant 0 : i32
      %dma_wait3A_82 = tpu.memref_slice %arg8[%dma_wait3A_79, %dma_wait3A_80, %dma_wait3A_81] : memref<2x80x64xf32, #tpu.memory_space<vmem>> -> memref<1x80x64xf32, #tpu.memory_space<vmem>>
      %dma_wait3A_83 = tpu.memref_squeeze %dma_wait3A_82 : memref<1x80x64xf32, #tpu.memory_space<vmem>> -> memref<80x64xf32, #tpu.memory_space<vmem>>
      %dma_wait3A_84 = arith.constant 0 : i32
      %dma_wait3A_85 = tpu.memref_slice %arg6[%mul3A_65, %dma_wait3A_84] : memref<125x80xi32, #tpu.memory_space<vmem>> -> memref<1x80xi32, #tpu.memory_space<vmem>>
      %dma_wait3A_86 = tpu.memref_squeeze %dma_wait3A_85 : memref<1x80xi32, #tpu.memory_space<vmem>> -> memref<80xi32, #tpu.memory_space<vmem>>
      %dma_wait3A_87 = arith.constant 0 : i32
      %dma_wait3A_88 = arith.constant 0 : i32
      %dma_wait3A_89 = tpu.memref_slice %arg2[%dma_wait3A_87, %dma_wait3A_88] : memref<10240x64xf32, #tpu.memory_space<hbm>> -> memref<10240x64xf32, #tpu.memory_space<hbm>>
      tpu.wait_indirect_dma semaphore(%arg11 : memref<!tpu.dma_semaphore, #tpu.memory_space<semaphore_mem>>) src(%dma_wait3A_89 : memref<10240x64xf32, #tpu.memory_space<hbm>>) dst(%dma_wait3A_83 : memref<80x64xf32, #tpu.memory_space<vmem>>)
      %run_scoped3A_90 = arith.constant 0 : i32
      "tpu.region"() ({
        %run_scoped3A_122 = tpu.sem_alloc : memref<!tpu.dma_semaphore, #tpu.memory_space<semaphore_mem>>
        %dma_start3A_123 = arith.constant 0 : i32
        %dma_start3A_124 = arith.constant 0 : i32
        %dma_start3A_125 = tpu.memref_slice %arg8[%run_scoped3A_90, %dma_start3A_123, %dma_start3A_124] : memref<2x80x64xf32, #tpu.memory_space<vmem>> -> memref<1x80x64xf32, #tpu.memory_space<vmem>>
        %dma_start3A_126 = tpu.memref_squeeze %dma_start3A_125 : memref<1x80x64xf32, #tpu.memory_space<vmem>> -> memref<80x64xf32, #tpu.memory_space<vmem>>
        %dma_start3A_127 = arith.constant 0 : i32
        %dma_start3A_128 = tpu.memref_slice %arg7[%mul3A_65, %dma_start3A_127] : memref<125x80xi32, #tpu.memory_space<vmem>> -> memref<1x80xi32, #tpu.memory_space<vmem>>
        %dma_start3A_129 = tpu.memref_squeeze %dma_start3A_128 : memref<1x80xi32, #tpu.memory_space<vmem>> -> memref<80xi32, #tpu.memory_space<vmem>>
        %dma_start3A_130 = arith.constant 0 : i32
        %dma_start3A_131 = arith.constant 0 : i32
        %dma_start3A_132 = tpu.memref_slice %arg10[%dma_start3A_130, %dma_start3A_131] : memref<10240x64xf32, #tpu.memory_space<vmem_shared>> -> memref<10240x64xf32, #tpu.memory_space<vmem_shared>>
        tpu.enqueue_indirect_dma source(%dma_start3A_126 : memref<80x64xf32, #tpu.memory_space<vmem>>) target(%dma_start3A_132 : memref<10240x64xf32, #tpu.memory_space<vmem_shared>>) offsets(%dma_start3A_129 : memref<80xi32, #tpu.memory_space<vmem>>) semaphore(%run_scoped3A_122 : memref<!tpu.dma_semaphore, #tpu.memory_space<semaphore_mem>>) {add = true}
        %dma_wait3A_133 = arith.constant 0 : i32
        %dma_wait3A_134 = arith.constant 0 : i32
        %dma_wait3A_135 = tpu.memref_slice %arg8[%run_scoped3A_90, %dma_wait3A_133, %dma_wait3A_134] : memref<2x80x64xf32, #tpu.memory_space<vmem>> -> memref<1x80x64xf32, #tpu.memory_space<vmem>>
        %dma_wait3A_136 = tpu.memref_squeeze %dma_wait3A_135 : memref<1x80x64xf32, #tpu.memory_space<vmem>> -> memref<80x64xf32, #tpu.memory_space<vmem>>
        %dma_wait3A_137 = arith.constant 0 : i32
        %dma_wait3A_138 = tpu.memref_slice %arg7[%mul3A_65, %dma_wait3A_137] : memref<125x80xi32, #tpu.memory_space<vmem>> -> memref<1x80xi32, #tpu.memory_space<vmem>>
        %dma_wait3A_139 = tpu.memref_squeeze %dma_wait3A_138 : memref<1x80xi32, #tpu.memory_space<vmem>> -> memref<80xi32, #tpu.memory_space<vmem>>
        %dma_wait3A_140 = arith.constant 0 : i32
        %dma_wait3A_141 = arith.constant 0 : i32
        %dma_wait3A_142 = tpu.memref_slice %arg10[%dma_wait3A_140, %dma_wait3A_141] : memref<10240x64xf32, #tpu.memory_space<vmem_shared>> -> memref<10240x64xf32, #tpu.memory_space<vmem_shared>>
        tpu.wait_indirect_dma semaphore(%run_scoped3A_122 : memref<!tpu.dma_semaphore, #tpu.memory_space<semaphore_mem>>) src(%dma_wait3A_136 : memref<80x64xf32, #tpu.memory_space<vmem>>) dst(%dma_wait3A_142 : memref<10240x64xf32, #tpu.memory_space<vmem_shared>>)
        tpu.yield
      }) : () -> ()
      %add3A_91 = arith.constant 2 : i32
      %add3A_92 = arith.addi %mul3A_65, %add3A_91 : i32
      %min3A = arith.constant 124 : i32
      %min3A_93 = arith.minsi %add3A_92, %min3A : i32
      %dma_start3A_94 = arith.constant 0 : i32
      %dma_start3A_95 = arith.constant 0 : i32
      %dma_start3A_96 = arith.constant 0 : i32
      %dma_start3A_97 = tpu.memref_slice %arg8[%dma_start3A_94, %dma_start3A_95, %dma_start3A_96] : memref<2x80x64xf32, #tpu.memory_space<vmem>> -> memref<1x80x64xf32, #tpu.memory_space<vmem>>
      %dma_start3A_98 = tpu.memref_squeeze %dma_start3A_97 : memref<1x80x64xf32, #tpu.memory_space<vmem>> -> memref<80x64xf32, #tpu.memory_space<vmem>>
      %dma_start3A_99 = arith.constant 0 : i32
      %dma_start3A_100 = tpu.memref_slice %arg6[%min3A_93, %dma_start3A_99] : memref<125x80xi32, #tpu.memory_space<vmem>> -> memref<1x80xi32, #tpu.memory_space<vmem>>
      %dma_start3A_101 = tpu.memref_squeeze %dma_start3A_100 : memref<1x80xi32, #tpu.memory_space<vmem>> -> memref<80xi32, #tpu.memory_space<vmem>>
      %dma_start3A_102 = arith.constant 0 : i32
      %dma_start3A_103 = arith.constant 0 : i32
      %dma_start3A_104 = tpu.memref_slice %arg2[%dma_start3A_102, %dma_start3A_103] : memref<10240x64xf32, #tpu.memory_space<hbm>> -> memref<10240x64xf32, #tpu.memory_space<hbm>>
      tpu.enqueue_indirect_dma source(%dma_start3A_104 : memref<10240x64xf32, #tpu.memory_space<hbm>>) target(%dma_start3A_98 : memref<80x64xf32, #tpu.memory_space<vmem>>) offsets(%dma_start3A_101 : memref<80xi32, #tpu.memory_space<vmem>>) semaphore(%arg11 : memref<!tpu.dma_semaphore, #tpu.memory_space<semaphore_mem>>)
      %add3A_105 = arith.constant 1 : i32
      %add3A_106 = arith.addi %mul3A_65, %add3A_105 : i32
      %dma_wait3A_107 = arith.constant 1 : i32
      %dma_wait3A_108 = arith.constant 0 : i32
      %dma_wait3A_109 = arith.constant 0 : i32
      %dma_wait3A_110 = tpu.memref_slice %arg8[%dma_wait3A_107, %dma_wait3A_108, %dma_wait3A_109] : memref<2x80x64xf32, #tpu.memory_space<vmem>> -> memref<1x80x64xf32, #tpu.memory_space<vmem>>
      %dma_wait3A_111 = tpu.memref_squeeze %dma_wait3A_110 : memref<1x80x64xf32, #tpu.memory_space<vmem>> -> memref<80x64xf32, #tpu.memory_space<vmem>>
      %dma_wait3A_112 = arith.constant 0 : i32
      %dma_wait3A_113 = tpu.memref_slice %arg6[%add3A_106, %dma_wait3A_112] : memref<125x80xi32, #tpu.memory_space<vmem>> -> memref<1x80xi32, #tpu.memory_space<vmem>>
      %dma_wait3A_114 = tpu.memref_squeeze %dma_wait3A_113 : memref<1x80xi32, #tpu.memory_space<vmem>> -> memref<80xi32, #tpu.memory_space<vmem>>
      %dma_wait3A_115 = arith.constant 0 : i32
      %dma_wait3A_116 = arith.constant 0 : i32
      %dma_wait3A_117 = tpu.memref_slice %arg2[%dma_wait3A_115, %dma_wait3A_116] : memref<10240x64xf32, #tpu.memory_space<hbm>> -> memref<10240x64xf32, #tpu.memory_space<hbm>>
      tpu.wait_indirect_dma semaphore(%arg12 : memref<!tpu.dma_semaphore, #tpu.memory_space<semaphore_mem>>) src(%dma_wait3A_117 : memref<10240x64xf32, #tpu.memory_space<hbm>>) dst(%dma_wait3A_111 : memref<80x64xf32, #tpu.memory_space<vmem>>)
      %add3A_118 = arith.constant 1 : i32
      %add3A_119 = arith.addi %mul3A_65, %add3A_118 : i32
      %run_scoped3A_120 = arith.constant 1 : i32
      "tpu.region"() ({
        %run_scoped3A_122 = tpu.sem_alloc : memref<!tpu.dma_semaphore, #tpu.memory_space<semaphore_mem>>
        %dma_start3A_123 = arith.constant 0 : i32
        %dma_start3A_124 = arith.constant 0 : i32
        %dma_start3A_125 = tpu.memref_slice %arg8[%run_scoped3A_120, %dma_start3A_123, %dma_start3A_124] : memref<2x80x64xf32, #tpu.memory_space<vmem>> -> memref<1x80x64xf32, #tpu.memory_space<vmem>>
        %dma_start3A_126 = tpu.memref_squeeze %dma_start3A_125 : memref<1x80x64xf32, #tpu.memory_space<vmem>> -> memref<80x64xf32, #tpu.memory_space<vmem>>
        %dma_start3A_127 = arith.constant 0 : i32
        %dma_start3A_128 = tpu.memref_slice %arg7[%add3A_119, %dma_start3A_127] : memref<125x80xi32, #tpu.memory_space<vmem>> -> memref<1x80xi32, #tpu.memory_space<vmem>>
        %dma_start3A_129 = tpu.memref_squeeze %dma_start3A_128 : memref<1x80xi32, #tpu.memory_space<vmem>> -> memref<80xi32, #tpu.memory_space<vmem>>
        %dma_start3A_130 = arith.constant 0 : i32
        %dma_start3A_131 = arith.constant 0 : i32
        %dma_start3A_132 = tpu.memref_slice %arg10[%dma_start3A_130, %dma_start3A_131] : memref<10240x64xf32, #tpu.memory_space<vmem_shared>> -> memref<10240x64xf32, #tpu.memory_space<vmem_shared>>
        tpu.enqueue_indirect_dma source(%dma_start3A_126 : memref<80x64xf32, #tpu.memory_space<vmem>>) target(%dma_start3A_132 : memref<10240x64xf32, #tpu.memory_space<vmem_shared>>) offsets(%dma_start3A_129 : memref<80xi32, #tpu.memory_space<vmem>>) semaphore(%run_scoped3A_122 : memref<!tpu.dma_semaphore, #tpu.memory_space<semaphore_mem>>) {add = true}
        %dma_wait3A_133 = arith.constant 0 : i32
        %dma_wait3A_134 = arith.constant 0 : i32
        %dma_wait3A_135 = tpu.memref_slice %arg8[%run_scoped3A_120, %dma_wait3A_133, %dma_wait3A_134] : memref<2x80x64xf32, #tpu.memory_space<vmem>> -> memref<1x80x64xf32, #tpu.memory_space<vmem>>
        %dma_wait3A_136 = tpu.memref_squeeze %dma_wait3A_135 : memref<1x80x64xf32, #tpu.memory_space<vmem>> -> memref<80x64xf32, #tpu.memory_space<vmem>>
        %dma_wait3A_137 = arith.constant 0 : i32
        %dma_wait3A_138 = tpu.memref_slice %arg7[%add3A_119, %dma_wait3A_137] : memref<125x80xi32, #tpu.memory_space<vmem>> -> memref<1x80xi32, #tpu.memory_space<vmem>>
        %dma_wait3A_139 = tpu.memref_squeeze %dma_wait3A_138 : memref<1x80xi32, #tpu.memory_space<vmem>> -> memref<80xi32, #tpu.memory_space<vmem>>
        %dma_wait3A_140 = arith.constant 0 : i32
        %dma_wait3A_141 = arith.constant 0 : i32
        %dma_wait3A_142 = tpu.memref_slice %arg10[%dma_wait3A_140, %dma_wait3A_141] : memref<10240x64xf32, #tpu.memory_space<vmem_shared>> -> memref<10240x64xf32, #tpu.memory_space<vmem_shared>>
        tpu.wait_indirect_dma semaphore(%run_scoped3A_122 : memref<!tpu.dma_semaphore, #tpu.memory_space<semaphore_mem>>) src(%dma_wait3A_136 : memref<80x64xf32, #tpu.memory_space<vmem>>) dst(%dma_wait3A_142 : memref<10240x64xf32, #tpu.memory_space<vmem_shared>>)
        tpu.yield
      }) : () -> ()
      %scan3A_121 = arith.constant 0 : i32
      scf.yield %scan3A_121 : i32
    }
    %scan3A_44 = arith.constant 62 : i32
    %dma_wait3A = arith.constant 124 : i32
    %dma_wait3A_45 = arith.constant 0 : i32
    %dma_wait3A_46 = arith.constant 0 : i32
    %dma_wait3A_47 = arith.constant 0 : i32
    %dma_wait3A_48 = tpu.memref_slice %arg8[%dma_wait3A_45, %dma_wait3A_46, %dma_wait3A_47] : memref<2x80x64xf32, #tpu.memory_space<vmem>> -> memref<1x80x64xf32, #tpu.memory_space<vmem>>
    %dma_wait3A_49 = tpu.memref_squeeze %dma_wait3A_48 : memref<1x80x64xf32, #tpu.memory_space<vmem>> -> memref<80x64xf32, #tpu.memory_space<vmem>>
    %dma_wait3A_50 = arith.constant 0 : i32
    %dma_wait3A_51 = tpu.memref_slice %arg6[%dma_wait3A, %dma_wait3A_50] : memref<125x80xi32, #tpu.memory_space<vmem>> -> memref<1x80xi32, #tpu.memory_space<vmem>>
    %dma_wait3A_52 = tpu.memref_squeeze %dma_wait3A_51 : memref<1x80xi32, #tpu.memory_space<vmem>> -> memref<80xi32, #tpu.memory_space<vmem>>
    %dma_wait3A_53 = arith.constant 0 : i32
    %dma_wait3A_54 = arith.constant 0 : i32
    %dma_wait3A_55 = tpu.memref_slice %arg2[%dma_wait3A_53, %dma_wait3A_54] : memref<10240x64xf32, #tpu.memory_space<hbm>> -> memref<10240x64xf32, #tpu.memory_space<hbm>>
    tpu.wait_indirect_dma semaphore(%arg11 : memref<!tpu.dma_semaphore, #tpu.memory_space<semaphore_mem>>) src(%dma_wait3A_55 : memref<10240x64xf32, #tpu.memory_space<hbm>>) dst(%dma_wait3A_49 : memref<80x64xf32, #tpu.memory_space<vmem>>)
    %run_scoped3A = arith.constant 0 : i32
    %run_scoped3A_56 = arith.constant 124 : i32
    "tpu.region"() ({
      %run_scoped3A_62 = tpu.sem_alloc : memref<!tpu.dma_semaphore, #tpu.memory_space<semaphore_mem>>
      %dma_start3A_63 = arith.constant 0 : i32
      %dma_start3A_64 = arith.constant 0 : i32
      %dma_start3A_65 = tpu.memref_slice %arg8[%run_scoped3A, %dma_start3A_63, %dma_start3A_64] : memref<2x80x64xf32, #tpu.memory_space<vmem>> -> memref<1x80x64xf32, #tpu.memory_space<vmem>>
      %dma_start3A_66 = tpu.memref_squeeze %dma_start3A_65 : memref<1x80x64xf32, #tpu.memory_space<vmem>> -> memref<80x64xf32, #tpu.memory_space<vmem>>
      %dma_start3A_67 = arith.constant 0 : i32
      %dma_start3A_68 = tpu.memref_slice %arg7[%run_scoped3A_56, %dma_start3A_67] : memref<125x80xi32, #tpu.memory_space<vmem>> -> memref<1x80xi32, #tpu.memory_space<vmem>>
      %dma_start3A_69 = tpu.memref_squeeze %dma_start3A_68 : memref<1x80xi32, #tpu.memory_space<vmem>> -> memref<80xi32, #tpu.memory_space<vmem>>
      %dma_start3A_70 = arith.constant 0 : i32
      %dma_start3A_71 = arith.constant 0 : i32
      %dma_start3A_72 = tpu.memref_slice %arg10[%dma_start3A_70, %dma_start3A_71] : memref<10240x64xf32, #tpu.memory_space<vmem_shared>> -> memref<10240x64xf32, #tpu.memory_space<vmem_shared>>
      tpu.enqueue_indirect_dma source(%dma_start3A_66 : memref<80x64xf32, #tpu.memory_space<vmem>>) target(%dma_start3A_72 : memref<10240x64xf32, #tpu.memory_space<vmem_shared>>) offsets(%dma_start3A_69 : memref<80xi32, #tpu.memory_space<vmem>>) semaphore(%run_scoped3A_62 : memref<!tpu.dma_semaphore, #tpu.memory_space<semaphore_mem>>) {add = true}
      %dma_wait3A_73 = arith.constant 0 : i32
      %dma_wait3A_74 = arith.constant 0 : i32
      %dma_wait3A_75 = tpu.memref_slice %arg8[%run_scoped3A, %dma_wait3A_73, %dma_wait3A_74] : memref<2x80x64xf32, #tpu.memory_space<vmem>> -> memref<1x80x64xf32, #tpu.memory_space<vmem>>
      %dma_wait3A_76 = tpu.memref_squeeze %dma_wait3A_75 : memref<1x80x64xf32, #tpu.memory_space<vmem>> -> memref<80x64xf32, #tpu.memory_space<vmem>>
      %dma_wait3A_77 = arith.constant 0 : i32
      %dma_wait3A_78 = tpu.memref_slice %arg7[%run_scoped3A_56, %dma_wait3A_77] : memref<125x80xi32, #tpu.memory_space<vmem>> -> memref<1x80xi32, #tpu.memory_space<vmem>>
      %dma_wait3A_79 = tpu.memref_squeeze %dma_wait3A_78 : memref<1x80xi32, #tpu.memory_space<vmem>> -> memref<80xi32, #tpu.memory_space<vmem>>
      %dma_wait3A_80 = arith.constant 0 : i32
      %dma_wait3A_81 = arith.constant 0 : i32
      %dma_wait3A_82 = tpu.memref_slice %arg10[%dma_wait3A_80, %dma_wait3A_81] : memref<10240x64xf32, #tpu.memory_space<vmem_shared>> -> memref<10240x64xf32, #tpu.memory_space<vmem_shared>>
      tpu.wait_indirect_dma semaphore(%run_scoped3A_62 : memref<!tpu.dma_semaphore, #tpu.memory_space<semaphore_mem>>) src(%dma_wait3A_76 : memref<80x64xf32, #tpu.memory_space<vmem>>) dst(%dma_wait3A_82 : memref<10240x64xf32, #tpu.memory_space<vmem_shared>>)
      tpu.yield
    }) : () -> ()
    %barrier3A_57 = arith.constant 0 : index
    tpu.barrier barrier_id(%barrier3A_57)
    %mul3A_58 = arith.constant 640 : i32
    %mul3A_59 = arith.muli %arg1, %mul3A_58 : i32
    %mul3A_60 = arith.constant 640 : i32
    %mul3A_61 = arith.muli %arg1, %mul3A_60 : i32
    "tpu.region"() ({
      %run_scoped3A_62 = tpu.sem_alloc : memref<!tpu.dma_semaphore, #tpu.memory_space<semaphore_mem>>
      %dma_start3A_63 = arith.constant 0 : i32
      %dma_start3A_64 = tpu.memref_slice %arg5[%arg0, %mul3A_61, %dma_start3A_63] : memref<2x10240x64xf32, #tpu.memory_space<hbm>> -> memref<1x640x64xf32, #tpu.memory_space<hbm>>
      %dma_start3A_65 = tpu.memref_squeeze %dma_start3A_64 : memref<1x640x64xf32, #tpu.memory_space<hbm>> -> memref<640x64xf32, #tpu.memory_space<hbm>>
      %dma_start3A_66 = arith.constant 0 : i32
      %dma_start3A_67 = tpu.memref_slice %arg10[%mul3A_59, %dma_start3A_66] : memref<10240x64xf32, #tpu.memory_space<vmem_shared>> -> memref<640x64xf32, #tpu.memory_space<vmem_shared>>
      tpu.enqueue_dma source(%dma_start3A_67 : memref<640x64xf32, #tpu.memory_space<vmem_shared>>) target(%dma_start3A_65 : memref<640x64xf32, #tpu.memory_space<hbm>>) target_semaphore(%run_scoped3A_62 : memref<!tpu.dma_semaphore, #tpu.memory_space<semaphore_mem>>)
      %dma_wait3A_68 = arith.constant 0 : i32
      %dma_wait3A_69 = tpu.memref_slice %arg5[%arg0, %mul3A_61, %dma_wait3A_68] : memref<2x10240x64xf32, #tpu.memory_space<hbm>> -> memref<1x640x64xf32, #tpu.memory_space<hbm>>
      %dma_wait3A_70 = tpu.memref_squeeze %dma_wait3A_69 : memref<1x640x64xf32, #tpu.memory_space<hbm>> -> memref<640x64xf32, #tpu.memory_space<hbm>>
      %dma_wait3A_71 = arith.constant 0 : i32
      %dma_wait3A_72 = tpu.memref_slice %arg10[%mul3A_59, %dma_wait3A_71] : memref<10240x64xf32, #tpu.memory_space<vmem_shared>> -> memref<640x64xf32, #tpu.memory_space<vmem_shared>>
      tpu.wait_dma2 semaphore(%run_scoped3A_62 : memref<!tpu.dma_semaphore, #tpu.memory_space<semaphore_mem>>) src(%dma_wait3A_72 : memref<640x64xf32, #tpu.memory_space<vmem_shared>>) dst(%dma_wait3A_70 : memref<640x64xf32, #tpu.memory_space<hbm>>)
      tpu.yield
    }) : () -> ()
    return
  }
}

#map = affine_map<(d0, d1) -> (0, 0)>
#map1 = affine_map<(d0, d1) -> (0, 0, 0)>
module attributes {stable_mosaic.version = 14 : i64} {
  func.func @k(%arg0: i32, %arg1: i32, %arg2: memref<10240x64xf32, #tpu.memory_space<hbm>>, %arg3: memref<32x125x80xi32, #tpu.memory_space<hbm>>, %arg4: memref<32x125x80xi32, #tpu.memory_space<hbm>>, %arg5: memref<2x10240x64xf32, #tpu.memory_space<hbm>>, %arg6: memref<125x80xi32, #tpu.memory_space<vmem>>, %arg7: memref<125x80xi32, #tpu.memory_space<vmem>>, %arg8: memref<2x80x64xf32, #tpu.memory_space<vmem>>, %arg9: memref<128x64xf32, #tpu.memory_space<vmem>>, %arg10: memref<10240x64xf32, #tpu.memory_space<vmem_shared>>, %arg11: memref<!tpu.dma_semaphore, #tpu.memory_space<semaphore_mem>>, %arg12: memref<!tpu.dma_semaphore, #tpu.memory_space<semaphore_mem>>) attributes {dimension_semantics = [#tpu.dimension_semantics<core_parallel>, #tpu.dimension_semantics<subcore_parallel>], iteration_bounds = array<i64: 2, 16>, scalar_prefetch = 0 : i64, scratch_operands = 7 : i64, tpu.core_type = #tpu.core_type<sc_vector_subcore>, window_params = [{transform_indices = #map}, {transform_indices = #map1}, {transform_indices = #map1}, {transform_indices = #map1}]} {
    %mul3A = arith.constant 2 : i32
    %mul3A_0 = arith.muli %arg1, %mul3A : i32
    %add3A = arith.addi %mul3A_0, %arg0 : i32
    "tpu.region"() ({
      %run_scoped3A_62 = tpu.sem_alloc : memref<!tpu.dma_semaphore, #tpu.memory_space<semaphore_mem>>
      %dma_start3A_63 = arith.constant 0 : i32
      %dma_start3A_64 = arith.constant 0 : i32
      %dma_start3A_65 = tpu.memref_slice %arg3[%add3A, %dma_start3A_63, %dma_start3A_64] : memref<32x125x80xi32, #tpu.memory_space<hbm>> -> memref<1x125x80xi32, #tpu.memory_space<hbm>>
      %dma_start3A_66 = tpu.memref_squeeze %dma_start3A_65 : memref<1x125x80xi32, #tpu.memory_space<hbm>> -> memref<125x80xi32, #tpu.memory_space<hbm>>
      %dma_start3A_67 = arith.constant 0 : i32
      %dma_start3A_68 = arith.constant 0 : i32
      %dma_start3A_69 = tpu.memref_slice %arg3[%add3A, %dma_start3A_67, %dma_start3A_68] : memref<32x125x80xi32, #tpu.memory_space<hbm>> -> memref<1x125x80xi32, #tpu.memory_space<hbm>>
      %dma_start3A_70 = tpu.memref_squeeze %dma_start3A_69 : memref<1x125x80xi32, #tpu.memory_space<hbm>> -> memref<125x80xi32, #tpu.memory_space<hbm>>
      tpu.enqueue_dma source(%dma_start3A_70 : memref<125x80xi32, #tpu.memory_space<hbm>>) target(%arg6 : memref<125x80xi32, #tpu.memory_space<vmem>>) target_semaphore(%run_scoped3A_62 : memref<!tpu.dma_semaphore, #tpu.memory_space<semaphore_mem>>)
      %dma_wait3A_71 = arith.constant 0 : i32
      %dma_wait3A_72 = arith.constant 0 : i32
      %dma_wait3A_73 = tpu.memref_slice %arg3[%add3A, %dma_wait3A_71, %dma_wait3A_72] : memref<32x125x80xi32, #tpu.memory_space<hbm>> -> memref<1x125x80xi32, #tpu.memory_space<hbm>>
      %dma_wait3A_74 = tpu.memref_squeeze %dma_wait3A_73 : memref<1x125x80xi32, #tpu.memory_space<hbm>> -> memref<125x80xi32, #tpu.memory_space<hbm>>
      %dma_wait3A_75 = arith.constant 0 : i32
      %dma_wait3A_76 = arith.constant 0 : i32
      %dma_wait3A_77 = tpu.memref_slice %arg3[%add3A, %dma_wait3A_75, %dma_wait3A_76] : memref<32x125x80xi32, #tpu.memory_space<hbm>> -> memref<1x125x80xi32, #tpu.memory_space<hbm>>
      %dma_wait3A_78 = tpu.memref_squeeze %dma_wait3A_77 : memref<1x125x80xi32, #tpu.memory_space<hbm>> -> memref<125x80xi32, #tpu.memory_space<hbm>>
      tpu.wait_dma2 semaphore(%run_scoped3A_62 : memref<!tpu.dma_semaphore, #tpu.memory_space<semaphore_mem>>) src(%dma_wait3A_78 : memref<125x80xi32, #tpu.memory_space<hbm>>) dst(%arg6 : memref<125x80xi32, #tpu.memory_space<vmem>>)
      tpu.yield
    }) : () -> ()
    "tpu.region"() ({
      %run_scoped3A_62 = tpu.sem_alloc : memref<!tpu.dma_semaphore, #tpu.memory_space<semaphore_mem>>
      %dma_start3A_63 = arith.constant 0 : i32
      %dma_start3A_64 = arith.constant 0 : i32
      %dma_start3A_65 = tpu.memref_slice %arg4[%add3A, %dma_start3A_63, %dma_start3A_64] : memref<32x125x80xi32, #tpu.memory_space<hbm>> -> memref<1x125x80xi32, #tpu.memory_space<hbm>>
      %dma_start3A_66 = tpu.memref_squeeze %dma_start3A_65 : memref<1x125x80xi32, #tpu.memory_space<hbm>> -> memref<125x80xi32, #tpu.memory_space<hbm>>
      %dma_start3A_67 = arith.constant 0 : i32
      %dma_start3A_68 = arith.constant 0 : i32
      %dma_start3A_69 = tpu.memref_slice %arg4[%add3A, %dma_start3A_67, %dma_start3A_68] : memref<32x125x80xi32, #tpu.memory_space<hbm>> -> memref<1x125x80xi32, #tpu.memory_space<hbm>>
      %dma_start3A_70 = tpu.memref_squeeze %dma_start3A_69 : memref<1x125x80xi32, #tpu.memory_space<hbm>> -> memref<125x80xi32, #tpu.memory_space<hbm>>
      tpu.enqueue_dma source(%dma_start3A_70 : memref<125x80xi32, #tpu.memory_space<hbm>>) target(%arg7 : memref<125x80xi32, #tpu.memory_space<vmem>>) target_semaphore(%run_scoped3A_62 : memref<!tpu.dma_semaphore, #tpu.memory_space<semaphore_mem>>)
      %dma_wait3A_71 = arith.constant 0 : i32
      %dma_wait3A_72 = arith.constant 0 : i32
      %dma_wait3A_73 = tpu.memref_slice %arg4[%add3A, %dma_wait3A_71, %dma_wait3A_72] : memref<32x125x80xi32, #tpu.memory_space<hbm>> -> memref<1x125x80xi32, #tpu.memory_space<hbm>>
      %dma_wait3A_74 = tpu.memref_squeeze %dma_wait3A_73 : memref<1x125x80xi32, #tpu.memory_space<hbm>> -> memref<125x80xi32, #tpu.memory_space<hbm>>
      %dma_wait3A_75 = arith.constant 0 : i32
      %dma_wait3A_76 = arith.constant 0 : i32
      %dma_wait3A_77 = tpu.memref_slice %arg4[%add3A, %dma_wait3A_75, %dma_wait3A_76] : memref<32x125x80xi32, #tpu.memory_space<hbm>> -> memref<1x125x80xi32, #tpu.memory_space<hbm>>
      %dma_wait3A_78 = tpu.memref_squeeze %dma_wait3A_77 : memref<1x125x80xi32, #tpu.memory_space<hbm>> -> memref<125x80xi32, #tpu.memory_space<hbm>>
      tpu.wait_dma2 semaphore(%run_scoped3A_62 : memref<!tpu.dma_semaphore, #tpu.memory_space<semaphore_mem>>) src(%dma_wait3A_78 : memref<125x80xi32, #tpu.memory_space<hbm>>) dst(%arg7 : memref<125x80xi32, #tpu.memory_space<vmem>>)
      tpu.yield
    }) : () -> ()
    %dma_start3A = arith.constant 0 : i32
    %dma_start3A_1 = arith.constant 0 : i32
    %dma_start3A_2 = arith.constant 0 : i32
    %dma_start3A_3 = arith.constant 0 : i32
    %dma_start3A_4 = tpu.memref_slice %arg8[%dma_start3A_1, %dma_start3A_2, %dma_start3A_3] : memref<2x80x64xf32, #tpu.memory_space<vmem>> -> memref<1x80x64xf32, #tpu.memory_space<vmem>>
    %dma_start3A_5 = tpu.memref_squeeze %dma_start3A_4 : memref<1x80x64xf32, #tpu.memory_space<vmem>> -> memref<80x64xf32, #tpu.memory_space<vmem>>
    %dma_start3A_6 = arith.constant 0 : i32
    %dma_start3A_7 = tpu.memref_slice %arg6[%dma_start3A, %dma_start3A_6] : memref<125x80xi32, #tpu.memory_space<vmem>> -> memref<1x80xi32, #tpu.memory_space<vmem>>
    %dma_start3A_8 = tpu.memref_squeeze %dma_start3A_7 : memref<1x80xi32, #tpu.memory_space<vmem>> -> memref<80xi32, #tpu.memory_space<vmem>>
    %dma_start3A_9 = arith.constant 0 : i32
    %dma_start3A_10 = arith.constant 0 : i32
    %dma_start3A_11 = tpu.memref_slice %arg2[%dma_start3A_9, %dma_start3A_10] : memref<10240x64xf32, #tpu.memory_space<hbm>> -> memref<10240x64xf32, #tpu.memory_space<hbm>>
    tpu.enqueue_indirect_dma source(%dma_start3A_11 : memref<10240x64xf32, #tpu.memory_space<hbm>>) target(%dma_start3A_5 : memref<80x64xf32, #tpu.memory_space<vmem>>) offsets(%dma_start3A_8 : memref<80xi32, #tpu.memory_space<vmem>>) semaphore(%arg11 : memref<!tpu.dma_semaphore, #tpu.memory_space<semaphore_mem>>)
    %scan3A = arith.constant 0 : i32
    %scan3A_12 = arith.constant 0 : i32
    %scan3A_13 = arith.constant 128 : i32
    %scan3A_14 = arith.addi %scan3A_12, %scan3A_13 : i32
    %scan3A_15 = arith.constant 1 : i32
    %scan3A_16 = scf.for %scan3A_62 = %scan3A_12 to %scan3A_14 step %scan3A_15 iter_args(%scan3A_63 = %scan3A) -> (i32)  : i32 {
      %broadcast_in_dim3A = arith.constant 0.000000e+00 : f32
      %broadcast_in_dim3A_64 = vector.broadcast %broadcast_in_dim3A : f32 to vector<16xf32>
      %swap3A = arith.index_cast %scan3A_62 : i32 to index
      %swap3A_65 = arith.constant 0 : index
      %swap3A_66 = tpu.vector_load %arg9[%swap3A, %swap3A_65] {strides = array<i32>} : memref<128x64xf32, #tpu.memory_space<vmem>>, vector<1x16xf32>,
      %swap3A_67 = vector.shape_cast %swap3A_66 : vector<1x16xf32> to vector<16xf32>
      %swap3A_68 = vector.shape_cast %broadcast_in_dim3A_64 : vector<16xf32> to vector<1x16xf32>
      tpu.vector_store %arg9[%swap3A, %swap3A_65], %swap3A_68 {strides = array<i32>} : memref<128x64xf32, #tpu.memory_space<vmem>>, vector<1x16xf32>,
      %broadcast_in_dim3A_69 = arith.constant 0.000000e+00 : f32
      %broadcast_in_dim3A_70 = vector.broadcast %broadcast_in_dim3A_69 : f32 to vector<16xf32>
      %swap3A_71 = arith.index_cast %scan3A_62 : i32 to index
      %swap3A_72 = arith.constant 16 : index
      %swap3A_73 = tpu.vector_load %arg9[%swap3A_71, %swap3A_72] {strides = array<i32>} : memref<128x64xf32, #tpu.memory_space<vmem>>, vector<1x16xf32>,
      %swap3A_74 = vector.shape_cast %swap3A_73 : vector<1x16xf32> to vector<16xf32>
      %swap3A_75 = vector.shape_cast %broadcast_in_dim3A_70 : vector<16xf32> to vector<1x16xf32>
      tpu.vector_store %arg9[%swap3A_71, %swap3A_72], %swap3A_75 {strides = array<i32>} : memref<128x64xf32, #tpu.memory_space<vmem>>, vector<1x16xf32>,
      %broadcast_in_dim3A_76 = arith.constant 0.000000e+00 : f32
      %broadcast_in_dim3A_77 = vector.broadcast %broadcast_in_dim3A_76 : f32 to vector<16xf32>
      %swap3A_78 = arith.index_cast %scan3A_62 : i32 to index
      %swap3A_79 = arith.constant 32 : index
      %swap3A_80 = tpu.vector_load %arg9[%swap3A_78, %swap3A_79] {strides = array<i32>} : memref<128x64xf32, #tpu.memory_space<vmem>>, vector<1x16xf32>,
      %swap3A_81 = vector.shape_cast %swap3A_80 : vector<1x16xf32> to vector<16xf32>
      %swap3A_82 = vector.shape_cast %broadcast_in_dim3A_77 : vector<16xf32> to vector<1x16xf32>
      tpu.vector_store %arg9[%swap3A_78, %swap3A_79], %swap3A_82 {strides = array<i32>} : memref<128x64xf32, #tpu.memory_space<vmem>>, vector<1x16xf32>,
      %broadcast_in_dim3A_83 = arith.constant 0.000000e+00 : f32
      %broadcast_in_dim3A_84 = vector.broadcast %broadcast_in_dim3A_83 : f32 to vector<16xf32>
      %swap3A_85 = arith.index_cast %scan3A_62 : i32 to index
      %swap3A_86 = arith.constant 48 : index
      %swap3A_87 = tpu.vector_load %arg9[%swap3A_85, %swap3A_86] {strides = array<i32>} : memref<128x64xf32, #tpu.memory_space<vmem>>, vector<1x16xf32>,
      %swap3A_88 = vector.shape_cast %swap3A_87 : vector<1x16xf32> to vector<16xf32>
      %swap3A_89 = vector.shape_cast %broadcast_in_dim3A_84 : vector<16xf32> to vector<1x16xf32>
      tpu.vector_store %arg9[%swap3A_85, %swap3A_86], %swap3A_89 {strides = array<i32>} : memref<128x64xf32, #tpu.memory_space<vmem>>, vector<1x16xf32>,
      %scan3A_90 = arith.constant 0 : i32
      scf.yield %scan3A_90 : i32
    }
    %scan3A_17 = arith.constant 128 : i32
    %mul3A_18 = arith.constant 640 : i32
    %mul3A_19 = arith.muli %arg1, %mul3A_18 : i32
    %add3A_20 = arith.constant 0 : i32
    %add3A_21 = arith.addi %mul3A_19, %add3A_20 : i32
    "tpu.region"() ({
      %run_scoped3A_62 = tpu.sem_alloc : memref<!tpu.dma_semaphore, #tpu.memory_space<semaphore_mem>>
      %dma_start3A_63 = arith.constant 0 : i32
      %dma_start3A_64 = tpu.memref_slice %arg10[%add3A_21, %dma_start3A_63] : memref<10240x64xf32, #tpu.memory_space<vmem_shared>> -> memref<128x64xf32, #tpu.memory_space<vmem_shared>>
      %dma_start3A_65 = arith.constant 0 : i32
      %dma_start3A_66 = tpu.memref_slice %arg10[%add3A_21, %dma_start3A_65] : memref<10240x64xf32, #tpu.memory_space<vmem_shared>> -> memref<128x64xf32, #tpu.memory_space<vmem_shared>>
      tpu.enqueue_dma source(%arg9 : memref<128x64xf32, #tpu.memory_space<vmem>>) target(%dma_start3A_66 : memref<128x64xf32, #tpu.memory_space<vmem_shared>>) target_semaphore(%run_scoped3A_62 : memref<!tpu.dma_semaphore, #tpu.memory_space<semaphore_mem>>)
      %dma_wait3A_67 = arith.constant 0 : i32
      %dma_wait3A_68 = tpu.memref_slice %arg10[%add3A_21, %dma_wait3A_67] : memref<10240x64xf32, #tpu.memory_space<vmem_shared>> -> memref<128x64xf32, #tpu.memory_space<vmem_shared>>
      %dma_wait3A_69 = arith.constant 0 : i32
      %dma_wait3A_70 = tpu.memref_slice %arg10[%add3A_21, %dma_wait3A_69] : memref<10240x64xf32, #tpu.memory_space<vmem_shared>> -> memref<128x64xf32, #tpu.memory_space<vmem_shared>>
      tpu.wait_dma2 semaphore(%run_scoped3A_62 : memref<!tpu.dma_semaphore, #tpu.memory_space<semaphore_mem>>) src(%arg9 : memref<128x64xf32, #tpu.memory_space<vmem>>) dst(%dma_wait3A_70 : memref<128x64xf32, #tpu.memory_space<vmem_shared>>)
      tpu.yield
    }) : () -> ()
    %mul3A_22 = arith.constant 640 : i32
    %mul3A_23 = arith.muli %arg1, %mul3A_22 : i32
    %add3A_24 = arith.constant 128 : i32
    %add3A_25 = arith.addi %mul3A_23, %add3A_24 : i32
    "tpu.region"() ({
      %run_scoped3A_62 = tpu.sem_alloc : memref<!tpu.dma_semaphore, #tpu.memory_space<semaphore_mem>>
      %dma_start3A_63 = arith.constant 0 : i32
      %dma_start3A_64 = tpu.memref_slice %arg10[%add3A_25, %dma_start3A_63] : memref<10240x64xf32, #tpu.memory_space<vmem_shared>> -> memref<128x64xf32, #tpu.memory_space<vmem_shared>>
      %dma_start3A_65 = arith.constant 0 : i32
      %dma_start3A_66 = tpu.memref_slice %arg10[%add3A_25, %dma_start3A_65] : memref<10240x64xf32, #tpu.memory_space<vmem_shared>> -> memref<128x64xf32, #tpu.memory_space<vmem_shared>>
      tpu.enqueue_dma source(%arg9 : memref<128x64xf32, #tpu.memory_space<vmem>>) target(%dma_start3A_66 : memref<128x64xf32, #tpu.memory_space<vmem_shared>>) target_semaphore(%run_scoped3A_62 : memref<!tpu.dma_semaphore, #tpu.memory_space<semaphore_mem>>)
      %dma_wait3A_67 = arith.constant 0 : i32
      %dma_wait3A_68 = tpu.memref_slice %arg10[%add3A_25, %dma_wait3A_67] : memref<10240x64xf32, #tpu.memory_space<vmem_shared>> -> memref<128x64xf32, #tpu.memory_space<vmem_shared>>
      %dma_wait3A_69 = arith.constant 0 : i32
      %dma_wait3A_70 = tpu.memref_slice %arg10[%add3A_25, %dma_wait3A_69] : memref<10240x64xf32, #tpu.memory_space<vmem_shared>> -> memref<128x64xf32, #tpu.memory_space<vmem_shared>>
      tpu.wait_dma2 semaphore(%run_scoped3A_62 : memref<!tpu.dma_semaphore, #tpu.memory_space<semaphore_mem>>) src(%arg9 : memref<128x64xf32, #tpu.memory_space<vmem>>) dst(%dma_wait3A_70 : memref<128x64xf32, #tpu.memory_space<vmem_shared>>)
      tpu.yield
    }) : () -> ()
    %mul3A_26 = arith.constant 640 : i32
    %mul3A_27 = arith.muli %arg1, %mul3A_26 : i32
    %add3A_28 = arith.constant 256 : i32
    %add3A_29 = arith.addi %mul3A_27, %add3A_28 : i32
    "tpu.region"() ({
      %run_scoped3A_62 = tpu.sem_alloc : memref<!tpu.dma_semaphore, #tpu.memory_space<semaphore_mem>>
      %dma_start3A_63 = arith.constant 0 : i32
      %dma_start3A_64 = tpu.memref_slice %arg10[%add3A_29, %dma_start3A_63] : memref<10240x64xf32, #tpu.memory_space<vmem_shared>> -> memref<128x64xf32, #tpu.memory_space<vmem_shared>>
      %dma_start3A_65 = arith.constant 0 : i32
      %dma_start3A_66 = tpu.memref_slice %arg10[%add3A_29, %dma_start3A_65] : memref<10240x64xf32, #tpu.memory_space<vmem_shared>> -> memref<128x64xf32, #tpu.memory_space<vmem_shared>>
      tpu.enqueue_dma source(%arg9 : memref<128x64xf32, #tpu.memory_space<vmem>>) target(%dma_start3A_66 : memref<128x64xf32, #tpu.memory_space<vmem_shared>>) target_semaphore(%run_scoped3A_62 : memref<!tpu.dma_semaphore, #tpu.memory_space<semaphore_mem>>)
      %dma_wait3A_67 = arith.constant 0 : i32
      %dma_wait3A_68 = tpu.memref_slice %arg10[%add3A_29, %dma_wait3A_67] : memref<10240x64xf32, #tpu.memory_space<vmem_shared>> -> memref<128x64xf32, #tpu.memory_space<vmem_shared>>
      %dma_wait3A_69 = arith.constant 0 : i32
      %dma_wait3A_70 = tpu.memref_slice %arg10[%add3A_29, %dma_wait3A_69] : memref<10240x64xf32, #tpu.memory_space<vmem_shared>> -> memref<128x64xf32, #tpu.memory_space<vmem_shared>>
      tpu.wait_dma2 semaphore(%run_scoped3A_62 : memref<!tpu.dma_semaphore, #tpu.memory_space<semaphore_mem>>) src(%arg9 : memref<128x64xf32, #tpu.memory_space<vmem>>) dst(%dma_wait3A_70 : memref<128x64xf32, #tpu.memory_space<vmem_shared>>)
      tpu.yield
    }) : () -> ()
    %mul3A_30 = arith.constant 640 : i32
    %mul3A_31 = arith.muli %arg1, %mul3A_30 : i32
    %add3A_32 = arith.constant 384 : i32
    %add3A_33 = arith.addi %mul3A_31, %add3A_32 : i32
    "tpu.region"() ({
      %run_scoped3A_62 = tpu.sem_alloc : memref<!tpu.dma_semaphore, #tpu.memory_space<semaphore_mem>>
      %dma_start3A_63 = arith.constant 0 : i32
      %dma_start3A_64 = tpu.memref_slice %arg10[%add3A_33, %dma_start3A_63] : memref<10240x64xf32, #tpu.memory_space<vmem_shared>> -> memref<128x64xf32, #tpu.memory_space<vmem_shared>>
      %dma_start3A_65 = arith.constant 0 : i32
      %dma_start3A_66 = tpu.memref_slice %arg10[%add3A_33, %dma_start3A_65] : memref<10240x64xf32, #tpu.memory_space<vmem_shared>> -> memref<128x64xf32, #tpu.memory_space<vmem_shared>>
      tpu.enqueue_dma source(%arg9 : memref<128x64xf32, #tpu.memory_space<vmem>>) target(%dma_start3A_66 : memref<128x64xf32, #tpu.memory_space<vmem_shared>>) target_semaphore(%run_scoped3A_62 : memref<!tpu.dma_semaphore, #tpu.memory_space<semaphore_mem>>)
      %dma_wait3A_67 = arith.constant 0 : i32
      %dma_wait3A_68 = tpu.memref_slice %arg10[%add3A_33, %dma_wait3A_67] : memref<10240x64xf32, #tpu.memory_space<vmem_shared>> -> memref<128x64xf32, #tpu.memory_space<vmem_shared>>
      %dma_wait3A_69 = arith.constant 0 : i32
      %dma_wait3A_70 = tpu.memref_slice %arg10[%add3A_33, %dma_wait3A_69] : memref<10240x64xf32, #tpu.memory_space<vmem_shared>> -> memref<128x64xf32, #tpu.memory_space<vmem_shared>>
      tpu.wait_dma2 semaphore(%run_scoped3A_62 : memref<!tpu.dma_semaphore, #tpu.memory_space<semaphore_mem>>) src(%arg9 : memref<128x64xf32, #tpu.memory_space<vmem>>) dst(%dma_wait3A_70 : memref<128x64xf32, #tpu.memory_space<vmem_shared>>)
      tpu.yield
    }) : () -> ()
    %mul3A_34 = arith.constant 640 : i32
    %mul3A_35 = arith.muli %arg1, %mul3A_34 : i32
    %add3A_36 = arith.constant 512 : i32
    %add3A_37 = arith.addi %mul3A_35, %add3A_36 : i32
    "tpu.region"() ({
      %run_scoped3A_62 = tpu.sem_alloc : memref<!tpu.dma_semaphore, #tpu.memory_space<semaphore_mem>>
      %dma_start3A_63 = arith.constant 0 : i32
      %dma_start3A_64 = tpu.memref_slice %arg10[%add3A_37, %dma_start3A_63] : memref<10240x64xf32, #tpu.memory_space<vmem_shared>> -> memref<128x64xf32, #tpu.memory_space<vmem_shared>>
      %dma_start3A_65 = arith.constant 0 : i32
      %dma_start3A_66 = tpu.memref_slice %arg10[%add3A_37, %dma_start3A_65] : memref<10240x64xf32, #tpu.memory_space<vmem_shared>> -> memref<128x64xf32, #tpu.memory_space<vmem_shared>>
      tpu.enqueue_dma source(%arg9 : memref<128x64xf32, #tpu.memory_space<vmem>>) target(%dma_start3A_66 : memref<128x64xf32, #tpu.memory_space<vmem_shared>>) target_semaphore(%run_scoped3A_62 : memref<!tpu.dma_semaphore, #tpu.memory_space<semaphore_mem>>)
      %dma_wait3A_67 = arith.constant 0 : i32
      %dma_wait3A_68 = tpu.memref_slice %arg10[%add3A_37, %dma_wait3A_67] : memref<10240x64xf32, #tpu.memory_space<vmem_shared>> -> memref<128x64xf32, #tpu.memory_space<vmem_shared>>
      %dma_wait3A_69 = arith.constant 0 : i32
      %dma_wait3A_70 = tpu.memref_slice %arg10[%add3A_37, %dma_wait3A_69] : memref<10240x64xf32, #tpu.memory_space<vmem_shared>> -> memref<128x64xf32, #tpu.memory_space<vmem_shared>>
      tpu.wait_dma2 semaphore(%run_scoped3A_62 : memref<!tpu.dma_semaphore, #tpu.memory_space<semaphore_mem>>) src(%arg9 : memref<128x64xf32, #tpu.memory_space<vmem>>) dst(%dma_wait3A_70 : memref<128x64xf32, #tpu.memory_space<vmem_shared>>)
      tpu.yield
    }) : () -> ()
    %barrier3A = arith.constant 0 : index
    tpu.barrier barrier_id(%barrier3A)
    %scan3A_38 = arith.constant 0 : i32
    %scan3A_39 = arith.constant 0 : i32
    %scan3A_40 = arith.constant 62 : i32
    %scan3A_41 = arith.addi %scan3A_39, %scan3A_40 : i32
    %scan3A_42 = arith.constant 1 : i32
    %scan3A_43 = scf.for %scan3A_62 = %scan3A_39 to %scan3A_41 step %scan3A_42 iter_args(%scan3A_63 = %scan3A_38) -> (i32)  : i32 {
      %mul3A_64 = arith.constant 2 : i32
      %mul3A_65 = arith.muli %scan3A_62, %mul3A_64 : i32
      %add3A_66 = arith.constant 1 : i32
      %add3A_67 = arith.addi %mul3A_65, %add3A_66 : i32
      %dma_start3A_68 = arith.constant 1 : i32
      %dma_start3A_69 = arith.constant 0 : i32
      %dma_start3A_70 = arith.constant 0 : i32
      %dma_start3A_71 = tpu.memref_slice %arg8[%dma_start3A_68, %dma_start3A_69, %dma_start3A_70] : memref<2x80x64xf32, #tpu.memory_space<vmem>> -> memref<1x80x64xf32, #tpu.memory_space<vmem>>
      %dma_start3A_72 = tpu.memref_squeeze %dma_start3A_71 : memref<1x80x64xf32, #tpu.memory_space<vmem>> -> memref<80x64xf32, #tpu.memory_space<vmem>>
      %dma_start3A_73 = arith.constant 0 : i32
      %dma_start3A_74 = tpu.memref_slice %arg6[%add3A_67, %dma_start3A_73] : memref<125x80xi32, #tpu.memory_space<vmem>> -> memref<1x80xi32, #tpu.memory_space<vmem>>
      %dma_start3A_75 = tpu.memref_squeeze %dma_start3A_74 : memref<1x80xi32, #tpu.memory_space<vmem>> -> memref<80xi32, #tpu.memory_space<vmem>>
      %dma_start3A_76 = arith.constant 0 : i32
      %dma_start3A_77 = arith.constant 0 : i32
      %dma_start3A_78 = tpu.memref_slice %arg2[%dma_start3A_76, %dma_start3A_77] : memref<10240x64xf32, #tpu.memory_space<hbm>> -> memref<10240x64xf32, #tpu.memory_space<hbm>>
      tpu.enqueue_indirect_dma source(%dma_start3A_78 : memref<10240x64xf32, #tpu.memory_space<hbm>>) target(%dma_start3A_72 : memref<80x64xf32, #tpu.memory_space<vmem>>) offsets(%dma_start3A_75 : memref<80xi32, #tpu.memory_space<vmem>>) semaphore(%arg12 : memref<!tpu.dma_semaphore, #tpu.memory_space<semaphore_mem>>)
      %dma_wait3A_79 = arith.constant 0 : i32
      %dma_wait3A_80 = arith.constant 0 : i32
      %dma_wait3A_81 = arith.constant 0 : i32
      %dma_wait3A_82 = tpu.memref_slice %arg8[%dma_wait3A_79, %dma_wait3A_80, %dma_wait3A_81] : memref<2x80x64xf32, #tpu.memory_space<vmem>> -> memref<1x80x64xf32, #tpu.memory_space<vmem>>
      %dma_wait3A_83 = tpu.memref_squeeze %dma_wait3A_82 : memref<1x80x64xf32, #tpu.memory_space<vmem>> -> memref<80x64xf32, #tpu.memory_space<vmem>>
      %dma_wait3A_84 = arith.constant 0 : i32
      %dma_wait3A_85 = tpu.memref_slice %arg6[%mul3A_65, %dma_wait3A_84] : memref<125x80xi32, #tpu.memory_space<vmem>> -> memref<1x80xi32, #tpu.memory_space<vmem>>
      %dma_wait3A_86 = tpu.memref_squeeze %dma_wait3A_85 : memref<1x80xi32, #tpu.memory_space<vmem>> -> memref<80xi32, #tpu.memory_space<vmem>>
      %dma_wait3A_87 = arith.constant 0 : i32
      %dma_wait3A_88 = arith.constant 0 : i32
      %dma_wait3A_89 = tpu.memref_slice %arg2[%dma_wait3A_87, %dma_wait3A_88] : memref<10240x64xf32, #tpu.memory_space<hbm>> -> memref<10240x64xf32, #tpu.memory_space<hbm>>
      tpu.wait_indirect_dma semaphore(%arg11 : memref<!tpu.dma_semaphore, #tpu.memory_space<semaphore_mem>>) src(%dma_wait3A_89 : memref<10240x64xf32, #tpu.memory_space<hbm>>) dst(%dma_wait3A_83 : memref<80x64xf32, #tpu.memory_space<vmem>>)
      %run_scoped3A_90 = arith.constant 0 : i32
      "tpu.region"() ({
        %run_scoped3A_122 = tpu.sem_alloc : memref<!tpu.dma_semaphore, #tpu.memory_space<semaphore_mem>>
        %dma_start3A_123 = arith.constant 0 : i32
        %dma_start3A_124 = arith.constant 0 : i32
        %dma_start3A_125 = tpu.memref_slice %arg8[%run_scoped3A_90, %dma_start3A_123, %dma_start3A_124] : memref<2x80x64xf32, #tpu.memory_space<vmem>> -> memref<1x80x64xf32, #tpu.memory_space<vmem>>
        %dma_start3A_126 = tpu.memref_squeeze %dma_start3A_125 : memref<1x80x64xf32, #tpu.memory_space<vmem>> -> memref<80x64xf32, #tpu.memory_space<vmem>>
        %dma_start3A_127 = arith.constant 0 : i32
        %dma_start3A_128 = tpu.memref_slice %arg7[%mul3A_65, %dma_start3A_127] : memref<125x80xi32, #tpu.memory_space<vmem>> -> memref<1x80xi32, #tpu.memory_space<vmem>>
        %dma_start3A_129 = tpu.memref_squeeze %dma_start3A_128 : memref<1x80xi32, #tpu.memory_space<vmem>> -> memref<80xi32, #tpu.memory_space<vmem>>
        %dma_start3A_130 = arith.constant 0 : i32
        %dma_start3A_131 = arith.constant 0 : i32
        %dma_start3A_132 = tpu.memref_slice %arg10[%dma_start3A_130, %dma_start3A_131] : memref<10240x64xf32, #tpu.memory_space<vmem_shared>> -> memref<10240x64xf32, #tpu.memory_space<vmem_shared>>
        tpu.enqueue_indirect_dma source(%dma_start3A_126 : memref<80x64xf32, #tpu.memory_space<vmem>>) target(%dma_start3A_132 : memref<10240x64xf32, #tpu.memory_space<vmem_shared>>) offsets(%dma_start3A_129 : memref<80xi32, #tpu.memory_space<vmem>>) semaphore(%run_scoped3A_122 : memref<!tpu.dma_semaphore, #tpu.memory_space<semaphore_mem>>) {add = true}
        %dma_wait3A_133 = arith.constant 0 : i32
        %dma_wait3A_134 = arith.constant 0 : i32
        %dma_wait3A_135 = tpu.memref_slice %arg8[%run_scoped3A_90, %dma_wait3A_133, %dma_wait3A_134] : memref<2x80x64xf32, #tpu.memory_space<vmem>> -> memref<1x80x64xf32, #tpu.memory_space<vmem>>
        %dma_wait3A_136 = tpu.memref_squeeze %dma_wait3A_135 : memref<1x80x64xf32, #tpu.memory_space<vmem>> -> memref<80x64xf32, #tpu.memory_space<vmem>>
        %dma_wait3A_137 = arith.constant 0 : i32
        %dma_wait3A_138 = tpu.memref_slice %arg7[%mul3A_65, %dma_wait3A_137] : memref<125x80xi32, #tpu.memory_space<vmem>> -> memref<1x80xi32, #tpu.memory_space<vmem>>
        %dma_wait3A_139 = tpu.memref_squeeze %dma_wait3A_138 : memref<1x80xi32, #tpu.memory_space<vmem>> -> memref<80xi32, #tpu.memory_space<vmem>>
        %dma_wait3A_140 = arith.constant 0 : i32
        %dma_wait3A_141 = arith.constant 0 : i32
        %dma_wait3A_142 = tpu.memref_slice %arg10[%dma_wait3A_140, %dma_wait3A_141] : memref<10240x64xf32, #tpu.memory_space<vmem_shared>> -> memref<10240x64xf32, #tpu.memory_space<vmem_shared>>
        tpu.wait_indirect_dma semaphore(%run_scoped3A_122 : memref<!tpu.dma_semaphore, #tpu.memory_space<semaphore_mem>>) src(%dma_wait3A_136 : memref<80x64xf32, #tpu.memory_space<vmem>>) dst(%dma_wait3A_142 : memref<10240x64xf32, #tpu.memory_space<vmem_shared>>)
        tpu.yield
      }) : () -> ()
      %add3A_91 = arith.constant 2 : i32
      %add3A_92 = arith.addi %mul3A_65, %add3A_91 : i32
      %min3A = arith.constant 124 : i32
      %min3A_93 = arith.minsi %add3A_92, %min3A : i32
      %dma_start3A_94 = arith.constant 0 : i32
      %dma_start3A_95 = arith.constant 0 : i32
      %dma_start3A_96 = arith.constant 0 : i32
      %dma_start3A_97 = tpu.memref_slice %arg8[%dma_start3A_94, %dma_start3A_95, %dma_start3A_96] : memref<2x80x64xf32, #tpu.memory_space<vmem>> -> memref<1x80x64xf32, #tpu.memory_space<vmem>>
      %dma_start3A_98 = tpu.memref_squeeze %dma_start3A_97 : memref<1x80x64xf32, #tpu.memory_space<vmem>> -> memref<80x64xf32, #tpu.memory_space<vmem>>
      %dma_start3A_99 = arith.constant 0 : i32
      %dma_start3A_100 = tpu.memref_slice %arg6[%min3A_93, %dma_start3A_99] : memref<125x80xi32, #tpu.memory_space<vmem>> -> memref<1x80xi32, #tpu.memory_space<vmem>>
      %dma_start3A_101 = tpu.memref_squeeze %dma_start3A_100 : memref<1x80xi32, #tpu.memory_space<vmem>> -> memref<80xi32, #tpu.memory_space<vmem>>
      %dma_start3A_102 = arith.constant 0 : i32
      %dma_start3A_103 = arith.constant 0 : i32
      %dma_start3A_104 = tpu.memref_slice %arg2[%dma_start3A_102, %dma_start3A_103] : memref<10240x64xf32, #tpu.memory_space<hbm>> -> memref<10240x64xf32, #tpu.memory_space<hbm>>
      tpu.enqueue_indirect_dma source(%dma_start3A_104 : memref<10240x64xf32, #tpu.memory_space<hbm>>) target(%dma_start3A_98 : memref<80x64xf32, #tpu.memory_space<vmem>>) offsets(%dma_start3A_101 : memref<80xi32, #tpu.memory_space<vmem>>) semaphore(%arg11 : memref<!tpu.dma_semaphore, #tpu.memory_space<semaphore_mem>>)
      %add3A_105 = arith.constant 1 : i32
      %add3A_106 = arith.addi %mul3A_65, %add3A_105 : i32
      %dma_wait3A_107 = arith.constant 1 : i32
      %dma_wait3A_108 = arith.constant 0 : i32
      %dma_wait3A_109 = arith.constant 0 : i32
      %dma_wait3A_110 = tpu.memref_slice %arg8[%dma_wait3A_107, %dma_wait3A_108, %dma_wait3A_109] : memref<2x80x64xf32, #tpu.memory_space<vmem>> -> memref<1x80x64xf32, #tpu.memory_space<vmem>>
      %dma_wait3A_111 = tpu.memref_squeeze %dma_wait3A_110 : memref<1x80x64xf32, #tpu.memory_space<vmem>> -> memref<80x64xf32, #tpu.memory_space<vmem>>
      %dma_wait3A_112 = arith.constant 0 : i32
      %dma_wait3A_113 = tpu.memref_slice %arg6[%add3A_106, %dma_wait3A_112] : memref<125x80xi32, #tpu.memory_space<vmem>> -> memref<1x80xi32, #tpu.memory_space<vmem>>
      %dma_wait3A_114 = tpu.memref_squeeze %dma_wait3A_113 : memref<1x80xi32, #tpu.memory_space<vmem>> -> memref<80xi32, #tpu.memory_space<vmem>>
      %dma_wait3A_115 = arith.constant 0 : i32
      %dma_wait3A_116 = arith.constant 0 : i32
      %dma_wait3A_117 = tpu.memref_slice %arg2[%dma_wait3A_115, %dma_wait3A_116] : memref<10240x64xf32, #tpu.memory_space<hbm>> -> memref<10240x64xf32, #tpu.memory_space<hbm>>
      tpu.wait_indirect_dma semaphore(%arg12 : memref<!tpu.dma_semaphore, #tpu.memory_space<semaphore_mem>>) src(%dma_wait3A_117 : memref<10240x64xf32, #tpu.memory_space<hbm>>) dst(%dma_wait3A_111 : memref<80x64xf32, #tpu.memory_space<vmem>>)
      %add3A_118 = arith.constant 1 : i32
      %add3A_119 = arith.addi %mul3A_65, %add3A_118 : i32
      %run_scoped3A_120 = arith.constant 1 : i32
      "tpu.region"() ({
        %run_scoped3A_122 = tpu.sem_alloc : memref<!tpu.dma_semaphore, #tpu.memory_space<semaphore_mem>>
        %dma_start3A_123 = arith.constant 0 : i32
        %dma_start3A_124 = arith.constant 0 : i32
        %dma_start3A_125 = tpu.memref_slice %arg8[%run_scoped3A_120, %dma_start3A_123, %dma_start3A_124] : memref<2x80x64xf32, #tpu.memory_space<vmem>> -> memref<1x80x64xf32, #tpu.memory_space<vmem>>
        %dma_start3A_126 = tpu.memref_squeeze %dma_start3A_125 : memref<1x80x64xf32, #tpu.memory_space<vmem>> -> memref<80x64xf32, #tpu.memory_space<vmem>>
        %dma_start3A_127 = arith.constant 0 : i32
        %dma_start3A_128 = tpu.memref_slice %arg7[%add3A_119, %dma_start3A_127] : memref<125x80xi32, #tpu.memory_space<vmem>> -> memref<1x80xi32, #tpu.memory_space<vmem>>
        %dma_start3A_129 = tpu.memref_squeeze %dma_start3A_128 : memref<1x80xi32, #tpu.memory_space<vmem>> -> memref<80xi32, #tpu.memory_space<vmem>>
        %dma_start3A_130 = arith.constant 0 : i32
        %dma_start3A_131 = arith.constant 0 : i32
        %dma_start3A_132 = tpu.memref_slice %arg10[%dma_start3A_130, %dma_start3A_131] : memref<10240x64xf32, #tpu.memory_space<vmem_shared>> -> memref<10240x64xf32, #tpu.memory_space<vmem_shared>>
        tpu.enqueue_indirect_dma source(%dma_start3A_126 : memref<80x64xf32, #tpu.memory_space<vmem>>) target(%dma_start3A_132 : memref<10240x64xf32, #tpu.memory_space<vmem_shared>>) offsets(%dma_start3A_129 : memref<80xi32, #tpu.memory_space<vmem>>) semaphore(%run_scoped3A_122 : memref<!tpu.dma_semaphore, #tpu.memory_space<semaphore_mem>>) {add = true}
        %dma_wait3A_133 = arith.constant 0 : i32
        %dma_wait3A_134 = arith.constant 0 : i32
        %dma_wait3A_135 = tpu.memref_slice %arg8[%run_scoped3A_120, %dma_wait3A_133, %dma_wait3A_134] : memref<2x80x64xf32, #tpu.memory_space<vmem>> -> memref<1x80x64xf32, #tpu.memory_space<vmem>>
        %dma_wait3A_136 = tpu.memref_squeeze %dma_wait3A_135 : memref<1x80x64xf32, #tpu.memory_space<vmem>> -> memref<80x64xf32, #tpu.memory_space<vmem>>
        %dma_wait3A_137 = arith.constant 0 : i32
        %dma_wait3A_138 = tpu.memref_slice %arg7[%add3A_119, %dma_wait3A_137] : memref<125x80xi32, #tpu.memory_space<vmem>> -> memref<1x80xi32, #tpu.memory_space<vmem>>
        %dma_wait3A_139 = tpu.memref_squeeze %dma_wait3A_138 : memref<1x80xi32, #tpu.memory_space<vmem>> -> memref<80xi32, #tpu.memory_space<vmem>>
        %dma_wait3A_140 = arith.constant 0 : i32
        %dma_wait3A_141 = arith.constant 0 : i32
        %dma_wait3A_142 = tpu.memref_slice %arg10[%dma_wait3A_140, %dma_wait3A_141] : memref<10240x64xf32, #tpu.memory_space<vmem_shared>> -> memref<10240x64xf32, #tpu.memory_space<vmem_shared>>
        tpu.wait_indirect_dma semaphore(%run_scoped3A_122 : memref<!tpu.dma_semaphore, #tpu.memory_space<semaphore_mem>>) src(%dma_wait3A_136 : memref<80x64xf32, #tpu.memory_space<vmem>>) dst(%dma_wait3A_142 : memref<10240x64xf32, #tpu.memory_space<vmem_shared>>)
        tpu.yield
      }) : () -> ()
      %scan3A_121 = arith.constant 0 : i32
      scf.yield %scan3A_121 : i32
    }
    %scan3A_44 = arith.constant 62 : i32
    %dma_wait3A = arith.constant 124 : i32
    %dma_wait3A_45 = arith.constant 0 : i32
    %dma_wait3A_46 = arith.constant 0 : i32
    %dma_wait3A_47 = arith.constant 0 : i32
    %dma_wait3A_48 = tpu.memref_slice %arg8[%dma_wait3A_45, %dma_wait3A_46, %dma_wait3A_47] : memref<2x80x64xf32, #tpu.memory_space<vmem>> -> memref<1x80x64xf32, #tpu.memory_space<vmem>>
    %dma_wait3A_49 = tpu.memref_squeeze %dma_wait3A_48 : memref<1x80x64xf32, #tpu.memory_space<vmem>> -> memref<80x64xf32, #tpu.memory_space<vmem>>
    %dma_wait3A_50 = arith.constant 0 : i32
    %dma_wait3A_51 = tpu.memref_slice %arg6[%dma_wait3A, %dma_wait3A_50] : memref<125x80xi32, #tpu.memory_space<vmem>> -> memref<1x80xi32, #tpu.memory_space<vmem>>
    %dma_wait3A_52 = tpu.memref_squeeze %dma_wait3A_51 : memref<1x80xi32, #tpu.memory_space<vmem>> -> memref<80xi32, #tpu.memory_space<vmem>>
    %dma_wait3A_53 = arith.constant 0 : i32
    %dma_wait3A_54 = arith.constant 0 : i32
    %dma_wait3A_55 = tpu.memref_slice %arg2[%dma_wait3A_53, %dma_wait3A_54] : memref<10240x64xf32, #tpu.memory_space<hbm>> -> memref<10240x64xf32, #tpu.memory_space<hbm>>
    tpu.wait_indirect_dma semaphore(%arg11 : memref<!tpu.dma_semaphore, #tpu.memory_space<semaphore_mem>>) src(%dma_wait3A_55 : memref<10240x64xf32, #tpu.memory_space<hbm>>) dst(%dma_wait3A_49 : memref<80x64xf32, #tpu.memory_space<vmem>>)
    %run_scoped3A = arith.constant 0 : i32
    %run_scoped3A_56 = arith.constant 124 : i32
    "tpu.region"() ({
      %run_scoped3A_62 = tpu.sem_alloc : memref<!tpu.dma_semaphore, #tpu.memory_space<semaphore_mem>>
      %dma_start3A_63 = arith.constant 0 : i32
      %dma_start3A_64 = arith.constant 0 : i32
      %dma_start3A_65 = tpu.memref_slice %arg8[%run_scoped3A, %dma_start3A_63, %dma_start3A_64] : memref<2x80x64xf32, #tpu.memory_space<vmem>> -> memref<1x80x64xf32, #tpu.memory_space<vmem>>
      %dma_start3A_66 = tpu.memref_squeeze %dma_start3A_65 : memref<1x80x64xf32, #tpu.memory_space<vmem>> -> memref<80x64xf32, #tpu.memory_space<vmem>>
      %dma_start3A_67 = arith.constant 0 : i32
      %dma_start3A_68 = tpu.memref_slice %arg7[%run_scoped3A_56, %dma_start3A_67] : memref<125x80xi32, #tpu.memory_space<vmem>> -> memref<1x80xi32, #tpu.memory_space<vmem>>
      %dma_start3A_69 = tpu.memref_squeeze %dma_start3A_68 : memref<1x80xi32, #tpu.memory_space<vmem>> -> memref<80xi32, #tpu.memory_space<vmem>>
      %dma_start3A_70 = arith.constant 0 : i32
      %dma_start3A_71 = arith.constant 0 : i32
      %dma_start3A_72 = tpu.memref_slice %arg10[%dma_start3A_70, %dma_start3A_71] : memref<10240x64xf32, #tpu.memory_space<vmem_shared>> -> memref<10240x64xf32, #tpu.memory_space<vmem_shared>>
      tpu.enqueue_indirect_dma source(%dma_start3A_66 : memref<80x64xf32, #tpu.memory_space<vmem>>) target(%dma_start3A_72 : memref<10240x64xf32, #tpu.memory_space<vmem_shared>>) offsets(%dma_start3A_69 : memref<80xi32, #tpu.memory_space<vmem>>) semaphore(%run_scoped3A_62 : memref<!tpu.dma_semaphore, #tpu.memory_space<semaphore_mem>>) {add = true}
      %dma_wait3A_73 = arith.constant 0 : i32
      %dma_wait3A_74 = arith.constant 0 : i32
      %dma_wait3A_75 = tpu.memref_slice %arg8[%run_scoped3A, %dma_wait3A_73, %dma_wait3A_74] : memref<2x80x64xf32, #tpu.memory_space<vmem>> -> memref<1x80x64xf32, #tpu.memory_space<vmem>>
      %dma_wait3A_76 = tpu.memref_squeeze %dma_wait3A_75 : memref<1x80x64xf32, #tpu.memory_space<vmem>> -> memref<80x64xf32, #tpu.memory_space<vmem>>
      %dma_wait3A_77 = arith.constant 0 : i32
      %dma_wait3A_78 = tpu.memref_slice %arg7[%run_scoped3A_56, %dma_wait3A_77] : memref<125x80xi32, #tpu.memory_space<vmem>> -> memref<1x80xi32, #tpu.memory_space<vmem>>
      %dma_wait3A_79 = tpu.memref_squeeze %dma_wait3A_78 : memref<1x80xi32, #tpu.memory_space<vmem>> -> memref<80xi32, #tpu.memory_space<vmem>>
      %dma_wait3A_80 = arith.constant 0 : i32
      %dma_wait3A_81 = arith.constant 0 : i32
      %dma_wait3A_82 = tpu.memref_slice %arg10[%dma_wait3A_80, %dma_wait3A_81] : memref<10240x64xf32, #tpu.memory_space<vmem_shared>> -> memref<10240x64xf32, #tpu.memory_space<vmem_shared>>
      tpu.wait_indirect_dma semaphore(%run_scoped3A_62 : memref<!tpu.dma_semaphore, #tpu.memory_space<semaphore_mem>>) src(%dma_wait3A_76 : memref<80x64xf32, #tpu.memory_space<vmem>>) dst(%dma_wait3A_82 : memref<10240x64xf32, #tpu.memory_space<vmem_shared>>)
      tpu.yield
    }) : () -> ()
    %barrier3A_57 = arith.constant 0 : index
    tpu.barrier barrier_id(%barrier3A_57)
    %mul3A_58 = arith.constant 640 : i32
    %mul3A_59 = arith.muli %arg1, %mul3A_58 : i32
    %mul3A_60 = arith.constant 640 : i32
    %mul3A_61 = arith.muli %arg1, %mul3A_60 : i32
    "tpu.region"() ({
      %run_scoped3A_62 = tpu.sem_alloc : memref<!tpu.dma_semaphore, #tpu.memory_space<semaphore_mem>>
      %dma_start3A_63 = arith.constant 0 : i32
      %dma_start3A_64 = tpu.memref_slice %arg5[%arg0, %mul3A_61, %dma_start3A_63] : memref<2x10240x64xf32, #tpu.memory_space<hbm>> -> memref<1x640x64xf32, #tpu.memory_space<hbm>>
      %dma_start3A_65 = tpu.memref_squeeze %dma_start3A_64 : memref<1x640x64xf32, #tpu.memory_space<hbm>> -> memref<640x64xf32, #tpu.memory_space<hbm>>
      %dma_start3A_66 = arith.constant 0 : i32
      %dma_start3A_67 = tpu.memref_slice %arg10[%mul3A_59, %dma_start3A_66] : memref<10240x64xf32, #tpu.memory_space<vmem_shared>> -> memref<640x64xf32, #tpu.memory_space<vmem_shared>>
      tpu.enqueue_dma source(%dma_start3A_67 : memref<640x64xf32, #tpu.memory_space<vmem_shared>>) target(%dma_start3A_65 : memref<640x64xf32, #tpu.memory_space<hbm>>) target_semaphore(%run_scoped3A_62 : memref<!tpu.dma_semaphore, #tpu.memory_space<semaphore_mem>>)
      %dma_wait3A_68 = arith.constant 0 : i32
      %dma_wait3A_69 = tpu.memref_slice %arg5[%arg0, %mul3A_61, %dma_wait3A_68] : memref<2x10240x64xf32, #tpu.memory_space<hbm>> -> memref<1x640x64xf32, #tpu.memory_space<hbm>>
      %dma_wait3A_70 = tpu.memref_squeeze %dma_wait3A_69 : memref<1x640x64xf32, #tpu.memory_space<hbm>> -> memref<640x64xf32, #tpu.memory_space<hbm>>
      %dma_wait3A_71 = arith.constant 0 : i32
      %dma_wait3A_72 = tpu.memref_slice %arg10[%mul3A_59, %dma_wait3A_71] : memref<10240x64xf32, #tpu.memory_space<vmem_shared>> -> memref<640x64xf32, #tpu.memory_space<vmem_shared>>
      tpu.wait_dma2 semaphore(%run_scoped3A_62 : memref<!tpu.dma_semaphore, #tpu.memory_space<semaphore_mem>>) src(%dma_wait3A_72 : memref<640x64xf32, #tpu.memory_space<vmem_shared>>) dst(%dma_wait3A_70 : memref<640x64xf32, #tpu.memory_space<hbm>>)
      tpu.yield
    }) : () -> ()
    return
  }
}

#map = affine_map<(d0, d1) -> (0, 0)>
#map1 = affine_map<(d0, d1) -> (0, 0, 0)>
module attributes {stable_mosaic.version = 14 : i64} {
  func.func @k(%arg0: i32, %arg1: i32, %arg2: memref<10240x64xf32, #tpu.memory_space<hbm>>, %arg3: memref<32x125x80xi32, #tpu.memory_space<hbm>>, %arg4: memref<32x125x80xi32, #tpu.memory_space<hbm>>, %arg5: memref<2x10240x64xf32, #tpu.memory_space<hbm>>, %arg6: memref<125x80xi32, #tpu.memory_space<vmem>>, %arg7: memref<125x80xi32, #tpu.memory_space<vmem>>, %arg8: memref<2x80x64xf32, #tpu.memory_space<vmem>>, %arg9: memref<128x64xf32, #tpu.memory_space<vmem>>, %arg10: memref<10240x64xf32, #tpu.memory_space<vmem_shared>>, %arg11: memref<!tpu.dma_semaphore, #tpu.memory_space<semaphore_mem>>, %arg12: memref<!tpu.dma_semaphore, #tpu.memory_space<semaphore_mem>>) attributes {dimension_semantics = [#tpu.dimension_semantics<core_parallel>, #tpu.dimension_semantics<subcore_parallel>], iteration_bounds = array<i64: 2, 16>, scalar_prefetch = 0 : i64, scratch_operands = 7 : i64, tpu.core_type = #tpu.core_type<sc_vector_subcore>, window_params = [{transform_indices = #map}, {transform_indices = #map1}, {transform_indices = #map1}, {transform_indices = #map1}]} {
    %mul3A = arith.constant 2 : i32
    %mul3A_0 = arith.muli %arg1, %mul3A : i32
    %add3A = arith.addi %mul3A_0, %arg0 : i32
    "tpu.region"() ({
      %run_scoped3A_62 = tpu.sem_alloc : memref<!tpu.dma_semaphore, #tpu.memory_space<semaphore_mem>>
      %dma_start3A_63 = arith.constant 0 : i32
      %dma_start3A_64 = arith.constant 0 : i32
      %dma_start3A_65 = tpu.memref_slice %arg3[%add3A, %dma_start3A_63, %dma_start3A_64] : memref<32x125x80xi32, #tpu.memory_space<hbm>> -> memref<1x125x80xi32, #tpu.memory_space<hbm>>
      %dma_start3A_66 = tpu.memref_squeeze %dma_start3A_65 : memref<1x125x80xi32, #tpu.memory_space<hbm>> -> memref<125x80xi32, #tpu.memory_space<hbm>>
      %dma_start3A_67 = arith.constant 0 : i32
      %dma_start3A_68 = arith.constant 0 : i32
      %dma_start3A_69 = tpu.memref_slice %arg3[%add3A, %dma_start3A_67, %dma_start3A_68] : memref<32x125x80xi32, #tpu.memory_space<hbm>> -> memref<1x125x80xi32, #tpu.memory_space<hbm>>
      %dma_start3A_70 = tpu.memref_squeeze %dma_start3A_69 : memref<1x125x80xi32, #tpu.memory_space<hbm>> -> memref<125x80xi32, #tpu.memory_space<hbm>>
      tpu.enqueue_dma source(%dma_start3A_70 : memref<125x80xi32, #tpu.memory_space<hbm>>) target(%arg6 : memref<125x80xi32, #tpu.memory_space<vmem>>) target_semaphore(%run_scoped3A_62 : memref<!tpu.dma_semaphore, #tpu.memory_space<semaphore_mem>>)
      %dma_wait3A_71 = arith.constant 0 : i32
      %dma_wait3A_72 = arith.constant 0 : i32
      %dma_wait3A_73 = tpu.memref_slice %arg3[%add3A, %dma_wait3A_71, %dma_wait3A_72] : memref<32x125x80xi32, #tpu.memory_space<hbm>> -> memref<1x125x80xi32, #tpu.memory_space<hbm>>
      %dma_wait3A_74 = tpu.memref_squeeze %dma_wait3A_73 : memref<1x125x80xi32, #tpu.memory_space<hbm>> -> memref<125x80xi32, #tpu.memory_space<hbm>>
      %dma_wait3A_75 = arith.constant 0 : i32
      %dma_wait3A_76 = arith.constant 0 : i32
      %dma_wait3A_77 = tpu.memref_slice %arg3[%add3A, %dma_wait3A_75, %dma_wait3A_76] : memref<32x125x80xi32, #tpu.memory_space<hbm>> -> memref<1x125x80xi32, #tpu.memory_space<hbm>>
      %dma_wait3A_78 = tpu.memref_squeeze %dma_wait3A_77 : memref<1x125x80xi32, #tpu.memory_space<hbm>> -> memref<125x80xi32, #tpu.memory_space<hbm>>
      tpu.wait_dma2 semaphore(%run_scoped3A_62 : memref<!tpu.dma_semaphore, #tpu.memory_space<semaphore_mem>>) src(%dma_wait3A_78 : memref<125x80xi32, #tpu.memory_space<hbm>>) dst(%arg6 : memref<125x80xi32, #tpu.memory_space<vmem>>)
      tpu.yield
    }) : () -> ()
    "tpu.region"() ({
      %run_scoped3A_62 = tpu.sem_alloc : memref<!tpu.dma_semaphore, #tpu.memory_space<semaphore_mem>>
      %dma_start3A_63 = arith.constant 0 : i32
      %dma_start3A_64 = arith.constant 0 : i32
      %dma_start3A_65 = tpu.memref_slice %arg4[%add3A, %dma_start3A_63, %dma_start3A_64] : memref<32x125x80xi32, #tpu.memory_space<hbm>> -> memref<1x125x80xi32, #tpu.memory_space<hbm>>
      %dma_start3A_66 = tpu.memref_squeeze %dma_start3A_65 : memref<1x125x80xi32, #tpu.memory_space<hbm>> -> memref<125x80xi32, #tpu.memory_space<hbm>>
      %dma_start3A_67 = arith.constant 0 : i32
      %dma_start3A_68 = arith.constant 0 : i32
      %dma_start3A_69 = tpu.memref_slice %arg4[%add3A, %dma_start3A_67, %dma_start3A_68] : memref<32x125x80xi32, #tpu.memory_space<hbm>> -> memref<1x125x80xi32, #tpu.memory_space<hbm>>
      %dma_start3A_70 = tpu.memref_squeeze %dma_start3A_69 : memref<1x125x80xi32, #tpu.memory_space<hbm>> -> memref<125x80xi32, #tpu.memory_space<hbm>>
      tpu.enqueue_dma source(%dma_start3A_70 : memref<125x80xi32, #tpu.memory_space<hbm>>) target(%arg7 : memref<125x80xi32, #tpu.memory_space<vmem>>) target_semaphore(%run_scoped3A_62 : memref<!tpu.dma_semaphore, #tpu.memory_space<semaphore_mem>>)
      %dma_wait3A_71 = arith.constant 0 : i32
      %dma_wait3A_72 = arith.constant 0 : i32
      %dma_wait3A_73 = tpu.memref_slice %arg4[%add3A, %dma_wait3A_71, %dma_wait3A_72] : memref<32x125x80xi32, #tpu.memory_space<hbm>> -> memref<1x125x80xi32, #tpu.memory_space<hbm>>
      %dma_wait3A_74 = tpu.memref_squeeze %dma_wait3A_73 : memref<1x125x80xi32, #tpu.memory_space<hbm>> -> memref<125x80xi32, #tpu.memory_space<hbm>>
      %dma_wait3A_75 = arith.constant 0 : i32
      %dma_wait3A_76 = arith.constant 0 : i32
      %dma_wait3A_77 = tpu.memref_slice %arg4[%add3A, %dma_wait3A_75, %dma_wait3A_76] : memref<32x125x80xi32, #tpu.memory_space<hbm>> -> memref<1x125x80xi32, #tpu.memory_space<hbm>>
      %dma_wait3A_78 = tpu.memref_squeeze %dma_wait3A_77 : memref<1x125x80xi32, #tpu.memory_space<hbm>> -> memref<125x80xi32, #tpu.memory_space<hbm>>
      tpu.wait_dma2 semaphore(%run_scoped3A_62 : memref<!tpu.dma_semaphore, #tpu.memory_space<semaphore_mem>>) src(%dma_wait3A_78 : memref<125x80xi32, #tpu.memory_space<hbm>>) dst(%arg7 : memref<125x80xi32, #tpu.memory_space<vmem>>)
      tpu.yield
    }) : () -> ()
    %dma_start3A = arith.constant 0 : i32
    %dma_start3A_1 = arith.constant 0 : i32
    %dma_start3A_2 = arith.constant 0 : i32
    %dma_start3A_3 = arith.constant 0 : i32
    %dma_start3A_4 = tpu.memref_slice %arg8[%dma_start3A_1, %dma_start3A_2, %dma_start3A_3] : memref<2x80x64xf32, #tpu.memory_space<vmem>> -> memref<1x80x64xf32, #tpu.memory_space<vmem>>
    %dma_start3A_5 = tpu.memref_squeeze %dma_start3A_4 : memref<1x80x64xf32, #tpu.memory_space<vmem>> -> memref<80x64xf32, #tpu.memory_space<vmem>>
    %dma_start3A_6 = arith.constant 0 : i32
    %dma_start3A_7 = tpu.memref_slice %arg6[%dma_start3A, %dma_start3A_6] : memref<125x80xi32, #tpu.memory_space<vmem>> -> memref<1x80xi32, #tpu.memory_space<vmem>>
    %dma_start3A_8 = tpu.memref_squeeze %dma_start3A_7 : memref<1x80xi32, #tpu.memory_space<vmem>> -> memref<80xi32, #tpu.memory_space<vmem>>
    %dma_start3A_9 = arith.constant 0 : i32
    %dma_start3A_10 = arith.constant 0 : i32
    %dma_start3A_11 = tpu.memref_slice %arg2[%dma_start3A_9, %dma_start3A_10] : memref<10240x64xf32, #tpu.memory_space<hbm>> -> memref<10240x64xf32, #tpu.memory_space<hbm>>
    tpu.enqueue_indirect_dma source(%dma_start3A_11 : memref<10240x64xf32, #tpu.memory_space<hbm>>) target(%dma_start3A_5 : memref<80x64xf32, #tpu.memory_space<vmem>>) offsets(%dma_start3A_8 : memref<80xi32, #tpu.memory_space<vmem>>) semaphore(%arg11 : memref<!tpu.dma_semaphore, #tpu.memory_space<semaphore_mem>>)
    %scan3A = arith.constant 0 : i32
    %scan3A_12 = arith.constant 0 : i32
    %scan3A_13 = arith.constant 128 : i32
    %scan3A_14 = arith.addi %scan3A_12, %scan3A_13 : i32
    %scan3A_15 = arith.constant 1 : i32
    %scan3A_16 = scf.for %scan3A_62 = %scan3A_12 to %scan3A_14 step %scan3A_15 iter_args(%scan3A_63 = %scan3A) -> (i32)  : i32 {
      %broadcast_in_dim3A = arith.constant 0.000000e+00 : f32
      %broadcast_in_dim3A_64 = vector.broadcast %broadcast_in_dim3A : f32 to vector<16xf32>
      %swap3A = arith.index_cast %scan3A_62 : i32 to index
      %swap3A_65 = arith.constant 0 : index
      %swap3A_66 = tpu.vector_load %arg9[%swap3A, %swap3A_65] {strides = array<i32>} : memref<128x64xf32, #tpu.memory_space<vmem>>, vector<1x16xf32>,
      %swap3A_67 = vector.shape_cast %swap3A_66 : vector<1x16xf32> to vector<16xf32>
      %swap3A_68 = vector.shape_cast %broadcast_in_dim3A_64 : vector<16xf32> to vector<1x16xf32>
      tpu.vector_store %arg9[%swap3A, %swap3A_65], %swap3A_68 {strides = array<i32>} : memref<128x64xf32, #tpu.memory_space<vmem>>, vector<1x16xf32>,
      %broadcast_in_dim3A_69 = arith.constant 0.000000e+00 : f32
      %broadcast_in_dim3A_70 = vector.broadcast %broadcast_in_dim3A_69 : f32 to vector<16xf32>
      %swap3A_71 = arith.index_cast %scan3A_62 : i32 to index
      %swap3A_72 = arith.constant 16 : index
      %swap3A_73 = tpu.vector_load %arg9[%swap3A_71, %swap3A_72] {strides = array<i32>} : memref<128x64xf32, #tpu.memory_space<vmem>>, vector<1x16xf32>,
      %swap3A_74 = vector.shape_cast %swap3A_73 : vector<1x16xf32> to vector<16xf32>
      %swap3A_75 = vector.shape_cast %broadcast_in_dim3A_70 : vector<16xf32> to vector<1x16xf32>
      tpu.vector_store %arg9[%swap3A_71, %swap3A_72], %swap3A_75 {strides = array<i32>} : memref<128x64xf32, #tpu.memory_space<vmem>>, vector<1x16xf32>,
      %broadcast_in_dim3A_76 = arith.constant 0.000000e+00 : f32
      %broadcast_in_dim3A_77 = vector.broadcast %broadcast_in_dim3A_76 : f32 to vector<16xf32>
      %swap3A_78 = arith.index_cast %scan3A_62 : i32 to index
      %swap3A_79 = arith.constant 32 : index
      %swap3A_80 = tpu.vector_load %arg9[%swap3A_78, %swap3A_79] {strides = array<i32>} : memref<128x64xf32, #tpu.memory_space<vmem>>, vector<1x16xf32>,
      %swap3A_81 = vector.shape_cast %swap3A_80 : vector<1x16xf32> to vector<16xf32>
      %swap3A_82 = vector.shape_cast %broadcast_in_dim3A_77 : vector<16xf32> to vector<1x16xf32>
      tpu.vector_store %arg9[%swap3A_78, %swap3A_79], %swap3A_82 {strides = array<i32>} : memref<128x64xf32, #tpu.memory_space<vmem>>, vector<1x16xf32>,
      %broadcast_in_dim3A_83 = arith.constant 0.000000e+00 : f32
      %broadcast_in_dim3A_84 = vector.broadcast %broadcast_in_dim3A_83 : f32 to vector<16xf32>
      %swap3A_85 = arith.index_cast %scan3A_62 : i32 to index
      %swap3A_86 = arith.constant 48 : index
      %swap3A_87 = tpu.vector_load %arg9[%swap3A_85, %swap3A_86] {strides = array<i32>} : memref<128x64xf32, #tpu.memory_space<vmem>>, vector<1x16xf32>,
      %swap3A_88 = vector.shape_cast %swap3A_87 : vector<1x16xf32> to vector<16xf32>
      %swap3A_89 = vector.shape_cast %broadcast_in_dim3A_84 : vector<16xf32> to vector<1x16xf32>
      tpu.vector_store %arg9[%swap3A_85, %swap3A_86], %swap3A_89 {strides = array<i32>} : memref<128x64xf32, #tpu.memory_space<vmem>>, vector<1x16xf32>,
      %scan3A_90 = arith.constant 0 : i32
      scf.yield %scan3A_90 : i32
    }
    %scan3A_17 = arith.constant 128 : i32
    %mul3A_18 = arith.constant 640 : i32
    %mul3A_19 = arith.muli %arg1, %mul3A_18 : i32
    %add3A_20 = arith.constant 0 : i32
    %add3A_21 = arith.addi %mul3A_19, %add3A_20 : i32
    "tpu.region"() ({
      %run_scoped3A_62 = tpu.sem_alloc : memref<!tpu.dma_semaphore, #tpu.memory_space<semaphore_mem>>
      %dma_start3A_63 = arith.constant 0 : i32
      %dma_start3A_64 = tpu.memref_slice %arg10[%add3A_21, %dma_start3A_63] : memref<10240x64xf32, #tpu.memory_space<vmem_shared>> -> memref<128x64xf32, #tpu.memory_space<vmem_shared>>
      %dma_start3A_65 = arith.constant 0 : i32
      %dma_start3A_66 = tpu.memref_slice %arg10[%add3A_21, %dma_start3A_65] : memref<10240x64xf32, #tpu.memory_space<vmem_shared>> -> memref<128x64xf32, #tpu.memory_space<vmem_shared>>
      tpu.enqueue_dma source(%arg9 : memref<128x64xf32, #tpu.memory_space<vmem>>) target(%dma_start3A_66 : memref<128x64xf32, #tpu.memory_space<vmem_shared>>) target_semaphore(%run_scoped3A_62 : memref<!tpu.dma_semaphore, #tpu.memory_space<semaphore_mem>>)
      %dma_wait3A_67 = arith.constant 0 : i32
      %dma_wait3A_68 = tpu.memref_slice %arg10[%add3A_21, %dma_wait3A_67] : memref<10240x64xf32, #tpu.memory_space<vmem_shared>> -> memref<128x64xf32, #tpu.memory_space<vmem_shared>>
      %dma_wait3A_69 = arith.constant 0 : i32
      %dma_wait3A_70 = tpu.memref_slice %arg10[%add3A_21, %dma_wait3A_69] : memref<10240x64xf32, #tpu.memory_space<vmem_shared>> -> memref<128x64xf32, #tpu.memory_space<vmem_shared>>
      tpu.wait_dma2 semaphore(%run_scoped3A_62 : memref<!tpu.dma_semaphore, #tpu.memory_space<semaphore_mem>>) src(%arg9 : memref<128x64xf32, #tpu.memory_space<vmem>>) dst(%dma_wait3A_70 : memref<128x64xf32, #tpu.memory_space<vmem_shared>>)
      tpu.yield
    }) : () -> ()
    %mul3A_22 = arith.constant 640 : i32
    %mul3A_23 = arith.muli %arg1, %mul3A_22 : i32
    %add3A_24 = arith.constant 128 : i32
    %add3A_25 = arith.addi %mul3A_23, %add3A_24 : i32
    "tpu.region"() ({
      %run_scoped3A_62 = tpu.sem_alloc : memref<!tpu.dma_semaphore, #tpu.memory_space<semaphore_mem>>
      %dma_start3A_63 = arith.constant 0 : i32
      %dma_start3A_64 = tpu.memref_slice %arg10[%add3A_25, %dma_start3A_63] : memref<10240x64xf32, #tpu.memory_space<vmem_shared>> -> memref<128x64xf32, #tpu.memory_space<vmem_shared>>
      %dma_start3A_65 = arith.constant 0 : i32
      %dma_start3A_66 = tpu.memref_slice %arg10[%add3A_25, %dma_start3A_65] : memref<10240x64xf32, #tpu.memory_space<vmem_shared>> -> memref<128x64xf32, #tpu.memory_space<vmem_shared>>
      tpu.enqueue_dma source(%arg9 : memref<128x64xf32, #tpu.memory_space<vmem>>) target(%dma_start3A_66 : memref<128x64xf32, #tpu.memory_space<vmem_shared>>) target_semaphore(%run_scoped3A_62 : memref<!tpu.dma_semaphore, #tpu.memory_space<semaphore_mem>>)
      %dma_wait3A_67 = arith.constant 0 : i32
      %dma_wait3A_68 = tpu.memref_slice %arg10[%add3A_25, %dma_wait3A_67] : memref<10240x64xf32, #tpu.memory_space<vmem_shared>> -> memref<128x64xf32, #tpu.memory_space<vmem_shared>>
      %dma_wait3A_69 = arith.constant 0 : i32
      %dma_wait3A_70 = tpu.memref_slice %arg10[%add3A_25, %dma_wait3A_69] : memref<10240x64xf32, #tpu.memory_space<vmem_shared>> -> memref<128x64xf32, #tpu.memory_space<vmem_shared>>
      tpu.wait_dma2 semaphore(%run_scoped3A_62 : memref<!tpu.dma_semaphore, #tpu.memory_space<semaphore_mem>>) src(%arg9 : memref<128x64xf32, #tpu.memory_space<vmem>>) dst(%dma_wait3A_70 : memref<128x64xf32, #tpu.memory_space<vmem_shared>>)
      tpu.yield
    }) : () -> ()
    %mul3A_26 = arith.constant 640 : i32
    %mul3A_27 = arith.muli %arg1, %mul3A_26 : i32
    %add3A_28 = arith.constant 256 : i32
    %add3A_29 = arith.addi %mul3A_27, %add3A_28 : i32
    "tpu.region"() ({
      %run_scoped3A_62 = tpu.sem_alloc : memref<!tpu.dma_semaphore, #tpu.memory_space<semaphore_mem>>
      %dma_start3A_63 = arith.constant 0 : i32
      %dma_start3A_64 = tpu.memref_slice %arg10[%add3A_29, %dma_start3A_63] : memref<10240x64xf32, #tpu.memory_space<vmem_shared>> -> memref<128x64xf32, #tpu.memory_space<vmem_shared>>
      %dma_start3A_65 = arith.constant 0 : i32
      %dma_start3A_66 = tpu.memref_slice %arg10[%add3A_29, %dma_start3A_65] : memref<10240x64xf32, #tpu.memory_space<vmem_shared>> -> memref<128x64xf32, #tpu.memory_space<vmem_shared>>
      tpu.enqueue_dma source(%arg9 : memref<128x64xf32, #tpu.memory_space<vmem>>) target(%dma_start3A_66 : memref<128x64xf32, #tpu.memory_space<vmem_shared>>) target_semaphore(%run_scoped3A_62 : memref<!tpu.dma_semaphore, #tpu.memory_space<semaphore_mem>>)
      %dma_wait3A_67 = arith.constant 0 : i32
      %dma_wait3A_68 = tpu.memref_slice %arg10[%add3A_29, %dma_wait3A_67] : memref<10240x64xf32, #tpu.memory_space<vmem_shared>> -> memref<128x64xf32, #tpu.memory_space<vmem_shared>>
      %dma_wait3A_69 = arith.constant 0 : i32
      %dma_wait3A_70 = tpu.memref_slice %arg10[%add3A_29, %dma_wait3A_69] : memref<10240x64xf32, #tpu.memory_space<vmem_shared>> -> memref<128x64xf32, #tpu.memory_space<vmem_shared>>
      tpu.wait_dma2 semaphore(%run_scoped3A_62 : memref<!tpu.dma_semaphore, #tpu.memory_space<semaphore_mem>>) src(%arg9 : memref<128x64xf32, #tpu.memory_space<vmem>>) dst(%dma_wait3A_70 : memref<128x64xf32, #tpu.memory_space<vmem_shared>>)
      tpu.yield
    }) : () -> ()
    %mul3A_30 = arith.constant 640 : i32
    %mul3A_31 = arith.muli %arg1, %mul3A_30 : i32
    %add3A_32 = arith.constant 384 : i32
    %add3A_33 = arith.addi %mul3A_31, %add3A_32 : i32
    "tpu.region"() ({
      %run_scoped3A_62 = tpu.sem_alloc : memref<!tpu.dma_semaphore, #tpu.memory_space<semaphore_mem>>
      %dma_start3A_63 = arith.constant 0 : i32
      %dma_start3A_64 = tpu.memref_slice %arg10[%add3A_33, %dma_start3A_63] : memref<10240x64xf32, #tpu.memory_space<vmem_shared>> -> memref<128x64xf32, #tpu.memory_space<vmem_shared>>
      %dma_start3A_65 = arith.constant 0 : i32
      %dma_start3A_66 = tpu.memref_slice %arg10[%add3A_33, %dma_start3A_65] : memref<10240x64xf32, #tpu.memory_space<vmem_shared>> -> memref<128x64xf32, #tpu.memory_space<vmem_shared>>
      tpu.enqueue_dma source(%arg9 : memref<128x64xf32, #tpu.memory_space<vmem>>) target(%dma_start3A_66 : memref<128x64xf32, #tpu.memory_space<vmem_shared>>) target_semaphore(%run_scoped3A_62 : memref<!tpu.dma_semaphore, #tpu.memory_space<semaphore_mem>>)
      %dma_wait3A_67 = arith.constant 0 : i32
      %dma_wait3A_68 = tpu.memref_slice %arg10[%add3A_33, %dma_wait3A_67] : memref<10240x64xf32, #tpu.memory_space<vmem_shared>> -> memref<128x64xf32, #tpu.memory_space<vmem_shared>>
      %dma_wait3A_69 = arith.constant 0 : i32
      %dma_wait3A_70 = tpu.memref_slice %arg10[%add3A_33, %dma_wait3A_69] : memref<10240x64xf32, #tpu.memory_space<vmem_shared>> -> memref<128x64xf32, #tpu.memory_space<vmem_shared>>
      tpu.wait_dma2 semaphore(%run_scoped3A_62 : memref<!tpu.dma_semaphore, #tpu.memory_space<semaphore_mem>>) src(%arg9 : memref<128x64xf32, #tpu.memory_space<vmem>>) dst(%dma_wait3A_70 : memref<128x64xf32, #tpu.memory_space<vmem_shared>>)
      tpu.yield
    }) : () -> ()
    %mul3A_34 = arith.constant 640 : i32
    %mul3A_35 = arith.muli %arg1, %mul3A_34 : i32
    %add3A_36 = arith.constant 512 : i32
    %add3A_37 = arith.addi %mul3A_35, %add3A_36 : i32
    "tpu.region"() ({
      %run_scoped3A_62 = tpu.sem_alloc : memref<!tpu.dma_semaphore, #tpu.memory_space<semaphore_mem>>
      %dma_start3A_63 = arith.constant 0 : i32
      %dma_start3A_64 = tpu.memref_slice %arg10[%add3A_37, %dma_start3A_63] : memref<10240x64xf32, #tpu.memory_space<vmem_shared>> -> memref<128x64xf32, #tpu.memory_space<vmem_shared>>
      %dma_start3A_65 = arith.constant 0 : i32
      %dma_start3A_66 = tpu.memref_slice %arg10[%add3A_37, %dma_start3A_65] : memref<10240x64xf32, #tpu.memory_space<vmem_shared>> -> memref<128x64xf32, #tpu.memory_space<vmem_shared>>
      tpu.enqueue_dma source(%arg9 : memref<128x64xf32, #tpu.memory_space<vmem>>) target(%dma_start3A_66 : memref<128x64xf32, #tpu.memory_space<vmem_shared>>) target_semaphore(%run_scoped3A_62 : memref<!tpu.dma_semaphore, #tpu.memory_space<semaphore_mem>>)
      %dma_wait3A_67 = arith.constant 0 : i32
      %dma_wait3A_68 = tpu.memref_slice %arg10[%add3A_37, %dma_wait3A_67] : memref<10240x64xf32, #tpu.memory_space<vmem_shared>> -> memref<128x64xf32, #tpu.memory_space<vmem_shared>>
      %dma_wait3A_69 = arith.constant 0 : i32
      %dma_wait3A_70 = tpu.memref_slice %arg10[%add3A_37, %dma_wait3A_69] : memref<10240x64xf32, #tpu.memory_space<vmem_shared>> -> memref<128x64xf32, #tpu.memory_space<vmem_shared>>
      tpu.wait_dma2 semaphore(%run_scoped3A_62 : memref<!tpu.dma_semaphore, #tpu.memory_space<semaphore_mem>>) src(%arg9 : memref<128x64xf32, #tpu.memory_space<vmem>>) dst(%dma_wait3A_70 : memref<128x64xf32, #tpu.memory_space<vmem_shared>>)
      tpu.yield
    }) : () -> ()
    %barrier3A = arith.constant 0 : index
    tpu.barrier barrier_id(%barrier3A)
    %scan3A_38 = arith.constant 0 : i32
    %scan3A_39 = arith.constant 0 : i32
    %scan3A_40 = arith.constant 62 : i32
    %scan3A_41 = arith.addi %scan3A_39, %scan3A_40 : i32
    %scan3A_42 = arith.constant 1 : i32
    %scan3A_43 = scf.for %scan3A_62 = %scan3A_39 to %scan3A_41 step %scan3A_42 iter_args(%scan3A_63 = %scan3A_38) -> (i32)  : i32 {
      %mul3A_64 = arith.constant 2 : i32
      %mul3A_65 = arith.muli %scan3A_62, %mul3A_64 : i32
      %add3A_66 = arith.constant 1 : i32
      %add3A_67 = arith.addi %mul3A_65, %add3A_66 : i32
      %dma_start3A_68 = arith.constant 1 : i32
      %dma_start3A_69 = arith.constant 0 : i32
      %dma_start3A_70 = arith.constant 0 : i32
      %dma_start3A_71 = tpu.memref_slice %arg8[%dma_start3A_68, %dma_start3A_69, %dma_start3A_70] : memref<2x80x64xf32, #tpu.memory_space<vmem>> -> memref<1x80x64xf32, #tpu.memory_space<vmem>>
      %dma_start3A_72 = tpu.memref_squeeze %dma_start3A_71 : memref<1x80x64xf32, #tpu.memory_space<vmem>> -> memref<80x64xf32, #tpu.memory_space<vmem>>
      %dma_start3A_73 = arith.constant 0 : i32
      %dma_start3A_74 = tpu.memref_slice %arg6[%add3A_67, %dma_start3A_73] : memref<125x80xi32, #tpu.memory_space<vmem>> -> memref<1x80xi32, #tpu.memory_space<vmem>>
      %dma_start3A_75 = tpu.memref_squeeze %dma_start3A_74 : memref<1x80xi32, #tpu.memory_space<vmem>> -> memref<80xi32, #tpu.memory_space<vmem>>
      %dma_start3A_76 = arith.constant 0 : i32
      %dma_start3A_77 = arith.constant 0 : i32
      %dma_start3A_78 = tpu.memref_slice %arg2[%dma_start3A_76, %dma_start3A_77] : memref<10240x64xf32, #tpu.memory_space<hbm>> -> memref<10240x64xf32, #tpu.memory_space<hbm>>
      tpu.enqueue_indirect_dma source(%dma_start3A_78 : memref<10240x64xf32, #tpu.memory_space<hbm>>) target(%dma_start3A_72 : memref<80x64xf32, #tpu.memory_space<vmem>>) offsets(%dma_start3A_75 : memref<80xi32, #tpu.memory_space<vmem>>) semaphore(%arg12 : memref<!tpu.dma_semaphore, #tpu.memory_space<semaphore_mem>>)
      %dma_wait3A_79 = arith.constant 0 : i32
      %dma_wait3A_80 = arith.constant 0 : i32
      %dma_wait3A_81 = arith.constant 0 : i32
      %dma_wait3A_82 = tpu.memref_slice %arg8[%dma_wait3A_79, %dma_wait3A_80, %dma_wait3A_81] : memref<2x80x64xf32, #tpu.memory_space<vmem>> -> memref<1x80x64xf32, #tpu.memory_space<vmem>>
      %dma_wait3A_83 = tpu.memref_squeeze %dma_wait3A_82 : memref<1x80x64xf32, #tpu.memory_space<vmem>> -> memref<80x64xf32, #tpu.memory_space<vmem>>
      %dma_wait3A_84 = arith.constant 0 : i32
      %dma_wait3A_85 = tpu.memref_slice %arg6[%mul3A_65, %dma_wait3A_84] : memref<125x80xi32, #tpu.memory_space<vmem>> -> memref<1x80xi32, #tpu.memory_space<vmem>>
      %dma_wait3A_86 = tpu.memref_squeeze %dma_wait3A_85 : memref<1x80xi32, #tpu.memory_space<vmem>> -> memref<80xi32, #tpu.memory_space<vmem>>
      %dma_wait3A_87 = arith.constant 0 : i32
      %dma_wait3A_88 = arith.constant 0 : i32
      %dma_wait3A_89 = tpu.memref_slice %arg2[%dma_wait3A_87, %dma_wait3A_88] : memref<10240x64xf32, #tpu.memory_space<hbm>> -> memref<10240x64xf32, #tpu.memory_space<hbm>>
      tpu.wait_indirect_dma semaphore(%arg11 : memref<!tpu.dma_semaphore, #tpu.memory_space<semaphore_mem>>) src(%dma_wait3A_89 : memref<10240x64xf32, #tpu.memory_space<hbm>>) dst(%dma_wait3A_83 : memref<80x64xf32, #tpu.memory_space<vmem>>)
      %run_scoped3A_90 = arith.constant 0 : i32
      "tpu.region"() ({
        %run_scoped3A_122 = tpu.sem_alloc : memref<!tpu.dma_semaphore, #tpu.memory_space<semaphore_mem>>
        %dma_start3A_123 = arith.constant 0 : i32
        %dma_start3A_124 = arith.constant 0 : i32
        %dma_start3A_125 = tpu.memref_slice %arg8[%run_scoped3A_90, %dma_start3A_123, %dma_start3A_124] : memref<2x80x64xf32, #tpu.memory_space<vmem>> -> memref<1x80x64xf32, #tpu.memory_space<vmem>>
        %dma_start3A_126 = tpu.memref_squeeze %dma_start3A_125 : memref<1x80x64xf32, #tpu.memory_space<vmem>> -> memref<80x64xf32, #tpu.memory_space<vmem>>
        %dma_start3A_127 = arith.constant 0 : i32
        %dma_start3A_128 = tpu.memref_slice %arg7[%mul3A_65, %dma_start3A_127] : memref<125x80xi32, #tpu.memory_space<vmem>> -> memref<1x80xi32, #tpu.memory_space<vmem>>
        %dma_start3A_129 = tpu.memref_squeeze %dma_start3A_128 : memref<1x80xi32, #tpu.memory_space<vmem>> -> memref<80xi32, #tpu.memory_space<vmem>>
        %dma_start3A_130 = arith.constant 0 : i32
        %dma_start3A_131 = arith.constant 0 : i32
        %dma_start3A_132 = tpu.memref_slice %arg10[%dma_start3A_130, %dma_start3A_131] : memref<10240x64xf32, #tpu.memory_space<vmem_shared>> -> memref<10240x64xf32, #tpu.memory_space<vmem_shared>>
        tpu.enqueue_indirect_dma source(%dma_start3A_126 : memref<80x64xf32, #tpu.memory_space<vmem>>) target(%dma_start3A_132 : memref<10240x64xf32, #tpu.memory_space<vmem_shared>>) offsets(%dma_start3A_129 : memref<80xi32, #tpu.memory_space<vmem>>) semaphore(%run_scoped3A_122 : memref<!tpu.dma_semaphore, #tpu.memory_space<semaphore_mem>>) {add = true}
        %dma_wait3A_133 = arith.constant 0 : i32
        %dma_wait3A_134 = arith.constant 0 : i32
        %dma_wait3A_135 = tpu.memref_slice %arg8[%run_scoped3A_90, %dma_wait3A_133, %dma_wait3A_134] : memref<2x80x64xf32, #tpu.memory_space<vmem>> -> memref<1x80x64xf32, #tpu.memory_space<vmem>>
        %dma_wait3A_136 = tpu.memref_squeeze %dma_wait3A_135 : memref<1x80x64xf32, #tpu.memory_space<vmem>> -> memref<80x64xf32, #tpu.memory_space<vmem>>
        %dma_wait3A_137 = arith.constant 0 : i32
        %dma_wait3A_138 = tpu.memref_slice %arg7[%mul3A_65, %dma_wait3A_137] : memref<125x80xi32, #tpu.memory_space<vmem>> -> memref<1x80xi32, #tpu.memory_space<vmem>>
        %dma_wait3A_139 = tpu.memref_squeeze %dma_wait3A_138 : memref<1x80xi32, #tpu.memory_space<vmem>> -> memref<80xi32, #tpu.memory_space<vmem>>
        %dma_wait3A_140 = arith.constant 0 : i32
        %dma_wait3A_141 = arith.constant 0 : i32
        %dma_wait3A_142 = tpu.memref_slice %arg10[%dma_wait3A_140, %dma_wait3A_141] : memref<10240x64xf32, #tpu.memory_space<vmem_shared>> -> memref<10240x64xf32, #tpu.memory_space<vmem_shared>>
        tpu.wait_indirect_dma semaphore(%run_scoped3A_122 : memref<!tpu.dma_semaphore, #tpu.memory_space<semaphore_mem>>) src(%dma_wait3A_136 : memref<80x64xf32, #tpu.memory_space<vmem>>) dst(%dma_wait3A_142 : memref<10240x64xf32, #tpu.memory_space<vmem_shared>>)
        tpu.yield
      }) : () -> ()
      %add3A_91 = arith.constant 2 : i32
      %add3A_92 = arith.addi %mul3A_65, %add3A_91 : i32
      %min3A = arith.constant 124 : i32
      %min3A_93 = arith.minsi %add3A_92, %min3A : i32
      %dma_start3A_94 = arith.constant 0 : i32
      %dma_start3A_95 = arith.constant 0 : i32
      %dma_start3A_96 = arith.constant 0 : i32
      %dma_start3A_97 = tpu.memref_slice %arg8[%dma_start3A_94, %dma_start3A_95, %dma_start3A_96] : memref<2x80x64xf32, #tpu.memory_space<vmem>> -> memref<1x80x64xf32, #tpu.memory_space<vmem>>
      %dma_start3A_98 = tpu.memref_squeeze %dma_start3A_97 : memref<1x80x64xf32, #tpu.memory_space<vmem>> -> memref<80x64xf32, #tpu.memory_space<vmem>>
      %dma_start3A_99 = arith.constant 0 : i32
      %dma_start3A_100 = tpu.memref_slice %arg6[%min3A_93, %dma_start3A_99] : memref<125x80xi32, #tpu.memory_space<vmem>> -> memref<1x80xi32, #tpu.memory_space<vmem>>
      %dma_start3A_101 = tpu.memref_squeeze %dma_start3A_100 : memref<1x80xi32, #tpu.memory_space<vmem>> -> memref<80xi32, #tpu.memory_space<vmem>>
      %dma_start3A_102 = arith.constant 0 : i32
      %dma_start3A_103 = arith.constant 0 : i32
      %dma_start3A_104 = tpu.memref_slice %arg2[%dma_start3A_102, %dma_start3A_103] : memref<10240x64xf32, #tpu.memory_space<hbm>> -> memref<10240x64xf32, #tpu.memory_space<hbm>>
      tpu.enqueue_indirect_dma source(%dma_start3A_104 : memref<10240x64xf32, #tpu.memory_space<hbm>>) target(%dma_start3A_98 : memref<80x64xf32, #tpu.memory_space<vmem>>) offsets(%dma_start3A_101 : memref<80xi32, #tpu.memory_space<vmem>>) semaphore(%arg11 : memref<!tpu.dma_semaphore, #tpu.memory_space<semaphore_mem>>)
      %add3A_105 = arith.constant 1 : i32
      %add3A_106 = arith.addi %mul3A_65, %add3A_105 : i32
      %dma_wait3A_107 = arith.constant 1 : i32
      %dma_wait3A_108 = arith.constant 0 : i32
      %dma_wait3A_109 = arith.constant 0 : i32
      %dma_wait3A_110 = tpu.memref_slice %arg8[%dma_wait3A_107, %dma_wait3A_108, %dma_wait3A_109] : memref<2x80x64xf32, #tpu.memory_space<vmem>> -> memref<1x80x64xf32, #tpu.memory_space<vmem>>
      %dma_wait3A_111 = tpu.memref_squeeze %dma_wait3A_110 : memref<1x80x64xf32, #tpu.memory_space<vmem>> -> memref<80x64xf32, #tpu.memory_space<vmem>>
      %dma_wait3A_112 = arith.constant 0 : i32
      %dma_wait3A_113 = tpu.memref_slice %arg6[%add3A_106, %dma_wait3A_112] : memref<125x80xi32, #tpu.memory_space<vmem>> -> memref<1x80xi32, #tpu.memory_space<vmem>>
      %dma_wait3A_114 = tpu.memref_squeeze %dma_wait3A_113 : memref<1x80xi32, #tpu.memory_space<vmem>> -> memref<80xi32, #tpu.memory_space<vmem>>
      %dma_wait3A_115 = arith.constant 0 : i32
      %dma_wait3A_116 = arith.constant 0 : i32
      %dma_wait3A_117 = tpu.memref_slice %arg2[%dma_wait3A_115, %dma_wait3A_116] : memref<10240x64xf32, #tpu.memory_space<hbm>> -> memref<10240x64xf32, #tpu.memory_space<hbm>>
      tpu.wait_indirect_dma semaphore(%arg12 : memref<!tpu.dma_semaphore, #tpu.memory_space<semaphore_mem>>) src(%dma_wait3A_117 : memref<10240x64xf32, #tpu.memory_space<hbm>>) dst(%dma_wait3A_111 : memref<80x64xf32, #tpu.memory_space<vmem>>)
      %add3A_118 = arith.constant 1 : i32
      %add3A_119 = arith.addi %mul3A_65, %add3A_118 : i32
      %run_scoped3A_120 = arith.constant 1 : i32
      "tpu.region"() ({
        %run_scoped3A_122 = tpu.sem_alloc : memref<!tpu.dma_semaphore, #tpu.memory_space<semaphore_mem>>
        %dma_start3A_123 = arith.constant 0 : i32
        %dma_start3A_124 = arith.constant 0 : i32
        %dma_start3A_125 = tpu.memref_slice %arg8[%run_scoped3A_120, %dma_start3A_123, %dma_start3A_124] : memref<2x80x64xf32, #tpu.memory_space<vmem>> -> memref<1x80x64xf32, #tpu.memory_space<vmem>>
        %dma_start3A_126 = tpu.memref_squeeze %dma_start3A_125 : memref<1x80x64xf32, #tpu.memory_space<vmem>> -> memref<80x64xf32, #tpu.memory_space<vmem>>
        %dma_start3A_127 = arith.constant 0 : i32
        %dma_start3A_128 = tpu.memref_slice %arg7[%add3A_119, %dma_start3A_127] : memref<125x80xi32, #tpu.memory_space<vmem>> -> memref<1x80xi32, #tpu.memory_space<vmem>>
        %dma_start3A_129 = tpu.memref_squeeze %dma_start3A_128 : memref<1x80xi32, #tpu.memory_space<vmem>> -> memref<80xi32, #tpu.memory_space<vmem>>
        %dma_start3A_130 = arith.constant 0 : i32
        %dma_start3A_131 = arith.constant 0 : i32
        %dma_start3A_132 = tpu.memref_slice %arg10[%dma_start3A_130, %dma_start3A_131] : memref<10240x64xf32, #tpu.memory_space<vmem_shared>> -> memref<10240x64xf32, #tpu.memory_space<vmem_shared>>
        tpu.enqueue_indirect_dma source(%dma_start3A_126 : memref<80x64xf32, #tpu.memory_space<vmem>>) target(%dma_start3A_132 : memref<10240x64xf32, #tpu.memory_space<vmem_shared>>) offsets(%dma_start3A_129 : memref<80xi32, #tpu.memory_space<vmem>>) semaphore(%run_scoped3A_122 : memref<!tpu.dma_semaphore, #tpu.memory_space<semaphore_mem>>) {add = true}
        %dma_wait3A_133 = arith.constant 0 : i32
        %dma_wait3A_134 = arith.constant 0 : i32
        %dma_wait3A_135 = tpu.memref_slice %arg8[%run_scoped3A_120, %dma_wait3A_133, %dma_wait3A_134] : memref<2x80x64xf32, #tpu.memory_space<vmem>> -> memref<1x80x64xf32, #tpu.memory_space<vmem>>
        %dma_wait3A_136 = tpu.memref_squeeze %dma_wait3A_135 : memref<1x80x64xf32, #tpu.memory_space<vmem>> -> memref<80x64xf32, #tpu.memory_space<vmem>>
        %dma_wait3A_137 = arith.constant 0 : i32
        %dma_wait3A_138 = tpu.memref_slice %arg7[%add3A_119, %dma_wait3A_137] : memref<125x80xi32, #tpu.memory_space<vmem>> -> memref<1x80xi32, #tpu.memory_space<vmem>>
        %dma_wait3A_139 = tpu.memref_squeeze %dma_wait3A_138 : memref<1x80xi32, #tpu.memory_space<vmem>> -> memref<80xi32, #tpu.memory_space<vmem>>
        %dma_wait3A_140 = arith.constant 0 : i32
        %dma_wait3A_141 = arith.constant 0 : i32
        %dma_wait3A_142 = tpu.memref_slice %arg10[%dma_wait3A_140, %dma_wait3A_141] : memref<10240x64xf32, #tpu.memory_space<vmem_shared>> -> memref<10240x64xf32, #tpu.memory_space<vmem_shared>>
        tpu.wait_indirect_dma semaphore(%run_scoped3A_122 : memref<!tpu.dma_semaphore, #tpu.memory_space<semaphore_mem>>) src(%dma_wait3A_136 : memref<80x64xf32, #tpu.memory_space<vmem>>) dst(%dma_wait3A_142 : memref<10240x64xf32, #tpu.memory_space<vmem_shared>>)
        tpu.yield
      }) : () -> ()
      %scan3A_121 = arith.constant 0 : i32
      scf.yield %scan3A_121 : i32
    }
    %scan3A_44 = arith.constant 62 : i32
    %dma_wait3A = arith.constant 124 : i32
    %dma_wait3A_45 = arith.constant 0 : i32
    %dma_wait3A_46 = arith.constant 0 : i32
    %dma_wait3A_47 = arith.constant 0 : i32
    %dma_wait3A_48 = tpu.memref_slice %arg8[%dma_wait3A_45, %dma_wait3A_46, %dma_wait3A_47] : memref<2x80x64xf32, #tpu.memory_space<vmem>> -> memref<1x80x64xf32, #tpu.memory_space<vmem>>
    %dma_wait3A_49 = tpu.memref_squeeze %dma_wait3A_48 : memref<1x80x64xf32, #tpu.memory_space<vmem>> -> memref<80x64xf32, #tpu.memory_space<vmem>>
    %dma_wait3A_50 = arith.constant 0 : i32
    %dma_wait3A_51 = tpu.memref_slice %arg6[%dma_wait3A, %dma_wait3A_50] : memref<125x80xi32, #tpu.memory_space<vmem>> -> memref<1x80xi32, #tpu.memory_space<vmem>>
    %dma_wait3A_52 = tpu.memref_squeeze %dma_wait3A_51 : memref<1x80xi32, #tpu.memory_space<vmem>> -> memref<80xi32, #tpu.memory_space<vmem>>
    %dma_wait3A_53 = arith.constant 0 : i32
    %dma_wait3A_54 = arith.constant 0 : i32
    %dma_wait3A_55 = tpu.memref_slice %arg2[%dma_wait3A_53, %dma_wait3A_54] : memref<10240x64xf32, #tpu.memory_space<hbm>> -> memref<10240x64xf32, #tpu.memory_space<hbm>>
    tpu.wait_indirect_dma semaphore(%arg11 : memref<!tpu.dma_semaphore, #tpu.memory_space<semaphore_mem>>) src(%dma_wait3A_55 : memref<10240x64xf32, #tpu.memory_space<hbm>>) dst(%dma_wait3A_49 : memref<80x64xf32, #tpu.memory_space<vmem>>)
    %run_scoped3A = arith.constant 0 : i32
    %run_scoped3A_56 = arith.constant 124 : i32
    "tpu.region"() ({
      %run_scoped3A_62 = tpu.sem_alloc : memref<!tpu.dma_semaphore, #tpu.memory_space<semaphore_mem>>
      %dma_start3A_63 = arith.constant 0 : i32
      %dma_start3A_64 = arith.constant 0 : i32
      %dma_start3A_65 = tpu.memref_slice %arg8[%run_scoped3A, %dma_start3A_63, %dma_start3A_64] : memref<2x80x64xf32, #tpu.memory_space<vmem>> -> memref<1x80x64xf32, #tpu.memory_space<vmem>>
      %dma_start3A_66 = tpu.memref_squeeze %dma_start3A_65 : memref<1x80x64xf32, #tpu.memory_space<vmem>> -> memref<80x64xf32, #tpu.memory_space<vmem>>
      %dma_start3A_67 = arith.constant 0 : i32
      %dma_start3A_68 = tpu.memref_slice %arg7[%run_scoped3A_56, %dma_start3A_67] : memref<125x80xi32, #tpu.memory_space<vmem>> -> memref<1x80xi32, #tpu.memory_space<vmem>>
      %dma_start3A_69 = tpu.memref_squeeze %dma_start3A_68 : memref<1x80xi32, #tpu.memory_space<vmem>> -> memref<80xi32, #tpu.memory_space<vmem>>
      %dma_start3A_70 = arith.constant 0 : i32
      %dma_start3A_71 = arith.constant 0 : i32
      %dma_start3A_72 = tpu.memref_slice %arg10[%dma_start3A_70, %dma_start3A_71] : memref<10240x64xf32, #tpu.memory_space<vmem_shared>> -> memref<10240x64xf32, #tpu.memory_space<vmem_shared>>
      tpu.enqueue_indirect_dma source(%dma_start3A_66 : memref<80x64xf32, #tpu.memory_space<vmem>>) target(%dma_start3A_72 : memref<10240x64xf32, #tpu.memory_space<vmem_shared>>) offsets(%dma_start3A_69 : memref<80xi32, #tpu.memory_space<vmem>>) semaphore(%run_scoped3A_62 : memref<!tpu.dma_semaphore, #tpu.memory_space<semaphore_mem>>) {add = true}
      %dma_wait3A_73 = arith.constant 0 : i32
      %dma_wait3A_74 = arith.constant 0 : i32
      %dma_wait3A_75 = tpu.memref_slice %arg8[%run_scoped3A, %dma_wait3A_73, %dma_wait3A_74] : memref<2x80x64xf32, #tpu.memory_space<vmem>> -> memref<1x80x64xf32, #tpu.memory_space<vmem>>
      %dma_wait3A_76 = tpu.memref_squeeze %dma_wait3A_75 : memref<1x80x64xf32, #tpu.memory_space<vmem>> -> memref<80x64xf32, #tpu.memory_space<vmem>>
      %dma_wait3A_77 = arith.constant 0 : i32
      %dma_wait3A_78 = tpu.memref_slice %arg7[%run_scoped3A_56, %dma_wait3A_77] : memref<125x80xi32, #tpu.memory_space<vmem>> -> memref<1x80xi32, #tpu.memory_space<vmem>>
      %dma_wait3A_79 = tpu.memref_squeeze %dma_wait3A_78 : memref<1x80xi32, #tpu.memory_space<vmem>> -> memref<80xi32, #tpu.memory_space<vmem>>
      %dma_wait3A_80 = arith.constant 0 : i32
      %dma_wait3A_81 = arith.constant 0 : i32
      %dma_wait3A_82 = tpu.memref_slice %arg10[%dma_wait3A_80, %dma_wait3A_81] : memref<10240x64xf32, #tpu.memory_space<vmem_shared>> -> memref<10240x64xf32, #tpu.memory_space<vmem_shared>>
      tpu.wait_indirect_dma semaphore(%run_scoped3A_62 : memref<!tpu.dma_semaphore, #tpu.memory_space<semaphore_mem>>) src(%dma_wait3A_76 : memref<80x64xf32, #tpu.memory_space<vmem>>) dst(%dma_wait3A_82 : memref<10240x64xf32, #tpu.memory_space<vmem_shared>>)
      tpu.yield
    }) : () -> ()
    %barrier3A_57 = arith.constant 0 : index
    tpu.barrier barrier_id(%barrier3A_57)
    %mul3A_58 = arith.constant 640 : i32
    %mul3A_59 = arith.muli %arg1, %mul3A_58 : i32
    %mul3A_60 = arith.constant 640 : i32
    %mul3A_61 = arith.muli %arg1, %mul3A_60 : i32
    "tpu.region"() ({
      %run_scoped3A_62 = tpu.sem_alloc : memref<!tpu.dma_semaphore, #tpu.memory_space<semaphore_mem>>
      %dma_start3A_63 = arith.constant 0 : i32
      %dma_start3A_64 = tpu.memref_slice %arg5[%arg0, %mul3A_61, %dma_start3A_63] : memref<2x10240x64xf32, #tpu.memory_space<hbm>> -> memref<1x640x64xf32, #tpu.memory_space<hbm>>
      %dma_start3A_65 = tpu.memref_squeeze %dma_start3A_64 : memref<1x640x64xf32, #tpu.memory_space<hbm>> -> memref<640x64xf32, #tpu.memory_space<hbm>>
      %dma_start3A_66 = arith.constant 0 : i32
      %dma_start3A_67 = tpu.memref_slice %arg10[%mul3A_59, %dma_start3A_66] : memref<10240x64xf32, #tpu.memory_space<vmem_shared>> -> memref<640x64xf32, #tpu.memory_space<vmem_shared>>
      tpu.enqueue_dma source(%dma_start3A_67 : memref<640x64xf32, #tpu.memory_space<vmem_shared>>) target(%dma_start3A_65 : memref<640x64xf32, #tpu.memory_space<hbm>>) target_semaphore(%run_scoped3A_62 : memref<!tpu.dma_semaphore, #tpu.memory_space<semaphore_mem>>)
      %dma_wait3A_68 = arith.constant 0 : i32
      %dma_wait3A_69 = tpu.memref_slice %arg5[%arg0, %mul3A_61, %dma_wait3A_68] : memref<2x10240x64xf32, #tpu.memory_space<hbm>> -> memref<1x640x64xf32, #tpu.memory_space<hbm>>
      %dma_wait3A_70 = tpu.memref_squeeze %dma_wait3A_69 : memref<1x640x64xf32, #tpu.memory_space<hbm>> -> memref<640x64xf32, #tpu.memory_space<hbm>>
      %dma_wait3A_71 = arith.constant 0 : i32
      %dma_wait3A_72 = tpu.memref_slice %arg10[%mul3A_59, %dma_wait3A_71] : memref<10240x64xf32, #tpu.memory_space<vmem_shared>> -> memref<640x64xf32, #tpu.memory_space<vmem_shared>>
      tpu.wait_dma2 semaphore(%run_scoped3A_62 : memref<!tpu.dma_semaphore, #tpu.memory_space<semaphore_mem>>) src(%dma_wait3A_72 : memref<640x64xf32, #tpu.memory_space<vmem_shared>>) dst(%dma_wait3A_70 : memref<640x64xf32, #tpu.memory_space<hbm>>)
      tpu.yield
    }) : () -> ()
    return
  }
}

#map = affine_map<(d0, d1) -> (0, 0)>
#map1 = affine_map<(d0, d1) -> (0, 0, 0)>
module attributes {stable_mosaic.version = 14 : i64} {
  func.func @k(%arg0: i32, %arg1: i32, %arg2: memref<10240x80xf32, #tpu.memory_space<hbm>>, %arg3: memref<32x4x80xi32, #tpu.memory_space<hbm>>, %arg4: memref<32x4x80xi32, #tpu.memory_space<hbm>>, %arg5: memref<2x128x80xf32, #tpu.memory_space<hbm>>, %arg6: memref<4x80xi32, #tpu.memory_space<vmem>>, %arg7: memref<4x80xi32, #tpu.memory_space<vmem>>, %arg8: memref<2x80x80xf32, #tpu.memory_space<vmem>>, %arg9: memref<8x80xf32, #tpu.memory_space<vmem>>, %arg10: memref<128x80xf32, #tpu.memory_space<vmem_shared>>, %arg11: memref<!tpu.dma_semaphore, #tpu.memory_space<semaphore_mem>>, %arg12: memref<!tpu.dma_semaphore, #tpu.memory_space<semaphore_mem>>) attributes {dimension_semantics = [#tpu.dimension_semantics<core_parallel>, #tpu.dimension_semantics<subcore_parallel>], iteration_bounds = array<i64: 2, 16>, scalar_prefetch = 0 : i64, scratch_operands = 7 : i64, tpu.core_type = #tpu.core_type<sc_vector_subcore>, window_params = [{transform_indices = #map}, {transform_indices = #map1}, {transform_indices = #map1}, {transform_indices = #map1}]} {
    %mul3A = arith.constant 2 : i32
    %mul3A_0 = arith.muli %arg1, %mul3A : i32
    %add3A = arith.addi %mul3A_0, %arg0 : i32
    "tpu.region"() ({
      %run_scoped3A = tpu.sem_alloc : memref<!tpu.dma_semaphore, #tpu.memory_space<semaphore_mem>>
      %dma_start3A_45 = arith.constant 0 : i32
      %dma_start3A_46 = arith.constant 0 : i32
      %dma_start3A_47 = tpu.memref_slice %arg3[%add3A, %dma_start3A_45, %dma_start3A_46] : memref<32x4x80xi32, #tpu.memory_space<hbm>> -> memref<1x4x80xi32, #tpu.memory_space<hbm>>
      %dma_start3A_48 = tpu.memref_squeeze %dma_start3A_47 : memref<1x4x80xi32, #tpu.memory_space<hbm>> -> memref<4x80xi32, #tpu.memory_space<hbm>>
      %dma_start3A_49 = arith.constant 0 : i32
      %dma_start3A_50 = arith.constant 0 : i32
      %dma_start3A_51 = tpu.memref_slice %arg3[%add3A, %dma_start3A_49, %dma_start3A_50] : memref<32x4x80xi32, #tpu.memory_space<hbm>> -> memref<1x4x80xi32, #tpu.memory_space<hbm>>
      %dma_start3A_52 = tpu.memref_squeeze %dma_start3A_51 : memref<1x4x80xi32, #tpu.memory_space<hbm>> -> memref<4x80xi32, #tpu.memory_space<hbm>>
      tpu.enqueue_dma source(%dma_start3A_52 : memref<4x80xi32, #tpu.memory_space<hbm>>) target(%arg6 : memref<4x80xi32, #tpu.memory_space<vmem>>) target_semaphore(%run_scoped3A : memref<!tpu.dma_semaphore, #tpu.memory_space<semaphore_mem>>)
      %dma_wait3A_53 = arith.constant 0 : i32
      %dma_wait3A_54 = arith.constant 0 : i32
      %dma_wait3A_55 = tpu.memref_slice %arg3[%add3A, %dma_wait3A_53, %dma_wait3A_54] : memref<32x4x80xi32, #tpu.memory_space<hbm>> -> memref<1x4x80xi32, #tpu.memory_space<hbm>>
      %dma_wait3A_56 = tpu.memref_squeeze %dma_wait3A_55 : memref<1x4x80xi32, #tpu.memory_space<hbm>> -> memref<4x80xi32, #tpu.memory_space<hbm>>
      %dma_wait3A_57 = arith.constant 0 : i32
      %dma_wait3A_58 = arith.constant 0 : i32
      %dma_wait3A_59 = tpu.memref_slice %arg3[%add3A, %dma_wait3A_57, %dma_wait3A_58] : memref<32x4x80xi32, #tpu.memory_space<hbm>> -> memref<1x4x80xi32, #tpu.memory_space<hbm>>
      %dma_wait3A_60 = tpu.memref_squeeze %dma_wait3A_59 : memref<1x4x80xi32, #tpu.memory_space<hbm>> -> memref<4x80xi32, #tpu.memory_space<hbm>>
      tpu.wait_dma2 semaphore(%run_scoped3A : memref<!tpu.dma_semaphore, #tpu.memory_space<semaphore_mem>>) src(%dma_wait3A_60 : memref<4x80xi32, #tpu.memory_space<hbm>>) dst(%arg6 : memref<4x80xi32, #tpu.memory_space<vmem>>)
      tpu.yield
    }) : () -> ()
    "tpu.region"() ({
      %run_scoped3A = tpu.sem_alloc : memref<!tpu.dma_semaphore, #tpu.memory_space<semaphore_mem>>
      %dma_start3A_45 = arith.constant 0 : i32
      %dma_start3A_46 = arith.constant 0 : i32
      %dma_start3A_47 = tpu.memref_slice %arg4[%add3A, %dma_start3A_45, %dma_start3A_46] : memref<32x4x80xi32, #tpu.memory_space<hbm>> -> memref<1x4x80xi32, #tpu.memory_space<hbm>>
      %dma_start3A_48 = tpu.memref_squeeze %dma_start3A_47 : memref<1x4x80xi32, #tpu.memory_space<hbm>> -> memref<4x80xi32, #tpu.memory_space<hbm>>
      %dma_start3A_49 = arith.constant 0 : i32
      %dma_start3A_50 = arith.constant 0 : i32
      %dma_start3A_51 = tpu.memref_slice %arg4[%add3A, %dma_start3A_49, %dma_start3A_50] : memref<32x4x80xi32, #tpu.memory_space<hbm>> -> memref<1x4x80xi32, #tpu.memory_space<hbm>>
      %dma_start3A_52 = tpu.memref_squeeze %dma_start3A_51 : memref<1x4x80xi32, #tpu.memory_space<hbm>> -> memref<4x80xi32, #tpu.memory_space<hbm>>
      tpu.enqueue_dma source(%dma_start3A_52 : memref<4x80xi32, #tpu.memory_space<hbm>>) target(%arg7 : memref<4x80xi32, #tpu.memory_space<vmem>>) target_semaphore(%run_scoped3A : memref<!tpu.dma_semaphore, #tpu.memory_space<semaphore_mem>>)
      %dma_wait3A_53 = arith.constant 0 : i32
      %dma_wait3A_54 = arith.constant 0 : i32
      %dma_wait3A_55 = tpu.memref_slice %arg4[%add3A, %dma_wait3A_53, %dma_wait3A_54] : memref<32x4x80xi32, #tpu.memory_space<hbm>> -> memref<1x4x80xi32, #tpu.memory_space<hbm>>
      %dma_wait3A_56 = tpu.memref_squeeze %dma_wait3A_55 : memref<1x4x80xi32, #tpu.memory_space<hbm>> -> memref<4x80xi32, #tpu.memory_space<hbm>>
      %dma_wait3A_57 = arith.constant 0 : i32
      %dma_wait3A_58 = arith.constant 0 : i32
      %dma_wait3A_59 = tpu.memref_slice %arg4[%add3A, %dma_wait3A_57, %dma_wait3A_58] : memref<32x4x80xi32, #tpu.memory_space<hbm>> -> memref<1x4x80xi32, #tpu.memory_space<hbm>>
      %dma_wait3A_60 = tpu.memref_squeeze %dma_wait3A_59 : memref<1x4x80xi32, #tpu.memory_space<hbm>> -> memref<4x80xi32, #tpu.memory_space<hbm>>
      tpu.wait_dma2 semaphore(%run_scoped3A : memref<!tpu.dma_semaphore, #tpu.memory_space<semaphore_mem>>) src(%dma_wait3A_60 : memref<4x80xi32, #tpu.memory_space<hbm>>) dst(%arg7 : memref<4x80xi32, #tpu.memory_space<vmem>>)
      tpu.yield
    }) : () -> ()
    %dma_start3A = arith.constant 0 : i32
    %dma_start3A_1 = arith.constant 0 : i32
    %dma_start3A_2 = arith.constant 0 : i32
    %dma_start3A_3 = arith.constant 0 : i32
    %dma_start3A_4 = tpu.memref_slice %arg8[%dma_start3A_1, %dma_start3A_2, %dma_start3A_3] : memref<2x80x80xf32, #tpu.memory_space<vmem>> -> memref<1x80x80xf32, #tpu.memory_space<vmem>>
    %dma_start3A_5 = tpu.memref_squeeze %dma_start3A_4 : memref<1x80x80xf32, #tpu.memory_space<vmem>> -> memref<80x80xf32, #tpu.memory_space<vmem>>
    %dma_start3A_6 = arith.constant 0 : i32
    %dma_start3A_7 = tpu.memref_slice %arg6[%dma_start3A, %dma_start3A_6] : memref<4x80xi32, #tpu.memory_space<vmem>> -> memref<1x80xi32, #tpu.memory_space<vmem>>
    %dma_start3A_8 = tpu.memref_squeeze %dma_start3A_7 : memref<1x80xi32, #tpu.memory_space<vmem>> -> memref<80xi32, #tpu.memory_space<vmem>>
    %dma_start3A_9 = arith.constant 0 : i32
    %dma_start3A_10 = arith.constant 0 : i32
    %dma_start3A_11 = tpu.memref_slice %arg2[%dma_start3A_9, %dma_start3A_10] : memref<10240x80xf32, #tpu.memory_space<hbm>> -> memref<10240x80xf32, #tpu.memory_space<hbm>>
    tpu.enqueue_indirect_dma source(%dma_start3A_11 : memref<10240x80xf32, #tpu.memory_space<hbm>>) target(%dma_start3A_5 : memref<80x80xf32, #tpu.memory_space<vmem>>) offsets(%dma_start3A_8 : memref<80xi32, #tpu.memory_space<vmem>>) semaphore(%arg11 : memref<!tpu.dma_semaphore, #tpu.memory_space<semaphore_mem>>)
    %scan3A = arith.constant 0 : i32
    %scan3A_12 = arith.constant 0 : i32
    %scan3A_13 = arith.constant 8 : i32
    %scan3A_14 = arith.addi %scan3A_12, %scan3A_13 : i32
    %scan3A_15 = arith.constant 1 : i32
    %scan3A_16 = scf.for %scan3A_45 = %scan3A_12 to %scan3A_14 step %scan3A_15 iter_args(%scan3A_46 = %scan3A) -> (i32)  : i32 {
      %broadcast_in_dim3A = arith.constant 0.000000e+00 : f32
      %broadcast_in_dim3A_47 = vector.broadcast %broadcast_in_dim3A : f32 to vector<16xf32>
      %swap3A = arith.index_cast %scan3A_45 : i32 to index
      %swap3A_48 = arith.constant 0 : index
      %swap3A_49 = tpu.vector_load %arg9[%swap3A, %swap3A_48] {strides = array<i32>} : memref<8x80xf32, #tpu.memory_space<vmem>>, vector<1x16xf32>,
      %swap3A_50 = vector.shape_cast %swap3A_49 : vector<1x16xf32> to vector<16xf32>
      %swap3A_51 = vector.shape_cast %broadcast_in_dim3A_47 : vector<16xf32> to vector<1x16xf32>
      tpu.vector_store %arg9[%swap3A, %swap3A_48], %swap3A_51 {strides = array<i32>} : memref<8x80xf32, #tpu.memory_space<vmem>>, vector<1x16xf32>,
      %broadcast_in_dim3A_52 = arith.constant 0.000000e+00 : f32
      %broadcast_in_dim3A_53 = vector.broadcast %broadcast_in_dim3A_52 : f32 to vector<16xf32>
      %swap3A_54 = arith.index_cast %scan3A_45 : i32 to index
      %swap3A_55 = arith.constant 16 : index
      %swap3A_56 = tpu.vector_load %arg9[%swap3A_54, %swap3A_55] {strides = array<i32>} : memref<8x80xf32, #tpu.memory_space<vmem>>, vector<1x16xf32>,
      %swap3A_57 = vector.shape_cast %swap3A_56 : vector<1x16xf32> to vector<16xf32>
      %swap3A_58 = vector.shape_cast %broadcast_in_dim3A_53 : vector<16xf32> to vector<1x16xf32>
      tpu.vector_store %arg9[%swap3A_54, %swap3A_55], %swap3A_58 {strides = array<i32>} : memref<8x80xf32, #tpu.memory_space<vmem>>, vector<1x16xf32>,
      %broadcast_in_dim3A_59 = arith.constant 0.000000e+00 : f32
      %broadcast_in_dim3A_60 = vector.broadcast %broadcast_in_dim3A_59 : f32 to vector<16xf32>
      %swap3A_61 = arith.index_cast %scan3A_45 : i32 to index
      %swap3A_62 = arith.constant 32 : index
      %swap3A_63 = tpu.vector_load %arg9[%swap3A_61, %swap3A_62] {strides = array<i32>} : memref<8x80xf32, #tpu.memory_space<vmem>>, vector<1x16xf32>,
      %swap3A_64 = vector.shape_cast %swap3A_63 : vector<1x16xf32> to vector<16xf32>
      %swap3A_65 = vector.shape_cast %broadcast_in_dim3A_60 : vector<16xf32> to vector<1x16xf32>
      tpu.vector_store %arg9[%swap3A_61, %swap3A_62], %swap3A_65 {strides = array<i32>} : memref<8x80xf32, #tpu.memory_space<vmem>>, vector<1x16xf32>,
      %broadcast_in_dim3A_66 = arith.constant 0.000000e+00 : f32
      %broadcast_in_dim3A_67 = vector.broadcast %broadcast_in_dim3A_66 : f32 to vector<16xf32>
      %swap3A_68 = arith.index_cast %scan3A_45 : i32 to index
      %swap3A_69 = arith.constant 48 : index
      %swap3A_70 = tpu.vector_load %arg9[%swap3A_68, %swap3A_69] {strides = array<i32>} : memref<8x80xf32, #tpu.memory_space<vmem>>, vector<1x16xf32>,
      %swap3A_71 = vector.shape_cast %swap3A_70 : vector<1x16xf32> to vector<16xf32>
      %swap3A_72 = vector.shape_cast %broadcast_in_dim3A_67 : vector<16xf32> to vector<1x16xf32>
      tpu.vector_store %arg9[%swap3A_68, %swap3A_69], %swap3A_72 {strides = array<i32>} : memref<8x80xf32, #tpu.memory_space<vmem>>, vector<1x16xf32>,
      %broadcast_in_dim3A_73 = arith.constant 0.000000e+00 : f32
      %broadcast_in_dim3A_74 = vector.broadcast %broadcast_in_dim3A_73 : f32 to vector<16xf32>
      %swap3A_75 = arith.index_cast %scan3A_45 : i32 to index
      %swap3A_76 = arith.constant 64 : index
      %swap3A_77 = tpu.vector_load %arg9[%swap3A_75, %swap3A_76] {strides = array<i32>} : memref<8x80xf32, #tpu.memory_space<vmem>>, vector<1x16xf32>,
      %swap3A_78 = vector.shape_cast %swap3A_77 : vector<1x16xf32> to vector<16xf32>
      %swap3A_79 = vector.shape_cast %broadcast_in_dim3A_74 : vector<16xf32> to vector<1x16xf32>
      tpu.vector_store %arg9[%swap3A_75, %swap3A_76], %swap3A_79 {strides = array<i32>} : memref<8x80xf32, #tpu.memory_space<vmem>>, vector<1x16xf32>,
      %scan3A_80 = arith.constant 0 : i32
      scf.yield %scan3A_80 : i32
    }
    %scan3A_17 = arith.constant 8 : i32
    %mul3A_18 = arith.constant 8 : i32
    %mul3A_19 = arith.muli %arg1, %mul3A_18 : i32
    %add3A_20 = arith.constant 0 : i32
    %add3A_21 = arith.addi %mul3A_19, %add3A_20 : i32
    "tpu.region"() ({
      %run_scoped3A = tpu.sem_alloc : memref<!tpu.dma_semaphore, #tpu.memory_space<semaphore_mem>>
      %dma_start3A_45 = arith.constant 0 : i32
      %dma_start3A_46 = tpu.memref_slice %arg10[%add3A_21, %dma_start3A_45] : memref<128x80xf32, #tpu.memory_space<vmem_shared>> -> memref<8x80xf32, #tpu.memory_space<vmem_shared>>
      %dma_start3A_47 = arith.constant 0 : i32
      %dma_start3A_48 = tpu.memref_slice %arg10[%add3A_21, %dma_start3A_47] : memref<128x80xf32, #tpu.memory_space<vmem_shared>> -> memref<8x80xf32, #tpu.memory_space<vmem_shared>>
      tpu.enqueue_dma source(%arg9 : memref<8x80xf32, #tpu.memory_space<vmem>>) target(%dma_start3A_48 : memref<8x80xf32, #tpu.memory_space<vmem_shared>>) target_semaphore(%run_scoped3A : memref<!tpu.dma_semaphore, #tpu.memory_space<semaphore_mem>>)
      %dma_wait3A_49 = arith.constant 0 : i32
      %dma_wait3A_50 = tpu.memref_slice %arg10[%add3A_21, %dma_wait3A_49] : memref<128x80xf32, #tpu.memory_space<vmem_shared>> -> memref<8x80xf32, #tpu.memory_space<vmem_shared>>
      %dma_wait3A_51 = arith.constant 0 : i32
      %dma_wait3A_52 = tpu.memref_slice %arg10[%add3A_21, %dma_wait3A_51] : memref<128x80xf32, #tpu.memory_space<vmem_shared>> -> memref<8x80xf32, #tpu.memory_space<vmem_shared>>
      tpu.wait_dma2 semaphore(%run_scoped3A : memref<!tpu.dma_semaphore, #tpu.memory_space<semaphore_mem>>) src(%arg9 : memref<8x80xf32, #tpu.memory_space<vmem>>) dst(%dma_wait3A_52 : memref<8x80xf32, #tpu.memory_space<vmem_shared>>)
      tpu.yield
    }) : () -> ()
    %barrier3A = arith.constant 0 : index
    tpu.barrier barrier_id(%barrier3A)
    %scan3A_22 = arith.constant 0 : i32
    %scan3A_23 = arith.constant 0 : i32
    %scan3A_24 = arith.constant 2 : i32
    %scan3A_25 = arith.addi %scan3A_23, %scan3A_24 : i32
    %scan3A_26 = arith.constant 1 : i32
    %scan3A_27 = scf.for %scan3A_45 = %scan3A_23 to %scan3A_25 step %scan3A_26 iter_args(%scan3A_46 = %scan3A_22) -> (i32)  : i32 {
      %mul3A_47 = arith.constant 2 : i32
      %mul3A_48 = arith.muli %scan3A_45, %mul3A_47 : i32
      %add3A_49 = arith.constant 1 : i32
      %add3A_50 = arith.addi %mul3A_48, %add3A_49 : i32
      %dma_start3A_51 = arith.constant 1 : i32
      %dma_start3A_52 = arith.constant 0 : i32
      %dma_start3A_53 = arith.constant 0 : i32
      %dma_start3A_54 = tpu.memref_slice %arg8[%dma_start3A_51, %dma_start3A_52, %dma_start3A_53] : memref<2x80x80xf32, #tpu.memory_space<vmem>> -> memref<1x80x80xf32, #tpu.memory_space<vmem>>
      %dma_start3A_55 = tpu.memref_squeeze %dma_start3A_54 : memref<1x80x80xf32, #tpu.memory_space<vmem>> -> memref<80x80xf32, #tpu.memory_space<vmem>>
      %dma_start3A_56 = arith.constant 0 : i32
      %dma_start3A_57 = tpu.memref_slice %arg6[%add3A_50, %dma_start3A_56] : memref<4x80xi32, #tpu.memory_space<vmem>> -> memref<1x80xi32, #tpu.memory_space<vmem>>
      %dma_start3A_58 = tpu.memref_squeeze %dma_start3A_57 : memref<1x80xi32, #tpu.memory_space<vmem>> -> memref<80xi32, #tpu.memory_space<vmem>>
      %dma_start3A_59 = arith.constant 0 : i32
      %dma_start3A_60 = arith.constant 0 : i32
      %dma_start3A_61 = tpu.memref_slice %arg2[%dma_start3A_59, %dma_start3A_60] : memref<10240x80xf32, #tpu.memory_space<hbm>> -> memref<10240x80xf32, #tpu.memory_space<hbm>>
      tpu.enqueue_indirect_dma source(%dma_start3A_61 : memref<10240x80xf32, #tpu.memory_space<hbm>>) target(%dma_start3A_55 : memref<80x80xf32, #tpu.memory_space<vmem>>) offsets(%dma_start3A_58 : memref<80xi32, #tpu.memory_space<vmem>>) semaphore(%arg12 : memref<!tpu.dma_semaphore, #tpu.memory_space<semaphore_mem>>)
      %dma_wait3A_62 = arith.constant 0 : i32
      %dma_wait3A_63 = arith.constant 0 : i32
      %dma_wait3A_64 = arith.constant 0 : i32
      %dma_wait3A_65 = tpu.memref_slice %arg8[%dma_wait3A_62, %dma_wait3A_63, %dma_wait3A_64] : memref<2x80x80xf32, #tpu.memory_space<vmem>> -> memref<1x80x80xf32, #tpu.memory_space<vmem>>
      %dma_wait3A_66 = tpu.memref_squeeze %dma_wait3A_65 : memref<1x80x80xf32, #tpu.memory_space<vmem>> -> memref<80x80xf32, #tpu.memory_space<vmem>>
      %dma_wait3A_67 = arith.constant 0 : i32
      %dma_wait3A_68 = tpu.memref_slice %arg6[%mul3A_48, %dma_wait3A_67] : memref<4x80xi32, #tpu.memory_space<vmem>> -> memref<1x80xi32, #tpu.memory_space<vmem>>
      %dma_wait3A_69 = tpu.memref_squeeze %dma_wait3A_68 : memref<1x80xi32, #tpu.memory_space<vmem>> -> memref<80xi32, #tpu.memory_space<vmem>>
      %dma_wait3A_70 = arith.constant 0 : i32
      %dma_wait3A_71 = arith.constant 0 : i32
      %dma_wait3A_72 = tpu.memref_slice %arg2[%dma_wait3A_70, %dma_wait3A_71] : memref<10240x80xf32, #tpu.memory_space<hbm>> -> memref<10240x80xf32, #tpu.memory_space<hbm>>
      tpu.wait_indirect_dma semaphore(%arg11 : memref<!tpu.dma_semaphore, #tpu.memory_space<semaphore_mem>>) src(%dma_wait3A_72 : memref<10240x80xf32, #tpu.memory_space<hbm>>) dst(%dma_wait3A_66 : memref<80x80xf32, #tpu.memory_space<vmem>>)
      %run_scoped3A = arith.constant 0 : i32
      "tpu.region"() ({
        %run_scoped3A_104 = tpu.sem_alloc : memref<!tpu.dma_semaphore, #tpu.memory_space<semaphore_mem>>
        %dma_start3A_105 = arith.constant 0 : i32
        %dma_start3A_106 = arith.constant 0 : i32
        %dma_start3A_107 = tpu.memref_slice %arg8[%run_scoped3A, %dma_start3A_105, %dma_start3A_106] : memref<2x80x80xf32, #tpu.memory_space<vmem>> -> memref<1x80x80xf32, #tpu.memory_space<vmem>>
        %dma_start3A_108 = tpu.memref_squeeze %dma_start3A_107 : memref<1x80x80xf32, #tpu.memory_space<vmem>> -> memref<80x80xf32, #tpu.memory_space<vmem>>
        %dma_start3A_109 = arith.constant 0 : i32
        %dma_start3A_110 = tpu.memref_slice %arg7[%mul3A_48, %dma_start3A_109] : memref<4x80xi32, #tpu.memory_space<vmem>> -> memref<1x80xi32, #tpu.memory_space<vmem>>
        %dma_start3A_111 = tpu.memref_squeeze %dma_start3A_110 : memref<1x80xi32, #tpu.memory_space<vmem>> -> memref<80xi32, #tpu.memory_space<vmem>>
        %dma_start3A_112 = arith.constant 0 : i32
        %dma_start3A_113 = arith.constant 0 : i32
        %dma_start3A_114 = tpu.memref_slice %arg10[%dma_start3A_112, %dma_start3A_113] : memref<128x80xf32, #tpu.memory_space<vmem_shared>> -> memref<128x80xf32, #tpu.memory_space<vmem_shared>>
        tpu.enqueue_indirect_dma source(%dma_start3A_108 : memref<80x80xf32, #tpu.memory_space<vmem>>) target(%dma_start3A_114 : memref<128x80xf32, #tpu.memory_space<vmem_shared>>) offsets(%dma_start3A_111 : memref<80xi32, #tpu.memory_space<vmem>>) semaphore(%run_scoped3A_104 : memref<!tpu.dma_semaphore, #tpu.memory_space<semaphore_mem>>) {add = true}
        %dma_wait3A_115 = arith.constant 0 : i32
        %dma_wait3A_116 = arith.constant 0 : i32
        %dma_wait3A_117 = tpu.memref_slice %arg8[%run_scoped3A, %dma_wait3A_115, %dma_wait3A_116] : memref<2x80x80xf32, #tpu.memory_space<vmem>> -> memref<1x80x80xf32, #tpu.memory_space<vmem>>
        %dma_wait3A_118 = tpu.memref_squeeze %dma_wait3A_117 : memref<1x80x80xf32, #tpu.memory_space<vmem>> -> memref<80x80xf32, #tpu.memory_space<vmem>>
        %dma_wait3A_119 = arith.constant 0 : i32
        %dma_wait3A_120 = tpu.memref_slice %arg7[%mul3A_48, %dma_wait3A_119] : memref<4x80xi32, #tpu.memory_space<vmem>> -> memref<1x80xi32, #tpu.memory_space<vmem>>
        %dma_wait3A_121 = tpu.memref_squeeze %dma_wait3A_120 : memref<1x80xi32, #tpu.memory_space<vmem>> -> memref<80xi32, #tpu.memory_space<vmem>>
        %dma_wait3A_122 = arith.constant 0 : i32
        %dma_wait3A_123 = arith.constant 0 : i32
        %dma_wait3A_124 = tpu.memref_slice %arg10[%dma_wait3A_122, %dma_wait3A_123] : memref<128x80xf32, #tpu.memory_space<vmem_shared>> -> memref<128x80xf32, #tpu.memory_space<vmem_shared>>
        tpu.wait_indirect_dma semaphore(%run_scoped3A_104 : memref<!tpu.dma_semaphore, #tpu.memory_space<semaphore_mem>>) src(%dma_wait3A_118 : memref<80x80xf32, #tpu.memory_space<vmem>>) dst(%dma_wait3A_124 : memref<128x80xf32, #tpu.memory_space<vmem_shared>>)
        tpu.yield
      }) : () -> ()
      %add3A_73 = arith.constant 2 : i32
      %add3A_74 = arith.addi %mul3A_48, %add3A_73 : i32
      %min3A = arith.constant 3 : i32
      %min3A_75 = arith.minsi %add3A_74, %min3A : i32
      %dma_start3A_76 = arith.constant 0 : i32
      %dma_start3A_77 = arith.constant 0 : i32
      %dma_start3A_78 = arith.constant 0 : i32
      %dma_start3A_79 = tpu.memref_slice %arg8[%dma_start3A_76, %dma_start3A_77, %dma_start3A_78] : memref<2x80x80xf32, #tpu.memory_space<vmem>> -> memref<1x80x80xf32, #tpu.memory_space<vmem>>
      %dma_start3A_80 = tpu.memref_squeeze %dma_start3A_79 : memref<1x80x80xf32, #tpu.memory_space<vmem>> -> memref<80x80xf32, #tpu.memory_space<vmem>>
      %dma_start3A_81 = arith.constant 0 : i32
      %dma_start3A_82 = tpu.memref_slice %arg6[%min3A_75, %dma_start3A_81] : memref<4x80xi32, #tpu.memory_space<vmem>> -> memref<1x80xi32, #tpu.memory_space<vmem>>
      %dma_start3A_83 = tpu.memref_squeeze %dma_start3A_82 : memref<1x80xi32, #tpu.memory_space<vmem>> -> memref<80xi32, #tpu.memory_space<vmem>>
      %dma_start3A_84 = arith.constant 0 : i32
      %dma_start3A_85 = arith.constant 0 : i32
      %dma_start3A_86 = tpu.memref_slice %arg2[%dma_start3A_84, %dma_start3A_85] : memref<10240x80xf32, #tpu.memory_space<hbm>> -> memref<10240x80xf32, #tpu.memory_space<hbm>>
      tpu.enqueue_indirect_dma source(%dma_start3A_86 : memref<10240x80xf32, #tpu.memory_space<hbm>>) target(%dma_start3A_80 : memref<80x80xf32, #tpu.memory_space<vmem>>) offsets(%dma_start3A_83 : memref<80xi32, #tpu.memory_space<vmem>>) semaphore(%arg11 : memref<!tpu.dma_semaphore, #tpu.memory_space<semaphore_mem>>)
      %add3A_87 = arith.constant 1 : i32
      %add3A_88 = arith.addi %mul3A_48, %add3A_87 : i32
      %dma_wait3A_89 = arith.constant 1 : i32
      %dma_wait3A_90 = arith.constant 0 : i32
      %dma_wait3A_91 = arith.constant 0 : i32
      %dma_wait3A_92 = tpu.memref_slice %arg8[%dma_wait3A_89, %dma_wait3A_90, %dma_wait3A_91] : memref<2x80x80xf32, #tpu.memory_space<vmem>> -> memref<1x80x80xf32, #tpu.memory_space<vmem>>
      %dma_wait3A_93 = tpu.memref_squeeze %dma_wait3A_92 : memref<1x80x80xf32, #tpu.memory_space<vmem>> -> memref<80x80xf32, #tpu.memory_space<vmem>>
      %dma_wait3A_94 = arith.constant 0 : i32
      %dma_wait3A_95 = tpu.memref_slice %arg6[%add3A_88, %dma_wait3A_94] : memref<4x80xi32, #tpu.memory_space<vmem>> -> memref<1x80xi32, #tpu.memory_space<vmem>>
      %dma_wait3A_96 = tpu.memref_squeeze %dma_wait3A_95 : memref<1x80xi32, #tpu.memory_space<vmem>> -> memref<80xi32, #tpu.memory_space<vmem>>
      %dma_wait3A_97 = arith.constant 0 : i32
      %dma_wait3A_98 = arith.constant 0 : i32
      %dma_wait3A_99 = tpu.memref_slice %arg2[%dma_wait3A_97, %dma_wait3A_98] : memref<10240x80xf32, #tpu.memory_space<hbm>> -> memref<10240x80xf32, #tpu.memory_space<hbm>>
      tpu.wait_indirect_dma semaphore(%arg12 : memref<!tpu.dma_semaphore, #tpu.memory_space<semaphore_mem>>) src(%dma_wait3A_99 : memref<10240x80xf32, #tpu.memory_space<hbm>>) dst(%dma_wait3A_93 : memref<80x80xf32, #tpu.memory_space<vmem>>)
      %add3A_100 = arith.constant 1 : i32
      %add3A_101 = arith.addi %mul3A_48, %add3A_100 : i32
      %run_scoped3A_102 = arith.constant 1 : i32
      "tpu.region"() ({
        %run_scoped3A_104 = tpu.sem_alloc : memref<!tpu.dma_semaphore, #tpu.memory_space<semaphore_mem>>
        %dma_start3A_105 = arith.constant 0 : i32
        %dma_start3A_106 = arith.constant 0 : i32
        %dma_start3A_107 = tpu.memref_slice %arg8[%run_scoped3A_102, %dma_start3A_105, %dma_start3A_106] : memref<2x80x80xf32, #tpu.memory_space<vmem>> -> memref<1x80x80xf32, #tpu.memory_space<vmem>>
        %dma_start3A_108 = tpu.memref_squeeze %dma_start3A_107 : memref<1x80x80xf32, #tpu.memory_space<vmem>> -> memref<80x80xf32, #tpu.memory_space<vmem>>
        %dma_start3A_109 = arith.constant 0 : i32
        %dma_start3A_110 = tpu.memref_slice %arg7[%add3A_101, %dma_start3A_109] : memref<4x80xi32, #tpu.memory_space<vmem>> -> memref<1x80xi32, #tpu.memory_space<vmem>>
        %dma_start3A_111 = tpu.memref_squeeze %dma_start3A_110 : memref<1x80xi32, #tpu.memory_space<vmem>> -> memref<80xi32, #tpu.memory_space<vmem>>
        %dma_start3A_112 = arith.constant 0 : i32
        %dma_start3A_113 = arith.constant 0 : i32
        %dma_start3A_114 = tpu.memref_slice %arg10[%dma_start3A_112, %dma_start3A_113] : memref<128x80xf32, #tpu.memory_space<vmem_shared>> -> memref<128x80xf32, #tpu.memory_space<vmem_shared>>
        tpu.enqueue_indirect_dma source(%dma_start3A_108 : memref<80x80xf32, #tpu.memory_space<vmem>>) target(%dma_start3A_114 : memref<128x80xf32, #tpu.memory_space<vmem_shared>>) offsets(%dma_start3A_111 : memref<80xi32, #tpu.memory_space<vmem>>) semaphore(%run_scoped3A_104 : memref<!tpu.dma_semaphore, #tpu.memory_space<semaphore_mem>>) {add = true}
        %dma_wait3A_115 = arith.constant 0 : i32
        %dma_wait3A_116 = arith.constant 0 : i32
        %dma_wait3A_117 = tpu.memref_slice %arg8[%run_scoped3A_102, %dma_wait3A_115, %dma_wait3A_116] : memref<2x80x80xf32, #tpu.memory_space<vmem>> -> memref<1x80x80xf32, #tpu.memory_space<vmem>>
        %dma_wait3A_118 = tpu.memref_squeeze %dma_wait3A_117 : memref<1x80x80xf32, #tpu.memory_space<vmem>> -> memref<80x80xf32, #tpu.memory_space<vmem>>
        %dma_wait3A_119 = arith.constant 0 : i32
        %dma_wait3A_120 = tpu.memref_slice %arg7[%add3A_101, %dma_wait3A_119] : memref<4x80xi32, #tpu.memory_space<vmem>> -> memref<1x80xi32, #tpu.memory_space<vmem>>
        %dma_wait3A_121 = tpu.memref_squeeze %dma_wait3A_120 : memref<1x80xi32, #tpu.memory_space<vmem>> -> memref<80xi32, #tpu.memory_space<vmem>>
        %dma_wait3A_122 = arith.constant 0 : i32
        %dma_wait3A_123 = arith.constant 0 : i32
        %dma_wait3A_124 = tpu.memref_slice %arg10[%dma_wait3A_122, %dma_wait3A_123] : memref<128x80xf32, #tpu.memory_space<vmem_shared>> -> memref<128x80xf32, #tpu.memory_space<vmem_shared>>
        tpu.wait_indirect_dma semaphore(%run_scoped3A_104 : memref<!tpu.dma_semaphore, #tpu.memory_space<semaphore_mem>>) src(%dma_wait3A_118 : memref<80x80xf32, #tpu.memory_space<vmem>>) dst(%dma_wait3A_124 : memref<128x80xf32, #tpu.memory_space<vmem_shared>>)
        tpu.yield
      }) : () -> ()
      %scan3A_103 = arith.constant 0 : i32
      scf.yield %scan3A_103 : i32
    }
    %scan3A_28 = arith.constant 2 : i32
    %dma_wait3A = arith.constant 3 : i32
    %dma_wait3A_29 = arith.constant 0 : i32
    %dma_wait3A_30 = arith.constant 0 : i32
    %dma_wait3A_31 = arith.constant 0 : i32
    %dma_wait3A_32 = tpu.memref_slice %arg8[%dma_wait3A_29, %dma_wait3A_30, %dma_wait3A_31] : memref<2x80x80xf32, #tpu.memory_space<vmem>> -> memref<1x80x80xf32, #tpu.memory_space<vmem>>
    %dma_wait3A_33 = tpu.memref_squeeze %dma_wait3A_32 : memref<1x80x80xf32, #tpu.memory_space<vmem>> -> memref<80x80xf32, #tpu.memory_space<vmem>>
    %dma_wait3A_34 = arith.constant 0 : i32
    %dma_wait3A_35 = tpu.memref_slice %arg6[%dma_wait3A, %dma_wait3A_34] : memref<4x80xi32, #tpu.memory_space<vmem>> -> memref<1x80xi32, #tpu.memory_space<vmem>>
    %dma_wait3A_36 = tpu.memref_squeeze %dma_wait3A_35 : memref<1x80xi32, #tpu.memory_space<vmem>> -> memref<80xi32, #tpu.memory_space<vmem>>
    %dma_wait3A_37 = arith.constant 0 : i32
    %dma_wait3A_38 = arith.constant 0 : i32
    %dma_wait3A_39 = tpu.memref_slice %arg2[%dma_wait3A_37, %dma_wait3A_38] : memref<10240x80xf32, #tpu.memory_space<hbm>> -> memref<10240x80xf32, #tpu.memory_space<hbm>>
    tpu.wait_indirect_dma semaphore(%arg11 : memref<!tpu.dma_semaphore, #tpu.memory_space<semaphore_mem>>) src(%dma_wait3A_39 : memref<10240x80xf32, #tpu.memory_space<hbm>>) dst(%dma_wait3A_33 : memref<80x80xf32, #tpu.memory_space<vmem>>)
    %barrier3A_40 = arith.constant 0 : index
    tpu.barrier barrier_id(%barrier3A_40)
    %mul3A_41 = arith.constant 8 : i32
    %mul3A_42 = arith.muli %arg1, %mul3A_41 : i32
    %mul3A_43 = arith.constant 8 : i32
    %mul3A_44 = arith.muli %arg1, %mul3A_43 : i32
    "tpu.region"() ({
      %run_scoped3A = tpu.sem_alloc : memref<!tpu.dma_semaphore, #tpu.memory_space<semaphore_mem>>
      %dma_start3A_45 = arith.constant 0 : i32
      %dma_start3A_46 = tpu.memref_slice %arg5[%arg0, %mul3A_44, %dma_start3A_45] : memref<2x128x80xf32, #tpu.memory_space<hbm>> -> memref<1x8x80xf32, #tpu.memory_space<hbm>>
      %dma_start3A_47 = tpu.memref_squeeze %dma_start3A_46 : memref<1x8x80xf32, #tpu.memory_space<hbm>> -> memref<8x80xf32, #tpu.memory_space<hbm>>
      %dma_start3A_48 = arith.constant 0 : i32
      %dma_start3A_49 = tpu.memref_slice %arg10[%mul3A_42, %dma_start3A_48] : memref<128x80xf32, #tpu.memory_space<vmem_shared>> -> memref<8x80xf32, #tpu.memory_space<vmem_shared>>
      tpu.enqueue_dma source(%dma_start3A_49 : memref<8x80xf32, #tpu.memory_space<vmem_shared>>) target(%dma_start3A_47 : memref<8x80xf32, #tpu.memory_space<hbm>>) target_semaphore(%run_scoped3A : memref<!tpu.dma_semaphore, #tpu.memory_space<semaphore_mem>>)
      %dma_wait3A_50 = arith.constant 0 : i32
      %dma_wait3A_51 = tpu.memref_slice %arg5[%arg0, %mul3A_44, %dma_wait3A_50] : memref<2x128x80xf32, #tpu.memory_space<hbm>> -> memref<1x8x80xf32, #tpu.memory_space<hbm>>
      %dma_wait3A_52 = tpu.memref_squeeze %dma_wait3A_51 : memref<1x8x80xf32, #tpu.memory_space<hbm>> -> memref<8x80xf32, #tpu.memory_space<hbm>>
      %dma_wait3A_53 = arith.constant 0 : i32
      %dma_wait3A_54 = tpu.memref_slice %arg10[%mul3A_42, %dma_wait3A_53] : memref<128x80xf32, #tpu.memory_space<vmem_shared>> -> memref<8x80xf32, #tpu.memory_space<vmem_shared>>
      tpu.wait_dma2 semaphore(%run_scoped3A : memref<!tpu.dma_semaphore, #tpu.memory_space<semaphore_mem>>) src(%dma_wait3A_54 : memref<8x80xf32, #tpu.memory_space<vmem_shared>>) dst(%dma_wait3A_52 : memref<8x80xf32, #tpu.memory_space<hbm>>)
      tpu.yield
    }) : () -> ()
    return
  }
}

module attributes {stable_mosaic.version = 14 : i64} {
  func.func @body(%arg0: i32, %arg1: memref<1024x128xf32, #tpu.memory_space<vmem>>, %arg2: memref<128x128xf32, #tpu.memory_space<vmem>>, %arg3: memref<1024x64xf32, #tpu.memory_space<vmem>>, %arg4: memref<1024x64xf32, #tpu.memory_space<vmem>>) attributes {dimension_semantics = [#tpu.dimension_semantics<arbitrary>], iteration_bounds = array<i64: 10>, scalar_prefetch = 0 : i64, scratch_operands = 0 : i64, tpu.core_type = #tpu.core_type<tc>, window_params = [{transform_indices = @transform_0, window_bounds = array<i64: 1024, 128>}, {pipeline_mode = #tpu.pipeline_mode<synchronous>, transform_indices = @transform_1, window_bounds = array<i64: 128, 128>}, {transform_indices = @transform_2, window_bounds = array<i64: 1024, 64>}, {transform_indices = @transform_3, window_bounds = array<i64: 1024, 64>}]} {
    %get3A = arith.constant 0 : index
    %get3A_0 = arith.constant 0 : index
    %get3A_1 = vector.load %arg1[%get3A, %get3A_0] : memref<1024x128xf32, #tpu.memory_space<vmem>>, vector<1024x128xf32>
    %get3A_2 = arith.constant 0 : index
    %get3A_3 = arith.constant 0 : index
    %get3A_4 = vector.load %arg2[%get3A_2, %get3A_3] : memref<128x128xf32, #tpu.memory_space<vmem>>, vector<128x128xf32>
    %dot_general3A = arith.constant dense<0.000000e+00> : vector<1024x128xf32>
    %dot_general3A_5 = tpu.matmul %get3A_1, %get3A_4, %dot_general3A {dimension_numbers = #tpu.dot_dimension_numbers<[1], [1], [0], [0], [0, 0, 1, 0], [], []>, precision = #tpu.contract_precision<fp32>, transpose_lhs_hint = false} : vector<1024x128xf32>, vector<128x128xf32>, vector<1024x128xf32> -> vector<1024x128xf32>
    %slice3A = vector.extract_strided_slice %dot_general3A_5 {offsets = [0, 0], sizes = [1024, 64], strides = [1, 1]} : vector<1024x128xf32> to vector<1024x64xf32>
    %swap3A = arith.constant 0 : index
    %swap3A_6 = arith.constant 0 : index
    %swap3A_7 = vector.load %arg3[%swap3A, %swap3A_6] : memref<1024x64xf32, #tpu.memory_space<vmem>>, vector<1024x64xf32>
    tpu.vector_store %arg3[%swap3A, %swap3A_6], %slice3A {strides = array<i32>} : memref<1024x64xf32, #tpu.memory_space<vmem>>, vector<1024x64xf32>,
    %slice3A_8 = vector.extract_strided_slice %dot_general3A_5 {offsets = [0, 64], sizes = [1024, 64], strides = [1, 1]} : vector<1024x128xf32> to vector<1024x64xf32>
    %swap3A_9 = arith.constant 0 : index
    %swap3A_10 = arith.constant 0 : index
    %swap3A_11 = vector.load %arg4[%swap3A_9, %swap3A_10] : memref<1024x64xf32, #tpu.memory_space<vmem>>, vector<1024x64xf32>
    tpu.vector_store %arg4[%swap3A_9, %swap3A_10], %slice3A_8 {strides = array<i32>} : memref<1024x64xf32, #tpu.memory_space<vmem>>, vector<1024x64xf32>,
    return
  }
  func.func @transform_0(%arg0: i32) -> (i32, i32) {
    %c0_i32 = arith.constant 0 : i32
    %c0_i32_0 = arith.constant 0 : i32
    return %arg0, %c0_i32 : i32, i32
  }
  func.func @transform_1(%arg0: i32) -> (i32, i32) {
    %c0_i32 = arith.constant 0 : i32
    %c0_i32_0 = arith.constant 0 : i32
    %c0_i32_1 = arith.constant 0 : i32
    return %c0_i32, %c0_i32_0 : i32, i32
  }
  func.func @transform_2(%arg0: i32) -> (i32, i32) {
    %c0_i32 = arith.constant 0 : i32
    %c0_i32_0 = arith.constant 0 : i32
    return %arg0, %c0_i32 : i32, i32
  }
  func.func @transform_3(%arg0: i32) -> (i32, i32) {
    %c0_i32 = arith.constant 0 : i32
    %c0_i32_0 = arith.constant 0 : i32
    return %arg0, %c0_i32 : i32, i32
  }
}

module attributes {stable_mosaic.version = 14 : i64} {
  func.func @body(%arg0: i32, %arg1: memref<1024x64xf32, #tpu.memory_space<vmem>>, %arg2: memref<1024x64xf32, #tpu.memory_space<vmem>>, %arg3: memref<1024x64xf32, #tpu.memory_space<vmem>>, %arg4: memref<128x64xf32, #tpu.memory_space<vmem>>, %arg5: memref<1024x64xf32, #tpu.memory_space<vmem>>, %arg6: memref<1024x64xf32, #tpu.memory_space<vmem>>) attributes {dimension_semantics = [#tpu.dimension_semantics<arbitrary>], iteration_bounds = array<i64: 10>, scalar_prefetch = 0 : i64, scratch_operands = 0 : i64, tpu.core_type = #tpu.core_type<tc>, window_params = [{transform_indices = @transform_0, window_bounds = array<i64: 1024, 64>}, {transform_indices = @transform_1, window_bounds = array<i64: 1024, 64>}, {transform_indices = @transform_2, window_bounds = array<i64: 1024, 64>}, {pipeline_mode = #tpu.pipeline_mode<synchronous>, transform_indices = @transform_3, window_bounds = array<i64: 128, 64>}, {transform_indices = @transform_4, window_bounds = array<i64: 1024, 64>}, {transform_indices = @transform_5, window_bounds = array<i64: 1024, 64>}]} {
    %get3A = arith.constant 0 : index
    %get3A_0 = arith.constant 0 : index
    %get3A_1 = vector.load %arg1[%get3A, %get3A_0] : memref<1024x64xf32, #tpu.memory_space<vmem>>, vector<1024x64xf32>
    %get3A_2 = arith.constant 0 : index
    %get3A_3 = arith.constant 0 : index
    %get3A_4 = vector.load %arg2[%get3A_2, %get3A_3] : memref<1024x64xf32, #tpu.memory_space<vmem>>, vector<1024x64xf32>
    %add3A = arith.addf %get3A_1, %get3A_4 : vector<1024x64xf32>
    %get3A_5 = arith.constant 0 : index
    %get3A_6 = arith.constant 0 : index
    %get3A_7 = vector.load %arg3[%get3A_5, %get3A_6] : memref<1024x64xf32, #tpu.memory_space<vmem>>, vector<1024x64xf32>
    %add3A_8 = arith.addf %add3A, %get3A_7 : vector<1024x64xf32>
    %max3A = arith.constant 0.000000e+00 : f32
    %max3A_9 = vector.broadcast %max3A : f32 to vector<1024x64xf32>
    %max3A_10 = arith.maximumf %add3A_8, %max3A_9 : vector<1024x64xf32>
    %get3A_11 = arith.constant 0 : index
    %get3A_12 = arith.constant 0 : index
    %get3A_13 = vector.load %arg4[%get3A_11, %get3A_12] : memref<128x64xf32, #tpu.memory_space<vmem>>, vector<128x64xf32>
    %dot_general3A = arith.constant dense<0.000000e+00> : vector<1024x128xf32>
    %dot_general3A_14 = tpu.matmul %max3A_10, %get3A_13, %dot_general3A {dimension_numbers = #tpu.dot_dimension_numbers<[1], [1], [0], [0], [0, 0, 1, 0], [], []>, precision = #tpu.contract_precision<fp32>, transpose_lhs_hint = false} : vector<1024x64xf32>, vector<128x64xf32>, vector<1024x128xf32> -> vector<1024x128xf32>
    %slice3A = vector.extract_strided_slice %dot_general3A_14 {offsets = [0, 0], sizes = [1024, 64], strides = [1, 1]} : vector<1024x128xf32> to vector<1024x64xf32>
    %swap3A = arith.constant 0 : index
    %swap3A_15 = arith.constant 0 : index
    %swap3A_16 = vector.load %arg5[%swap3A, %swap3A_15] : memref<1024x64xf32, #tpu.memory_space<vmem>>, vector<1024x64xf32>
    tpu.vector_store %arg5[%swap3A, %swap3A_15], %slice3A {strides = array<i32>} : memref<1024x64xf32, #tpu.memory_space<vmem>>, vector<1024x64xf32>,
    %slice3A_17 = vector.extract_strided_slice %dot_general3A_14 {offsets = [0, 64], sizes = [1024, 64], strides = [1, 1]} : vector<1024x128xf32> to vector<1024x64xf32>
    %swap3A_18 = arith.constant 0 : index
    %swap3A_19 = arith.constant 0 : index
    %swap3A_20 = vector.load %arg6[%swap3A_18, %swap3A_19] : memref<1024x64xf32, #tpu.memory_space<vmem>>, vector<1024x64xf32>
    tpu.vector_store %arg6[%swap3A_18, %swap3A_19], %slice3A_17 {strides = array<i32>} : memref<1024x64xf32, #tpu.memory_space<vmem>>, vector<1024x64xf32>,
    return
  }
  func.func @transform_0(%arg0: i32) -> (i32, i32) {
    %c0_i32 = arith.constant 0 : i32
    %c0_i32_0 = arith.constant 0 : i32
    return %arg0, %c0_i32 : i32, i32
  }
  func.func @transform_1(%arg0: i32) -> (i32, i32) {
    %c0_i32 = arith.constant 0 : i32
    %c0_i32_0 = arith.constant 0 : i32
    return %arg0, %c0_i32 : i32, i32
  }
  func.func @transform_2(%arg0: i32) -> (i32, i32) {
    %c0_i32 = arith.constant 0 : i32
    %c0_i32_0 = arith.constant 0 : i32
    return %arg0, %c0_i32 : i32, i32
  }
  func.func @transform_3(%arg0: i32) -> (i32, i32) {
    %c0_i32 = arith.constant 0 : i32
    %c0_i32_0 = arith.constant 0 : i32
    %c0_i32_1 = arith.constant 0 : i32
    return %c0_i32, %c0_i32_0 : i32, i32
  }
  func.func @transform_4(%arg0: i32) -> (i32, i32) {
    %c0_i32 = arith.constant 0 : i32
    %c0_i32_0 = arith.constant 0 : i32
    return %arg0, %c0_i32 : i32, i32
  }
  func.func @transform_5(%arg0: i32) -> (i32, i32) {
    %c0_i32 = arith.constant 0 : i32
    %c0_i32_0 = arith.constant 0 : i32
    return %arg0, %c0_i32 : i32, i32
  }
}

module attributes {stable_mosaic.version = 14 : i64} {
  func.func @body(%arg0: i32, %arg1: memref<1024x64xf32, #tpu.memory_space<vmem>>, %arg2: memref<1024x64xf32, #tpu.memory_space<vmem>>, %arg3: memref<1024x64xf32, #tpu.memory_space<vmem>>, %arg4: memref<1024x80xf32, #tpu.memory_space<vmem>>) attributes {dimension_semantics = [#tpu.dimension_semantics<arbitrary>], iteration_bounds = array<i64: 10>, scalar_prefetch = 0 : i64, scratch_operands = 0 : i64, tpu.core_type = #tpu.core_type<tc>, window_params = [{transform_indices = @transform_0, window_bounds = array<i64: 1024, 64>}, {transform_indices = @transform_1, window_bounds = array<i64: 1024, 64>}, {transform_indices = @transform_2, window_bounds = array<i64: 1024, 64>}, {transform_indices = @transform_3, window_bounds = array<i64: 1024, 80>}]} {
    %get3A = arith.constant 0 : index
    %get3A_0 = arith.constant 0 : index
    %get3A_1 = vector.load %arg1[%get3A, %get3A_0] : memref<1024x64xf32, #tpu.memory_space<vmem>>, vector<1024x64xf32>
    %get3A_2 = arith.constant 0 : index
    %get3A_3 = arith.constant 0 : index
    %get3A_4 = vector.load %arg2[%get3A_2, %get3A_3] : memref<1024x64xf32, #tpu.memory_space<vmem>>, vector<1024x64xf32>
    %add3A = arith.addf %get3A_1, %get3A_4 : vector<1024x64xf32>
    %get3A_5 = arith.constant 0 : index
    %get3A_6 = arith.constant 0 : index
    %get3A_7 = vector.load %arg3[%get3A_5, %get3A_6] : memref<1024x64xf32, #tpu.memory_space<vmem>>, vector<1024x64xf32>
    %add3A_8 = arith.addf %add3A, %get3A_7 : vector<1024x64xf32>
    %max3A = arith.constant 0.000000e+00 : f32
    %max3A_9 = vector.broadcast %max3A : f32 to vector<1024x64xf32>
    %max3A_10 = arith.maximumf %add3A_8, %max3A_9 : vector<1024x64xf32>
    %broadcast_in_dim3A = arith.constant 1.000000e+00 : f32
    %broadcast_in_dim3A_11 = vector.broadcast %broadcast_in_dim3A : f32 to vector<1024x1xf32>
    %broadcast_in_dim3A_12 = arith.constant 0.000000e+00 : f32
    %broadcast_in_dim3A_13 = vector.broadcast %broadcast_in_dim3A_12 : f32 to vector<1024x15xf32>
    %concatenate3A = tpu.concatenate %max3A_10, %broadcast_in_dim3A_11, %broadcast_in_dim3A_13 in 1 : vector<1024x64xf32>, vector<1024x1xf32>, vector<1024x15xf32> -> vector<1024x80xf32>
    %swap3A = arith.constant 0 : index
    %swap3A_14 = arith.constant 0 : index
    %swap3A_15 = vector.load %arg4[%swap3A, %swap3A_14] : memref<1024x80xf32, #tpu.memory_space<vmem>>, vector<1024x80xf32>
    tpu.vector_store %arg4[%swap3A, %swap3A_14], %concatenate3A {strides = array<i32>} : memref<1024x80xf32, #tpu.memory_space<vmem>>, vector<1024x80xf32>,
    return
  }
  func.func @transform_0(%arg0: i32) -> (i32, i32) {
    %c0_i32 = arith.constant 0 : i32
    %c0_i32_0 = arith.constant 0 : i32
    return %arg0, %c0_i32 : i32, i32
  }
  func.func @transform_1(%arg0: i32) -> (i32, i32) {
    %c0_i32 = arith.constant 0 : i32
    %c0_i32_0 = arith.constant 0 : i32
    return %arg0, %c0_i32 : i32, i32
  }
  func.func @transform_2(%arg0: i32) -> (i32, i32) {
    %c0_i32 = arith.constant 0 : i32
    %c0_i32_0 = arith.constant 0 : i32
    return %arg0, %c0_i32 : i32, i32
  }
  func.func @transform_3(%arg0: i32) -> (i32, i32) {
    %c0_i32 = arith.constant 0 : i32
    %c0_i32_0 = arith.constant 0 : i32
    return %arg0, %c0_i32 : i32, i32
  }
}

module attributes {stable_mosaic.version = 14 : i64} {
  func.func @body(%arg0: memref<128x80xf32, #tpu.memory_space<vmem>>, %arg1: memref<128x80xf32, #tpu.memory_space<vmem>>, %arg2: memref<64x64xf32, #tpu.memory_space<vmem>>, %arg3: memref<64x64xf32, #tpu.memory_space<vmem>>, %arg4: memref<128x64xf32, #tpu.memory_space<vmem>>, %arg5: memref<64x128xf32, #tpu.memory_space<vmem>>, %arg6: memref<64x128xf32, #tpu.memory_space<vmem>>) attributes {dimension_semantics = [], scalar_prefetch = 0 : i64, scratch_operands = 0 : i64, tpu.core_type = #tpu.core_type<tc>} {
    %get3A = arith.constant 0 : index
    %get3A_0 = arith.constant 0 : index
    %get3A_1 = vector.load %arg0[%get3A, %get3A_0] : memref<128x80xf32, #tpu.memory_space<vmem>>, vector<128x80xf32>
    %get3A_2 = arith.constant 0 : index
    %get3A_3 = arith.constant 0 : index
    %get3A_4 = vector.load %arg1[%get3A_2, %get3A_3] : memref<128x80xf32, #tpu.memory_space<vmem>>, vector<128x80xf32>
    %add3A = arith.addf %get3A_1, %get3A_4 : vector<128x80xf32>
    %slice3A = vector.extract_strided_slice %add3A {offsets = [0, 0], sizes = [64, 64], strides = [1, 1]} : vector<128x80xf32> to vector<64x64xf32>
    %slice3A_5 = vector.extract_strided_slice %add3A {offsets = [0, 64], sizes = [64, 1], strides = [1, 1]} : vector<128x80xf32> to vector<64x1xf32>
    %max3A = arith.constant 1.000000e+00 : f32
    %max3A_6 = vector.broadcast %max3A : f32 to vector<64x1xf32>
    %max3A_7 = arith.maximumf %slice3A_5, %max3A_6 : vector<64x1xf32>
    %div3A = vector.broadcast %max3A_7 : vector<64x1xf32> to vector<64x64xf32>
    %div3A_8 = arith.divf %slice3A, %div3A : vector<64x64xf32>
    %get3A_9 = arith.constant 0 : index
    %get3A_10 = arith.constant 0 : index
    %get3A_11 = vector.load %arg2[%get3A_9, %get3A_10] : memref<64x64xf32, #tpu.memory_space<vmem>>, vector<64x64xf32>
    %dot_general3A = arith.constant dense<0.000000e+00> : vector<64x64xf32>
    %dot_general3A_12 = tpu.matmul %div3A_8, %get3A_11, %dot_general3A {dimension_numbers = #tpu.dot_dimension_numbers<[1], [1], [0], [0], [0, 0, 1, 0], [], []>, precision = #tpu.contract_precision<fp32>, transpose_lhs_hint = false} : vector<64x64xf32>, vector<64x64xf32>, vector<64x64xf32> -> vector<64x64xf32>
    %get3A_13 = arith.constant 0 : index
    %get3A_14 = arith.constant 0 : index
    %get3A_15 = vector.load %arg3[%get3A_13, %get3A_14] : memref<64x64xf32, #tpu.memory_space<vmem>>, vector<64x64xf32>
    %add3A_16 = arith.addf %dot_general3A_12, %get3A_15 : vector<64x64xf32>
    %max3A_17 = arith.constant 0.000000e+00 : f32
    %max3A_18 = vector.broadcast %max3A_17 : f32 to vector<64x64xf32>
    %max3A_19 = arith.maximumf %add3A_16, %max3A_18 : vector<64x64xf32>
    %get3A_20 = arith.constant 0 : index
    %get3A_21 = arith.constant 0 : index
    %get3A_22 = vector.load %arg4[%get3A_20, %get3A_21] : memref<128x64xf32, #tpu.memory_space<vmem>>, vector<128x64xf32>
    %dot_general3A_23 = arith.constant dense<0.000000e+00> : vector<64x128xf32>
    %dot_general3A_24 = tpu.matmul %max3A_19, %get3A_22, %dot_general3A_23 {dimension_numbers = #tpu.dot_dimension_numbers<[1], [1], [0], [0], [0, 0, 1, 0], [], []>, precision = #tpu.contract_precision<fp32>, transpose_lhs_hint = false} : vector<64x64xf32>, vector<128x64xf32>, vector<64x128xf32> -> vector<64x128xf32>
    %get3A_25 = arith.constant 0 : index
    %get3A_26 = arith.constant 0 : index
    %get3A_27 = vector.load %arg5[%get3A_25, %get3A_26] : memref<64x128xf32, #tpu.memory_space<vmem>>, vector<64x128xf32>
    %add3A_28 = arith.addf %dot_general3A_24, %get3A_27 : vector<64x128xf32>
    %swap3A = arith.constant 0 : index
    %swap3A_29 = arith.constant 0 : index
    %swap3A_30 = vector.load %arg6[%swap3A, %swap3A_29] : memref<64x128xf32, #tpu.memory_space<vmem>>, vector<64x128xf32>
    tpu.vector_store %arg6[%swap3A, %swap3A_29], %add3A_28 {strides = array<i32>} : memref<64x128xf32, #tpu.memory_space<vmem>>, vector<64x128xf32>,
    return
  }
}

</mosaic_0001>

<sc_bundles>
// kernel: kernel.11.cloned.1.call-start
scs
__scs_entry_jumppad:
0x0: {  	(pc) =	sbr.rel $0x88, $3  }
0x1: {  	(tag) =	ssettag $0x0;
	lr =	simm.s32 $0x1  }
0x2: {  	[smem:$0x3F94] =	sst lr;
	_ =	strace $0xD0000000  }
0x3: {  	_ = 	snop  }
0x4: {  	_ = 	snop  }
0x5: {  	_ = 	snop  }
0x6: {  	_ = 	snop  }
0x7: {  	_ = 	snop  }
__scs_overlays_trampoline_lowered:
0x8: {  	[smem:$0x3FA3] =	sst s0  }
0x9: {  	[smem:$0x3FA4] =	sst s1  }
0xa: {  	[smem:$0x3FA5] =	sst s2  }
0xb: {  	[smem:$0x3FA6] =	sst s3  }
0xc: {  	[smem:$0x3FA7] =	sst s4  }
0xd: {  	[smem:$0x3FA8] =	sst s5  }
0xe: {  	[smem:$0x3FA9] =	sst s6  }
0xf: {  	[smem:$0x3FAA] =	sst s7  }
0x10: {  	[smem:$0x3FAB] =	sst s8  }
0x11: {  	[smem:$0x3FAC] =	sst s9;
	s0 =	simm.s32 @!p0 $0x0  }
0x12: {  	s1 =	sld [smem:$0x3F92];
	s0 =	simm.s32 @p0 $0x1  }
0x13: {  	[smem:$0x3FAD] =	sst s0;
	s0 =	simm.s32 @!p1 $0x0  }
0x14: {  	s2 =	sld [smem:$0x3F91];
	s0 =	simm.s32 @p1 $0x1  }
0x15: {  	[smem:$0x3FAE] =	sst s0;
	s0 =	simm.s32 @!p2 $0x0  }
0x16: {  	s3 =	sld [smem:$0x3FDB];
	s0 =	simm.s32 @p2 $0x1  }
0x17: {  	s4 =	simm.s32 $0x1BF5;
	[smem:$0x3FB0] =	sst s0  }
0x18: {  	s0 =	sld [smem:$0x3F93];
	_ =	swait.ge [sflag:s4], $0x0  }
0x19: {  	s7 =	sld [smem:$0x3F94]  }
0x1a: {  	s8 =	sadd.s32 $0xFFFFE003, lr  }
0x1b: {  	s9 =	sadd.s32 $0xFFFFFEF7, lr;
	s5 =	simm.s32 $0xFFFFFFFF;
	p2 =	slt.u32 s8, $0xFFFFF086  }
0x1c: {  	p1 =	slt.u32 s9, $0xF7A;
	s5 =	simm.s32 @!p2 $0x0  }
0x1d: {  	s5 =	simm.s32 @p1 $0x1;
	p0 =	seq.s32 s7, s2  }
0x1e: {  	s7 =	smul.u32 @!p0 $0xF7A, s2;
	p2 =	seq.s32 @!p0 s5, $0x0  }
0x1f: {  	s9 =	smul.u32 $0xF7A, s1;
	s8 =	simm.s32 @!p0 $0x1BF5;
	p2 =	por !p2, p0  }
0x20: {  	[sflag:s8] =	ssyncset.s32 @!p0 $0xFFFFF086;
	s6 =	sadd.s32 @!p0 s3, s7;
	s7 =	simm.s32 @!p0 $0x108  }
0x21: {  	s3 =	sadd.s32 s3, s9;
	s6 =	sadd.s32 @!p0 $0x88, s6;
	s7 =	simm.s32 @p2 $0x1082  }
0x22: {  	[simem:s7], [sflag:s8] =	dma.local @!p0 [hbm:s6], $0xF7A  }
0x23: {  	s9 =	sor.u32 $0xD0000000, s2;
	s6 =	simm.s32 $0x108;
	_ =	swait.ge @!p0 [sflag:s8], $0x0  }
0x24: {  	s3 =	sadd.s32 $0x88, s3;
	s6 =	simm.s32 @!p1 $0x1082;
	[sflag:s4] =	ssyncset.s32 $0xFFFFF086  }
0x25: {  	[simem:s6], [sflag:s4] =	dma.local [hbm:s3], $0xF7A  }
0x26: {  	[smem:$0x3F94] =	sst s1;
	(tag) =	ssettag s2;
	_ =	strace s9  }
0x27: {  	s1 =	sld [smem:$0x3FA4]  }
0x28: {  	s2 =	sld [smem:$0x3FA5]  }
0x29: {  	s4 =	sld [smem:$0x3FA7]  }
0x2a: {  	p0 =	seq.s32 s5, $0x0;
	s5 =	sld [smem:$0x3FA8]  }
0x2b: {  	s6 =	sld [smem:$0x3FA9]  }
0x2c: {  	s7 =	sld [smem:$0x3FAA]  }
0x2d: {  	s3 =	simm.s32 $0x108;
	s8 =	sld [smem:$0x3FAB]  }
0x2e: {  	s3 =	simm.s32 @!p0 $0x1082;
	s9 =	sld [smem:$0x3FAC]  }
0x2f: {  	lr =	sadd.s32 s0, s3;
	s0 =	sld [smem:$0x3FA3]  }
0x30: {  	s3 =	sld [smem:$0x3FA6]  }
0x31: {  	[smem:$0x3FAF] =	sst s10  }
0x32: {  	s10 =	sld [smem:$0x3FAD];
	_ =	sdelay $0x3  }
0x33: {  	p0 =	seq.s32 s10, $0x1;
	s10 =	sld [smem:$0x3FAF];
	_ =	sdelay $0x3  }
0x34: {  	[smem:$0x3FAF] =	sst s10  }
0x35: {  	s10 =	sld [smem:$0x3FAE];
	_ =	sdelay $0x3  }
0x36: {  	p1 =	seq.s32 s10, $0x1;
	s10 =	sld [smem:$0x3FAF];
	_ =	sdelay $0x3  }
0x37: {  	[smem:$0x3FAF] =	sst s10  }
0x38: {  	s10 =	sld [smem:$0x3FB0]  }
0x39: {  	_ = 	snop;
	(pc) =	sbr.ind lr, $3  }
0x3a: {  	_ = 	snop  }
0x3b: {  	_ = 	snop  }
0x3c: {  	p2 =	seq.s32 s10, $0x1;
	s10 =	sld [smem:$0x3FAF]  }
0x3d: {  	_ =	shalt  }
0x3e: {  	_ =	shalt  }
0x3f: {  	_ =	shalt  }
0x40: {  	_ =	shalt  }
0x41: {  	_ =	shalt  }
0x42: {  	_ =	shalt  }
0x43: {  	_ =	shalt  }
0x44: {  	_ =	shalt  }
0x45: {  	_ =	shalt  }
0x46: {  	_ =	shalt  }
0x47: {  	_ =	shalt  }
0x48: {  	_ =	shalt  }
0x49: {  	_ =	shalt  }
0x4a: {  	_ =	shalt  }
0x4b: {  	_ =	shalt  }
0x4c: {  	_ =	shalt  }
0x4d: {  	_ =	shalt  }
0x4e: {  	_ =	shalt  }
0x4f: {  	_ =	shalt  }
0x50: {  	_ =	shalt  }
0x51: {  	_ =	shalt  }
0x52: {  	_ =	shalt  }
0x53: {  	_ =	shalt  }
0x54: {  	_ =	shalt  }
0x55: {  	_ =	shalt  }
0x56: {  	_ =	shalt  }
0x57: {  	_ =	shalt  }
0x58: {  	_ =	shalt  }
0x59: {  	_ =	shalt  }
0x5a: {  	_ =	shalt  }
0x5b: {  	_ =	shalt  }
0x5c: {  	_ =	shalt  }
0x5d: {  	_ =	shalt  }
0x5e: {  	_ =	shalt  }
0x5f: {  	_ =	shalt  }
0x60: {  	_ =	shalt  }
0x61: {  	_ =	shalt  }
0x62: {  	_ =	shalt  }
0x63: {  	_ =	shalt  }
0x64: {  	_ =	shalt  }
0x65: {  	_ =	shalt  }
0x66: {  	_ =	shalt  }
0x67: {  	_ =	shalt  }
0x68: {  	_ =	shalt  }
0x69: {  	_ =	shalt  }
0x6a: {  	_ =	shalt  }
0x6b: {  	_ =	shalt  }
0x6c: {  	_ =	shalt  }
0x6d: {  	_ =	shalt  }
0x6e: {  	_ =	shalt  }
0x6f: {  	_ =	shalt  }
0x70: {  	_ =	shalt  }
0x71: {  	_ =	shalt  }
0x72: {  	_ =	shalt  }
0x73: {  	_ =	shalt  }
0x74: {  	_ =	shalt  }
0x75: {  	_ =	shalt  }
0x76: {  	_ =	shalt  }
0x77: {  	_ =	shalt  }
0x78: {  	_ =	shalt  }
0x79: {  	_ =	shalt  }
0x7a: {  	_ =	shalt  }
0x7b: {  	_ =	shalt  }
0x7c: {  	_ =	shalt  }
0x7d: {  	_ =	shalt  }
0x7e: {  	_ =	shalt  }
0x7f: {  	_ =	shalt  }
0x80: {  	_ =	shalt  }
0x81: {  	_ =	shalt  }
0x82: {  	_ =	shalt  }
0x83: {  	_ =	shalt  }
0x84: {  	_ =	shalt  }
0x85: {  	_ =	shalt  }
0x86: {  	_ =	shalt  }
0x87: {  	_ =	shalt  }
.Lfunc_end0:
.L_simem_size_0:
called_computation_lowered:
.L_overlay_start_0:
0x88: {  	s2 =	sld [smem:$0x3FD9]  }
0x89: {  	s3 =	sld [smem:$0x3FFE];
	_ =	sdelay $0x1  }
0x8a: {  	s1 =	srdreg.scid  }
0x8b: {  	s0 =	sand.u32 $0x1, s1  }
0x8c: {  	s16 =	sshll.u32 s0, $0xA;
	s2 =	sadd.s32 s3, s2  }
0x8d: {  	s2 =	sadd.s32 s2, s16  }
0x8e: {  	[smem:$0x3FBB] =	sst s2  }
0x8f: {  	_ = 	snop  }
0x90: {  	(tm) =	ssettm $0x1  }
0x91: {  	s17 =	sld [smem:$0x3FFB];
	_ =	sdelay $0x3  }
0x92: {  	_ =	strace s17  }
0x93: {  	s2 =	sld [smem:$0x3FFC];
	_ =	sdelay $0x3  }
0x94: {  	_ =	strace s2  }
0x95: {  	s2 =	sld [smem:$0x3FFD];
	_ =	sdelay $0x3  }
0x96: {  	_ =	strace s2  }
0x97: {  	_ =	strace $0x8FFFFFFF  }
0x98: {  	s18 =	sld [smem:$0x3FDB];
	_ =	sdelay $0x1  }
0x99: {  	s19 =	simm.s32 $_scs_section_size  }
0x9a: {  	s4 =	simm.s32 $_size__tile_overlayer_lowered;
	s5 =	simm.s32 $_tile_overlayer_lowered  }
0x9b: {  	s22 =	simm.s32 $0x1BFF;
	s21 =	sshll.u32 s5, $0x1;
	s2 =	sadd.s32 s19, s18  }
0x9c: {  	s6 =	simm.s32 $0x0;
	s20 =	sshll.u32 s4, $0x1;
	s4 =	sadd.s32 s21, s2  }
0x9d: {  	[timem:s6], [sflag:s22] =	dma.local [hbm:s4], s20  }
0x9e: {  	_ =	swait.ge [sflag:s22], s20  }
0x9f: {  	s3 =	ssub.s32 $0x0, s20;
	[sflag:s22] =	ssyncset.done $0x0  }
0xa0: {  	[sflag:s22] =	ssyncadd.s32 s3;
	_ =	sdelay $0x1  }
0xa1: {  	s23 =	simm.s32 $0x1B8B  }
0xa2: {  	_ =	swait.ge [sflag:s23], $0x1  }
0xa3: {  	[sflag:s23] =	ssyncset.done $0x0  }
0xa4: {  	s25 =	simm.s32 $0x1B8E;
	s24 =	sld [smem:$0x3FFE];
	[sflag:s23] =	ssyncadd.s32 $0xFFFFFFFF  }
0xa5: {  	s26 =	simm.s32 $execute0_lowered;
	[smem:$0x3FD2] =	sst s25  }
0xa6: {  	s4 =	sshll.u32 s26, $0x1;
	_ =	strace $0x80000046;
	[dreg:$0x1] =	wrdreg $0xFFFFFFFF  }
0xa7: {  	s28 =	simm.s32 $_size_execute0_lowered;
	s2 =	sadd.s32 s2, s4;
	[dreg:$0x0] =	wrdreg $0x0  }
0xa8: {  	s4 =	sshll.u32 s28, $0x1;
	[dreg:$0x2] =	wrdreg s2  }
0xa9: {  	[dreg:$0x3] =	wrdreg s4  }
0xaa: {  	[dreg:$0x4] =	wrdreg $0xC0  }
0xab: {  	_ =	task [dreg:s6], $0x5FFFF  }
0xac: {  	[dreg:$0x1] =	wrdreg $0xFFFFFFFF  }
0xad: {  	[dreg:$0x0] =	wrdreg $0x60  }
0xae: {  	[dreg:$0x2] =	wrdreg s24  }
0xaf: {  	[dreg:$0x3] =	wrdreg $0x96200  }
0xb0: {  	[dreg:$0x4] =	wrdreg $0x9  }
0xb1: {  	_ =	task.clear_ibuf [dreg:s6], $0x5FFFF;
	_ =	strace $0x90000046  }
0xb2: {  	s29 =	simm.s32 $0x9;
	_ =	strace $0x80000048  }
0xb3: {  	_ =	swait.ge [sflag:s29], $0x1  }
0xb4: {  	[sflag:s29] =	ssyncadd.s32 $0xFFFFFFFF  }
0xb5: {  	_ =	strace $0x90000048  }
0xb6: {  	_ =	sfence  }
0xb7: {  	s30 =	sld [smem:$0x0];
	_ =	sdelay $0x2  }
0xb8: {  	s31 =	sshll.u32 s1, $0xD;
	s1 =	sshrl.u32 s1, $0x2  }
0xb9: {  	s3 =	sand.u32 $0x4000, s31;
	s1 =	sadd.s32 s1, s30  }
0xba: {  	s0 =	sor.u32 s3, s0;
	s1 =	sshll.u32 s1, $0x11  }
0xbb: {  	s0 =	sor.u32 s1, s0  }
0xbc: {  	s0 =	sadd.s32 $0x8F2B, s0  }
0xbd: {  	[sflag:s0] =	ssyncadd.remote.s32 $0x1  }
0xbe: {  	_ =	sfence.sel $0xFFFF  }
0xbf: {  	[dreg:$0x0] =	wrdreg $0xFFFFFFFF;
	(pc) =	sbr.abs _section_cstart, $3  }
0xc0: {  	[dreg:$0x1] =	wrdreg $0xFFFFFFFF  }
0xc1: {  	_ =	task.clear_ibuf [dreg:s6], $0x2FFFF;
	_ =	strace $0x9FFFFFFF  }
0xc2: {  	(tm) =	ssettm $0x7FFFFFFF  }
0xc3: {  	_ =	shalt  }
tec
execute0_lowered:
.L_overlay_start_1:
0x0: {  	(tag) =	ssettag $0x1  }
0x1: {  	s5 =	rddreg [dreg:$0x0]  }
0x2: {  	s2 =	rddreg [dreg:$0x1]  }
0x3: {  	s0 =	rddreg [dreg:$0x2];
	s3 =	simm.s32 $0x0;
	s4 =	srdreg.scid  }
0x4: {  	s1 =	stileid.u32;
	s14 =	simm.s32 $0x3;
	s15 =	simm.s32 $0x2710  }
0x5: {  	s16 =	simm.s32 $0x50;
	s17 =	simm.s32 $0x4E20;
	s18 =	simm.s32 $0x7620  }
0x6: {  	s19 =	simm.s32 $0x6220;
	s20 =	simm.s32 $0x1;
	s21 =	simm.s32 $0x2  }
0x7: {  	s22 =	simm.s32 $0x4DD0;
	s25 =	simm.s32 $0x0;
	s6 =	sand.u32 $0x1, s4  }
0x8: {  	s29 =	sshll.u32 s1, $0x1;
	s7 =	smul.u32 $0xA000, s1;
	[smem:$0x7FF] =	sst s3  }
0x9: {  	s10 =	smul.u32 $0x28000, s1;
	s23 =	sshll.u32 s1, $0x6;
	s4 =	sor.u32 s6, s29  }
0xa: {  	s8 =	smul.u32 $0xA0000, s6;
	_ =	strace $0x80000047;
	s6 =	ssub.s32 $0x2, s6  }
0xb: {  	s23 =	sor.u32 $0x1C03, s23;
	s9 =	smul.u32 $0x4E2, s4;
	s4 =	sadd.s32 $0x16200, s5  }
0xc: {  	s30 =	sshrl.u32 s6, $0x1;
	s31 =	sshrl.u32 s10, $0x2;
	s8 =	sadd.s32 s7, s8  }
0xd: {  	s13 =	ssub.s32 s6, s30;
	s11 =	sadd.s32 s31, s2;
	s7 =	sadd.s32 s7, s2  }
0xe: {  	s9 =	sadd.s32 s9, s5;
	s8 =	sshrl.u32 s8, $0x3;
	s10 =	sadd.s32 $0x6000, s11  }
0xf: {  	s13 =	smax.u32 s13, $0x1;
	s24 =	sshrl.u32 s7, $0x3;
	s12 =	sadd.s32 s8, s5  }
0x10: {  	s5 =	sadd.s32 $0xC400, s9;
	s6 =	sadd.s32 $0x2600, s9;
	s8 =	sadd.s32 $0x2000, s11  }
0x11: {  	v0 =	vimm.f32 $0.0e+00;
	s9 =	sadd.s32 $0x4000, s11;
	s11 =	sadd.s32 $0x8000, s11;
	s12 =	sadd.s32 $0x2A200, s12  }
.LBB2_1:
0x12: {  	[tilespmem:s3], [sflag:$0x3] =	stream.linear.gather [hbm4b:s5+s3], $0x2710, $0x38;
	[tilespmem:$0x13620] =	vst v63  }
0x13: {  	_ =	swait.ge [sflag:s14], $0x2710  }
0x14: {  	[sflag:s14] =	ssyncset.done $0x0  }
0x15: {  	[sflag:s14] =	ssyncadd.s32 $0xFFFFD8F0  }
0x16: {  	[tilespmem:s15], [sflag:$0x3] =	stream.linear.gather [hbm4b:s6+s3], $0x2710, $0x38;
	[tilespmem:$0x13620] =	vst v63  }
0x17: {  	_ =	swait.ge [sflag:s14], $0x2710  }
0x18: {  	[sflag:s14] =	ssyncset.done $0x0  }
0x19: {  	s28 =	simm.s32 $0x100;
	s26 =	simm.s32 $0x0;
	[sflag:s14] =	ssyncadd.s32 $0xFFFFD8F0  }
0x1a: {  	[tilespmem:s17], [sflag:$0x1] =	stream.indirect.gather [hbm4b:s4+s16], $0x40, s3, s16, $0xb8;
	[tilespmem:$0x13620] =	vst v63  }
.LBB2_2:
0x1b: {  	p0 =	sne.s32 s28, $0x7F00;
	[tilespmem:s26+$0x7650] =	vst v0;
	s29 =	smov.u32 s28;
	s28 =	sadd.s32 $0x100, s28  }
.Ltmp0:
0x1c: {  	[tilespmem:s26+$0x7640] =	vst v0;
	(pc) =	sbr.rel @p0 .LBB2_2-.Ltmp0, $3  }
0x1d: {  	[tilespmem:s26+$0x7620] =	vst v0  }
0x1e: {  	[tilespmem:s26+$0x7630] =	vst v0;
	_ =	sdelay $0x1  }
0x1f: {  	s26 =	sshra.s32 s29, $0x2  }
0x20: {  	[tilespmem:s26+$0x7650] =	vst v0  }
0x21: {  	[tilespmem:s26+$0x7640] =	vst v0  }
0x22: {  	[tilespmem:s26+$0x7620] =	vst v0  }
0x23: {  	[tilespmem:s26+$0x7630] =	vst v0  }
0x24: {  	[spmem:s7] =	stream.linear.scatter [tilespmem:s18], [sflag:$0x3], $0x2000, $0x38;
	[tilespmem:$0x13620] =	vst v63  }
0x25: {  	_ =	swait.ge [sflag:s14], $0x2000  }
0x26: {  	[sflag:s14] =	ssyncset.done $0x0  }
0x27: {  	[sflag:s14] =	ssyncadd.s32 $0xFFFFE000  }
0x28: {  	[spmem:s8] =	stream.linear.scatter [tilespmem:s18], [sflag:$0x3], $0x2000, $0x38;
	[tilespmem:$0x13620] =	vst v63  }
0x29: {  	_ =	swait.ge [sflag:s14], $0x2000  }
0x2a: {  	[sflag:s14] =	ssyncset.done $0x0  }
0x2b: {  	[sflag:s14] =	ssyncadd.s32 $0xFFFFE000  }
0x2c: {  	[spmem:s9] =	stream.linear.scatter [tilespmem:s18], [sflag:$0x3], $0x2000, $0x38;
	[tilespmem:$0x13620] =	vst v63  }
0x2d: {  	_ =	swait.ge [sflag:s14], $0x2000  }
0x2e: {  	[sflag:s14] =	ssyncset.done $0x0  }
0x2f: {  	[sflag:s14] =	ssyncadd.s32 $0xFFFFE000  }
0x30: {  	[spmem:s10] =	stream.linear.scatter [tilespmem:s18], [sflag:$0x3], $0x2000, $0x38;
	[tilespmem:$0x13620] =	vst v63  }
0x31: {  	_ =	swait.ge [sflag:s14], $0x2000  }
0x32: {  	[sflag:s14] =	ssyncset.done $0x0  }
0x33: {  	[sflag:s14] =	ssyncadd.s32 $0xFFFFE000  }
0x34: {  	[spmem:s11] =	stream.linear.scatter [tilespmem:s18], [sflag:$0x3], $0x2000, $0x38;
	[tilespmem:$0x13620] =	vst v63  }
0x35: {  	_ =	swait.ge [sflag:s14], $0x2000  }
0x36: {  	[sflag:s14] =	ssyncset.done $0x0  }
0x37: {  	[sflag:s14] =	ssyncadd.s32 $0xFFFFE000  }
0x38: {  	s31 =	simm.s32 $0x50;
	[bflag:$0x0] =	sbarrier.arrive $0xFFFF  }
0x39: {  	[tilespmem:s19], [sflag:$0x2] =	stream.indirect.gather [hbm4b:s4+s16], $0x40, s31, s16, $0xb8;
	[tilespmem:$0x13620] =	vst v63  }
0x3a: {  	_ =	swait.ge [sflag:s20], $0x1400  }
0x3b: {  	[sflag:s20] =	ssyncset.done $0x0  }
0x3c: {  	s29 =	simm.s32 $0x2710;
	[sflag:s20] =	ssyncadd.s32 $0xFFFFEC00  }
0x3d: {  	[spmem:s2] =	stream.indirect.scatter.add.f32 [tilespmem:s17], [sflag:$0x3], $0x40, s29, s16, $0xb8;
	[tilespmem:$0x13620] =	vst v63  }
0x3e: {  	_ =	swait.ge [sflag:s14], $0x1400  }
0x3f: {  	[sflag:s14] =	ssyncset.done $0x0  }
0x40: {  	s30 =	simm.s32 $0xA0;
	[sflag:s14] =	ssyncadd.s32 $0xFFFFEC00  }
0x41: {  	[tilespmem:s17], [sflag:$0x1] =	stream.indirect.gather [hbm4b:s4+s16], $0x40, s30, s16, $0xb8;
	[tilespmem:$0x13620] =	vst v63  }
0x42: {  	_ =	swait.ge [sflag:s21], $0x1400  }
0x43: {  	[sflag:s21] =	ssyncset.done $0x0  }
0x44: {  	s31 =	simm.s32 $0x2760;
	[sflag:s21] =	ssyncadd.s32 $0xFFFFEC00  }
0x45: {  	[spmem:s2] =	stream.indirect.scatter.add.f32 [tilespmem:s19], [sflag:$0x3], $0x40, s31, s16, $0xb8;
	[tilespmem:$0x13620] =	vst v63  }
0x46: {  	_ =	swait.ge [sflag:s14], $0x1400  }
0x47: {  	s28 =	simm.s32 $0x500;
	s26 =	simm.s32 $0xA0;
	[sflag:s14] =	ssyncset.done $0x0  }
.LBB2_4:
0x48: {  	s29 =	sadd.s32 $0x50, s26  }
0x49: {  	[sflag:s14] =	ssyncadd.s32 $0xFFFFEC00;
	s30 =	smov.u32 s28;
	s31 =	sadd.s32 $0x280, s28  }
0x4a: {  	[tilespmem:s19], [sflag:$0x2] =	stream.indirect.gather [hbm4b:s4+s16], $0x40, s29, s16, $0xb8;
	[tilespmem:$0x13620] =	vst v63  }
0x4b: {  	p0 =	sne.s32 s28, $0x9880;
	_ =	swait.ge [sflag:s20], $0x1400  }
0x4c: {  	[sflag:s20] =	ssyncset.done $0x0  }
0x4d: {  	s28 =	sadd.s32 $0x2710, s26;
	[sflag:s20] =	ssyncadd.s32 $0xFFFFEC00  }
0x4e: {  	[spmem:s2] =	stream.indirect.scatter.add.f32 [tilespmem:s17], [sflag:$0x3], $0x40, s28, s16, $0xb8;
	[tilespmem:$0x13620] =	vst v63  }
0x4f: {  	_ =	swait.ge [sflag:s14], $0x1400  }
0x50: {  	[sflag:s14] =	ssyncset.done $0x0  }
0x51: {  	s28 =	sadd.s32 $0xA0, s26;
	[sflag:s14] =	ssyncadd.s32 $0xFFFFEC00  }
0x52: {  	[tilespmem:s17], [sflag:$0x1] =	stream.indirect.gather [hbm4b:s4+s16], $0x40, s28, s16, $0xb8;
	[tilespmem:$0x13620] =	vst v63  }
0x53: {  	_ =	swait.ge [sflag:s21], $0x1400  }
.Ltmp1:
0x54: {  	[sflag:s21] =	ssyncset.done $0x0;
	(pc) =	sbr.rel @p0 .LBB2_4-.Ltmp1, $4  }
0x55: {  	s26 =	sadd.s32 $0x2760, s26;
	[sflag:s21] =	ssyncadd.s32 $0xFFFFEC00  }
0x56: {  	[spmem:s2] =	stream.indirect.scatter.add.f32 [tilespmem:s19], [sflag:$0x3], $0x40, s26, s16, $0xb8;
	[tilespmem:$0x13620] =	vst v63  }
0x57: {  	_ =	swait.ge [sflag:s14], $0x1400  }
0x58: {  	s28 =	smov.u32 s31;
	s26 =	sshra.s32 s30, $0x2;
	[sflag:s14] =	ssyncset.done $0x0  }
0x59: {  	s28 =	sadd.s32 $0x50, s26;
	[sflag:s14] =	ssyncadd.s32 $0xFFFFEC00  }
0x5a: {  	[tilespmem:s19], [sflag:$0x2] =	stream.indirect.gather [hbm4b:s4+s16], $0x40, s28, s16, $0xb8;
	[tilespmem:$0x13620] =	vst v63  }
0x5b: {  	_ =	swait.ge [sflag:s20], $0x1400  }
0x5c: {  	[sflag:s20] =	ssyncset.done $0x0  }
0x5d: {  	s29 =	sadd.s32 $0x2710, s26;
	[sflag:s20] =	ssyncadd.s32 $0xFFFFEC00  }
0x5e: {  	[spmem:s2] =	stream.indirect.scatter.add.f32 [tilespmem:s17], [sflag:$0x3], $0x40, s29, s16, $0xb8;
	[tilespmem:$0x13620] =	vst v63  }
0x5f: {  	_ =	swait.ge [sflag:s14], $0x1400  }
0x60: {  	[sflag:s14] =	ssyncset.done $0x0  }
0x61: {  	s30 =	sadd.s32 $0xA0, s26;
	[sflag:s14] =	ssyncadd.s32 $0xFFFFEC00  }
0x62: {  	[tilespmem:s17], [sflag:$0x1] =	stream.indirect.gather [hbm4b:s4+s16], $0x40, s30, s16, $0xb8;
	[tilespmem:$0x13620] =	vst v63  }
0x63: {  	_ =	swait.ge [sflag:s21], $0x1400  }
0x64: {  	[sflag:s21] =	ssyncset.done $0x0  }
0x65: {  	s31 =	sadd.s32 $0x2760, s26;
	[sflag:s21] =	ssyncadd.s32 $0xFFFFEC00  }
0x66: {  	[spmem:s2] =	stream.indirect.scatter.add.f32 [tilespmem:s19], [sflag:$0x3], $0x40, s31, s16, $0xb8;
	[tilespmem:$0x13620] =	vst v63  }
0x67: {  	_ =	swait.ge [sflag:s14], $0x1400  }
0x68: {  	[sflag:s14] =	ssyncset.done $0x0  }
0x69: {  	[sflag:s14] =	ssyncadd.s32 $0xFFFFEC00  }
0x6a: {  	_ =	swait.ge [sflag:s20], $0x1400  }
0x6b: {  	[sflag:s20] =	ssyncset.done $0x0  }
0x6c: {  	[sflag:s20] =	ssyncadd.s32 $0xFFFFEC00  }
0x6d: {  	[spmem:s2] =	stream.indirect.scatter.add.f32 [tilespmem:s17], [sflag:$0x3], $0x40, s22, s16, $0xb8;
	[tilespmem:$0x13620] =	vst v63  }
0x6e: {  	_ =	swait.ge [sflag:s14], $0x1400  }
0x6f: {  	s25 =	sadd.s32 $0x1, s25;
	[sflag:s14] =	ssyncset.done $0x0  }
0x70: {  	p0 =	sne.s32 s25, s13;
	[sflag:s14] =	ssyncadd.s32 $0xFFFFEC00  }
.Ltmp2:
0x71: {  	[bflag:$0x0] =	sbarrier.arrive $0xFFFF;
	(pc) =	sbr.rel @p0 .LBB2_1-.Ltmp2, $4  }
0x72: {  	[hbm:s12], [sflag:s23] =	dma.local [spmem:s24], $0x1400  }
0x73: {  	_ =	swait.ge [sflag:s14], $0x1400  }
0x74: {  	[sflag:s14] =	ssyncset.done $0x0  }
0x75: {  	[sflag:s14] =	ssyncadd.s32 $0xFFFFEC00  }
0x76: {  	_ =	sfence.sel $0x180000  }
0x77: {  	[bflag:$0x0] =	sbarrier.arrive $0xFFFF  }
0x78: {  	p0 =	sne.s32 s1, $0x0;
	_ =	strace $0x90000047  }
0x79: {  	s0 =	sadd.s32 @!p0 $0x100000, s0;
	[bflag:$0x2] =	sbarrier.arrive $0xFFFF  }
0x7a: {  	[sflag:s0] =	ssyncadd.tile.s32 @!p0 $0x1;
	_ =	shalt  }
.Lfunc_end2:
_tile_overlayer_lowered:
.L_overlay_start_2:
0x7b: {  	(tag) =	ssettag $0x2  }
0x7c: {  	s0 =	rddreg [dreg:$0x0];
	s2 =	stileid.u32  }
0x7d: {  	s1 =	rddreg [dreg:$0x1];
	p0 =	sne.s32 s2, $0x0  }
0x7e: {  	s3 =	rddreg [dreg:$0x2];
	[bflag:$0x3] =	sbarrier.arrive $0xFFFF;
	s2 =	simm.s32 @!p0 $0x1C03  }
0x7f: {  	[timem:s3], [sflag:s2] =	dma.local @!p0 [hbm:s0], s1  }
0x80: {  	s0 =	simm.s32 @!p0 $0x3  }
0x81: {  	_ =	swait.ge @!p0 [sflag:s0], s1  }
0x82: {  	s1 =	ssub.s32 @!p0 $0x0, s1;
	[sflag:s0] =	ssyncset.done @!p0 $0x0  }
0x83: {  	[sflag:s0] =	ssyncadd.s32 @!p0 s1  }
0x84: {  	[bflag:$0x3] =	sbarrier.arrive $0xFFFF  }
0x85: {  	_ =	shalt  }

// kernel: kernel.14.cloned.1.call-start
scs
__scs_entry_jumppad:
0x0: {  	(pc) =	sbr.rel $0x88, $3  }
0x1: {  	(tag) =	ssettag $0x0;
	lr =	simm.s32 $0x1  }
0x2: {  	[smem:$0x3F94] =	sst lr;
	_ =	strace $0xD0000000  }
0x3: {  	_ = 	snop  }
0x4: {  	_ = 	snop  }
0x5: {  	_ = 	snop  }
0x6: {  	_ = 	snop  }
0x7: {  	_ = 	snop  }
__scs_overlays_trampoline_lowered:
0x8: {  	[smem:$0x3FA3] =	sst s0  }
0x9: {  	[smem:$0x3FA4] =	sst s1  }
0xa: {  	[smem:$0x3FA5] =	sst s2  }
0xb: {  	[smem:$0x3FA6] =	sst s3  }
0xc: {  	[smem:$0x3FA7] =	sst s4  }
0xd: {  	[smem:$0x3FA8] =	sst s5  }
0xe: {  	[smem:$0x3FA9] =	sst s6  }
0xf: {  	[smem:$0x3FAA] =	sst s7  }
0x10: {  	[smem:$0x3FAB] =	sst s8  }
0x11: {  	[smem:$0x3FAC] =	sst s9;
	s0 =	simm.s32 @!p0 $0x0  }
0x12: {  	s1 =	sld [smem:$0x3F92];
	s0 =	simm.s32 @p0 $0x1  }
0x13: {  	[smem:$0x3FAD] =	sst s0;
	s0 =	simm.s32 @!p1 $0x0  }
0x14: {  	s2 =	sld [smem:$0x3F91];
	s0 =	simm.s32 @p1 $0x1  }
0x15: {  	[smem:$0x3FAE] =	sst s0;
	s0 =	simm.s32 @!p2 $0x0  }
0x16: {  	s3 =	sld [smem:$0x3FDB];
	s0 =	simm.s32 @p2 $0x1  }
0x17: {  	s4 =	simm.s32 $0x1BF5;
	[smem:$0x3FB0] =	sst s0  }
0x18: {  	s0 =	sld [smem:$0x3F93];
	_ =	swait.ge [sflag:s4], $0x0  }
0x19: {  	s7 =	sld [smem:$0x3F94]  }
0x1a: {  	s8 =	sadd.s32 $0xFFFFE003, lr  }
0x1b: {  	s9 =	sadd.s32 $0xFFFFFEF7, lr;
	s5 =	simm.s32 $0xFFFFFFFF;
	p2 =	slt.u32 s8, $0xFFFFF086  }
0x1c: {  	p1 =	slt.u32 s9, $0xF7A;
	s5 =	simm.s32 @!p2 $0x0  }
0x1d: {  	s5 =	simm.s32 @p1 $0x1;
	p0 =	seq.s32 s7, s2  }
0x1e: {  	s7 =	smul.u32 @!p0 $0xF7A, s2;
	p2 =	seq.s32 @!p0 s5, $0x0  }
0x1f: {  	s9 =	smul.u32 $0xF7A, s1;
	s8 =	simm.s32 @!p0 $0x1BF5;
	p2 =	por !p2, p0  }
0x20: {  	[sflag:s8] =	ssyncset.s32 @!p0 $0xFFFFF086;
	s6 =	sadd.s32 @!p0 s3, s7;
	s7 =	simm.s32 @!p0 $0x108  }
0x21: {  	s3 =	sadd.s32 s3, s9;
	s6 =	sadd.s32 @!p0 $0x88, s6;
	s7 =	simm.s32 @p2 $0x1082  }
0x22: {  	[simem:s7], [sflag:s8] =	dma.local @!p0 [hbm:s6], $0xF7A  }
0x23: {  	s9 =	sor.u32 $0xD0000000, s2;
	s6 =	simm.s32 $0x108;
	_ =	swait.ge @!p0 [sflag:s8], $0x0  }
0x24: {  	s3 =	sadd.s32 $0x88, s3;
	s6 =	simm.s32 @!p1 $0x1082;
	[sflag:s4] =	ssyncset.s32 $0xFFFFF086  }
0x25: {  	[simem:s6], [sflag:s4] =	dma.local [hbm:s3], $0xF7A  }
0x26: {  	[smem:$0x3F94] =	sst s1;
	(tag) =	ssettag s2;
	_ =	strace s9  }
0x27: {  	s1 =	sld [smem:$0x3FA4]  }
0x28: {  	s2 =	sld [smem:$0x3FA5]  }
0x29: {  	s4 =	sld [smem:$0x3FA7]  }
0x2a: {  	p0 =	seq.s32 s5, $0x0;
	s5 =	sld [smem:$0x3FA8]  }
0x2b: {  	s6 =	sld [smem:$0x3FA9]  }
0x2c: {  	s7 =	sld [smem:$0x3FAA]  }
0x2d: {  	s3 =	simm.s32 $0x108;
	s8 =	sld [smem:$0x3FAB]  }
0x2e: {  	s3 =	simm.s32 @!p0 $0x1082;
	s9 =	sld [smem:$0x3FAC]  }
0x2f: {  	lr =	sadd.s32 s0, s3;
	s0 =	sld [smem:$0x3FA3]  }
0x30: {  	s3 =	sld [smem:$0x3FA6]  }
0x31: {  	[smem:$0x3FAF] =	sst s10  }
0x32: {  	s10 =	sld [smem:$0x3FAD];
	_ =	sdelay $0x3  }
0x33: {  	p0 =	seq.s32 s10, $0x1;
	s10 =	sld [smem:$0x3FAF];
	_ =	sdelay $0x3  }
0x34: {  	[smem:$0x3FAF] =	sst s10  }
0x35: {  	s10 =	sld [smem:$0x3FAE];
	_ =	sdelay $0x3  }
0x36: {  	p1 =	seq.s32 s10, $0x1;
	s10 =	sld [smem:$0x3FAF];
	_ =	sdelay $0x3  }
0x37: {  	[smem:$0x3FAF] =	sst s10  }
0x38: {  	s10 =	sld [smem:$0x3FB0]  }
0x39: {  	_ = 	snop;
	(pc) =	sbr.ind lr, $3  }
0x3a: {  	_ = 	snop  }
0x3b: {  	_ = 	snop  }
0x3c: {  	p2 =	seq.s32 s10, $0x1;
	s10 =	sld [smem:$0x3FAF]  }
0x3d: {  	_ =	shalt  }
0x3e: {  	_ =	shalt  }
0x3f: {  	_ =	shalt  }
0x40: {  	_ =	shalt  }
0x41: {  	_ =	shalt  }
0x42: {  	_ =	shalt  }
0x43: {  	_ =	shalt  }
0x44: {  	_ =	shalt  }
0x45: {  	_ =	shalt  }
0x46: {  	_ =	shalt  }
0x47: {  	_ =	shalt  }
0x48: {  	_ =	shalt  }
0x49: {  	_ =	shalt  }
0x4a: {  	_ =	shalt  }
0x4b: {  	_ =	shalt  }
0x4c: {  	_ =	shalt  }
0x4d: {  	_ =	shalt  }
0x4e: {  	_ =	shalt  }
0x4f: {  	_ =	shalt  }
0x50: {  	_ =	shalt  }
0x51: {  	_ =	shalt  }
0x52: {  	_ =	shalt  }
0x53: {  	_ =	shalt  }
0x54: {  	_ =	shalt  }
0x55: {  	_ =	shalt  }
0x56: {  	_ =	shalt  }
0x57: {  	_ =	shalt  }
0x58: {  	_ =	shalt  }
0x59: {  	_ =	shalt  }
0x5a: {  	_ =	shalt  }
0x5b: {  	_ =	shalt  }
0x5c: {  	_ =	shalt  }
0x5d: {  	_ =	shalt  }
0x5e: {  	_ =	shalt  }
0x5f: {  	_ =	shalt  }
0x60: {  	_ =	shalt  }
0x61: {  	_ =	shalt  }
0x62: {  	_ =	shalt  }
0x63: {  	_ =	shalt  }
0x64: {  	_ =	shalt  }
0x65: {  	_ =	shalt  }
0x66: {  	_ =	shalt  }
0x67: {  	_ =	shalt  }
0x68: {  	_ =	shalt  }
0x69: {  	_ =	shalt  }
0x6a: {  	_ =	shalt  }
0x6b: {  	_ =	shalt  }
0x6c: {  	_ =	shalt  }
0x6d: {  	_ =	shalt  }
0x6e: {  	_ =	shalt  }
0x6f: {  	_ =	shalt  }
0x70: {  	_ =	shalt  }
0x71: {  	_ =	shalt  }
0x72: {  	_ =	shalt  }
0x73: {  	_ =	shalt  }
0x74: {  	_ =	shalt  }
0x75: {  	_ =	shalt  }
0x76: {  	_ =	shalt  }
0x77: {  	_ =	shalt  }
0x78: {  	_ =	shalt  }
0x79: {  	_ =	shalt  }
0x7a: {  	_ =	shalt  }
0x7b: {  	_ =	shalt  }
0x7c: {  	_ =	shalt  }
0x7d: {  	_ =	shalt  }
0x7e: {  	_ =	shalt  }
0x7f: {  	_ =	shalt  }
0x80: {  	_ =	shalt  }
0x81: {  	_ =	shalt  }
0x82: {  	_ =	shalt  }
0x83: {  	_ =	shalt  }
0x84: {  	_ =	shalt  }
0x85: {  	_ =	shalt  }
0x86: {  	_ =	shalt  }
0x87: {  	_ =	shalt  }
.Lfunc_end0:
.L_simem_size_0:
called_computation.1_lowered:
.L_overlay_start_0:
0x88: {  	s2 =	sld [smem:$0x3FD9]  }
0x89: {  	s3 =	sld [smem:$0x3FFE];
	_ =	sdelay $0x1  }
0x8a: {  	s1 =	srdreg.scid  }
0x8b: {  	s0 =	sand.u32 $0x1, s1  }
0x8c: {  	s16 =	sshll.u32 s0, $0xA;
	s2 =	sadd.s32 s3, s2  }
0x8d: {  	s2 =	sadd.s32 s2, s16  }
0x8e: {  	[smem:$0x3FBB] =	sst s2  }
0x8f: {  	_ = 	snop  }
0x90: {  	(tm) =	ssettm $0x1  }
0x91: {  	s17 =	sld [smem:$0x3FFB];
	_ =	sdelay $0x3  }
0x92: {  	_ =	strace s17  }
0x93: {  	s2 =	sld [smem:$0x3FFC];
	_ =	sdelay $0x3  }
0x94: {  	_ =	strace s2  }
0x95: {  	s2 =	sld [smem:$0x3FFD];
	_ =	sdelay $0x3  }
0x96: {  	_ =	strace s2  }
0x97: {  	_ =	strace $0x8FFFFFFF  }
0x98: {  	s18 =	sld [smem:$0x3FDB];
	_ =	sdelay $0x1  }
0x99: {  	s19 =	simm.s32 $_scs_section_size  }
0x9a: {  	s4 =	simm.s32 $_size__tile_overlayer_lowered;
	s5 =	simm.s32 $_tile_overlayer_lowered  }
0x9b: {  	s22 =	simm.s32 $0x1BFF;
	s21 =	sshll.u32 s5, $0x1;
	s2 =	sadd.s32 s19, s18  }
0x9c: {  	s6 =	simm.s32 $0x0;
	s20 =	sshll.u32 s4, $0x1;
	s4 =	sadd.s32 s21, s2  }
0x9d: {  	[timem:s6], [sflag:s22] =	dma.local [hbm:s4], s20  }
0x9e: {  	_ =	swait.ge [sflag:s22], s20  }
0x9f: {  	s3 =	ssub.s32 $0x0, s20;
	[sflag:s22] =	ssyncset.done $0x0  }
0xa0: {  	[sflag:s22] =	ssyncadd.s32 s3;
	_ =	sdelay $0x1  }
0xa1: {  	s23 =	simm.s32 $0x1B8B  }
0xa2: {  	_ =	swait.ge [sflag:s23], $0x1  }
0xa3: {  	[sflag:s23] =	ssyncset.done $0x0  }
0xa4: {  	s25 =	simm.s32 $0x1B8E;
	s24 =	sld [smem:$0x3FFE];
	[sflag:s23] =	ssyncadd.s32 $0xFFFFFFFF  }
0xa5: {  	s26 =	simm.s32 $execute0_lowered;
	[smem:$0x3FD2] =	sst s25  }
0xa6: {  	s4 =	sshll.u32 s26, $0x1;
	_ =	strace $0x80000049;
	[dreg:$0x1] =	wrdreg $0xFFFFFFFF  }
0xa7: {  	s28 =	simm.s32 $_size_execute0_lowered;
	s2 =	sadd.s32 s2, s4;
	[dreg:$0x0] =	wrdreg $0x0  }
0xa8: {  	s4 =	sshll.u32 s28, $0x1;
	[dreg:$0x2] =	wrdreg s2  }
0xa9: {  	[dreg:$0x3] =	wrdreg s4  }
0xaa: {  	[dreg:$0x4] =	wrdreg $0xC0  }
0xab: {  	_ =	task [dreg:s6], $0x5FFFF  }
0xac: {  	[dreg:$0x1] =	wrdreg $0xFFFFFFFF  }
0xad: {  	[dreg:$0x0] =	wrdreg $0x60  }
0xae: {  	[dreg:$0x2] =	wrdreg s24  }
0xaf: {  	[dreg:$0x3] =	wrdreg $0x96200  }
0xb0: {  	[dreg:$0x4] =	wrdreg $0x9  }
0xb1: {  	_ =	task.clear_ibuf [dreg:s6], $0x5FFFF;
	_ =	strace $0x90000049  }
0xb2: {  	s29 =	simm.s32 $0x9;
	_ =	strace $0x8000004B  }
0xb3: {  	_ =	swait.ge [sflag:s29], $0x1  }
0xb4: {  	[sflag:s29] =	ssyncadd.s32 $0xFFFFFFFF  }
0xb5: {  	_ =	strace $0x9000004B  }
0xb6: {  	_ =	sfence  }
0xb7: {  	s30 =	sld [smem:$0x0];
	_ =	sdelay $0x2  }
0xb8: {  	s31 =	sshll.u32 s1, $0xD;
	s1 =	sshrl.u32 s1, $0x2  }
0xb9: {  	s3 =	sand.u32 $0x4000, s31;
	s1 =	sadd.s32 s1, s30  }
0xba: {  	s0 =	sor.u32 s3, s0;
	s1 =	sshll.u32 s1, $0x11  }
0xbb: {  	s0 =	sor.u32 s1, s0  }
0xbc: {  	s0 =	sadd.s32 $0x8F2B, s0  }
0xbd: {  	[sflag:s0] =	ssyncadd.remote.s32 $0x1  }
0xbe: {  	_ =	sfence.sel $0xFFFF  }
0xbf: {  	[dreg:$0x0] =	wrdreg $0xFFFFFFFF;
	(pc) =	sbr.abs _section_cstart, $3  }
0xc0: {  	[dreg:$0x1] =	wrdreg $0xFFFFFFFF  }
0xc1: {  	_ =	task.clear_ibuf [dreg:s6], $0x2FFFF;
	_ =	strace $0x9FFFFFFF  }
0xc2: {  	(tm) =	ssettm $0x7FFFFFFF  }
0xc3: {  	_ =	shalt  }
tec
execute0_lowered:
.L_overlay_start_1:
0x0: {  	(tag) =	ssettag $0x1  }
0x1: {  	s5 =	rddreg [dreg:$0x0]  }
0x2: {  	s2 =	rddreg [dreg:$0x1]  }
0x3: {  	s0 =	rddreg [dreg:$0x2];
	s3 =	simm.s32 $0x0;
	s4 =	srdreg.scid  }
0x4: {  	s1 =	stileid.u32;
	s14 =	simm.s32 $0x3;
	s15 =	simm.s32 $0x2710  }
0x5: {  	s16 =	simm.s32 $0x50;
	s17 =	simm.s32 $0x4E20;
	s18 =	simm.s32 $0x7620  }
0x6: {  	s19 =	simm.s32 $0x6220;
	s20 =	simm.s32 $0x1;
	s21 =	simm.s32 $0x2  }
0x7: {  	s22 =	simm.s32 $0x4DD0;
	s25 =	simm.s32 $0x0;
	s6 =	sand.u32 $0x1, s4  }
0x8: {  	s29 =	sshll.u32 s1, $0x1;
	s7 =	smul.u32 $0xA000, s1;
	[smem:$0x7FF] =	sst s3  }
0x9: {  	s10 =	smul.u32 $0x28000, s1;
	s23 =	sshll.u32 s1, $0x6;
	s4 =	sor.u32 s6, s29  }
0xa: {  	s8 =	smul.u32 $0xA0000, s6;
	_ =	strace $0x8000004A;
	s6 =	ssub.s32 $0x2, s6  }
0xb: {  	s23 =	sor.u32 $0x1C03, s23;
	s9 =	smul.u32 $0x4E2, s4;
	s4 =	sadd.s32 $0x16200, s5  }
0xc: {  	s30 =	sshrl.u32 s6, $0x1;
	s31 =	sshrl.u32 s10, $0x2;
	s8 =	sadd.s32 s7, s8  }
0xd: {  	s13 =	ssub.s32 s6, s30;
	s11 =	sadd.s32 s31, s2;
	s7 =	sadd.s32 s7, s2  }
0xe: {  	s9 =	sadd.s32 s9, s5;
	s8 =	sshrl.u32 s8, $0x3;
	s10 =	sadd.s32 $0x6000, s11  }
0xf: {  	s13 =	smax.u32 s13, $0x1;
	s24 =	sshrl.u32 s7, $0x3;
	s12 =	sadd.s32 s8, s5  }
0x10: {  	s5 =	sadd.s32 $0xC400, s9;
	s6 =	sadd.s32 $0x2600, s9;
	s8 =	sadd.s32 $0x2000, s11  }
0x11: {  	v0 =	vimm.f32 $0.0e+00;
	s9 =	sadd.s32 $0x4000, s11;
	s11 =	sadd.s32 $0x8000, s11;
	s12 =	sadd.s32 $0x2A200, s12  }
.LBB2_1:
0x12: {  	[tilespmem:s3], [sflag:$0x3] =	stream.linear.gather [hbm4b:s5+s3], $0x2710, $0x38;
	[tilespmem:$0x13620] =	vst v63  }
0x13: {  	_ =	swait.ge [sflag:s14], $0x2710  }
0x14: {  	[sflag:s14] =	ssyncset.done $0x0  }
0x15: {  	[sflag:s14] =	ssyncadd.s32 $0xFFFFD8F0  }
0x16: {  	[tilespmem:s15], [sflag:$0x3] =	stream.linear.gather [hbm4b:s6+s3], $0x2710, $0x38;
	[tilespmem:$0x13620] =	vst v63  }
0x17: {  	_ =	swait.ge [sflag:s14], $0x2710  }
0x18: {  	[sflag:s14] =	ssyncset.done $0x0  }
0x19: {  	s28 =	simm.s32 $0x100;
	s26 =	simm.s32 $0x0;
	[sflag:s14] =	ssyncadd.s32 $0xFFFFD8F0  }
0x1a: {  	[tilespmem:s17], [sflag:$0x1] =	stream.indirect.gather [hbm4b:s4+s16], $0x40, s3, s16, $0xb8;
	[tilespmem:$0x13620] =	vst v63  }
.LBB2_2:
0x1b: {  	p0 =	sne.s32 s28, $0x7F00;
	[tilespmem:s26+$0x7650] =	vst v0;
	s29 =	smov.u32 s28;
	s28 =	sadd.s32 $0x100, s28  }
.Ltmp0:
0x1c: {  	[tilespmem:s26+$0x7640] =	vst v0;
	(pc) =	sbr.rel @p0 .LBB2_2-.Ltmp0, $3  }
0x1d: {  	[tilespmem:s26+$0x7620] =	vst v0  }
0x1e: {  	[tilespmem:s26+$0x7630] =	vst v0;
	_ =	sdelay $0x1  }
0x1f: {  	s26 =	sshra.s32 s29, $0x2  }
0x20: {  	[tilespmem:s26+$0x7650] =	vst v0  }
0x21: {  	[tilespmem:s26+$0x7640] =	vst v0  }
0x22: {  	[tilespmem:s26+$0x7620] =	vst v0  }
0x23: {  	[tilespmem:s26+$0x7630] =	vst v0  }
0x24: {  	[spmem:s7] =	stream.linear.scatter [tilespmem:s18], [sflag:$0x3], $0x2000, $0x38;
	[tilespmem:$0x13620] =	vst v63  }
0x25: {  	_ =	swait.ge [sflag:s14], $0x2000  }
0x26: {  	[sflag:s14] =	ssyncset.done $0x0  }
0x27: {  	[sflag:s14] =	ssyncadd.s32 $0xFFFFE000  }
0x28: {  	[spmem:s8] =	stream.linear.scatter [tilespmem:s18], [sflag:$0x3], $0x2000, $0x38;
	[tilespmem:$0x13620] =	vst v63  }
0x29: {  	_ =	swait.ge [sflag:s14], $0x2000  }
0x2a: {  	[sflag:s14] =	ssyncset.done $0x0  }
0x2b: {  	[sflag:s14] =	ssyncadd.s32 $0xFFFFE000  }
0x2c: {  	[spmem:s9] =	stream.linear.scatter [tilespmem:s18], [sflag:$0x3], $0x2000, $0x38;
	[tilespmem:$0x13620] =	vst v63  }
0x2d: {  	_ =	swait.ge [sflag:s14], $0x2000  }
0x2e: {  	[sflag:s14] =	ssyncset.done $0x0  }
0x2f: {  	[sflag:s14] =	ssyncadd.s32 $0xFFFFE000  }
0x30: {  	[spmem:s10] =	stream.linear.scatter [tilespmem:s18], [sflag:$0x3], $0x2000, $0x38;
	[tilespmem:$0x13620] =	vst v63  }
0x31: {  	_ =	swait.ge [sflag:s14], $0x2000  }
0x32: {  	[sflag:s14] =	ssyncset.done $0x0  }
0x33: {  	[sflag:s14] =	ssyncadd.s32 $0xFFFFE000  }
0x34: {  	[spmem:s11] =	stream.linear.scatter [tilespmem:s18], [sflag:$0x3], $0x2000, $0x38;
	[tilespmem:$0x13620] =	vst v63  }
0x35: {  	_ =	swait.ge [sflag:s14], $0x2000  }
0x36: {  	[sflag:s14] =	ssyncset.done $0x0  }
0x37: {  	[sflag:s14] =	ssyncadd.s32 $0xFFFFE000  }
0x38: {  	s31 =	simm.s32 $0x50;
	[bflag:$0x0] =	sbarrier.arrive $0xFFFF  }
0x39: {  	[tilespmem:s19], [sflag:$0x2] =	stream.indirect.gather [hbm4b:s4+s16], $0x40, s31, s16, $0xb8;
	[tilespmem:$0x13620] =	vst v63  }
0x3a: {  	_ =	swait.ge [sflag:s20], $0x1400  }
0x3b: {  	[sflag:s20] =	ssyncset.done $0x0  }
0x3c: {  	s29 =	simm.s32 $0x2710;
	[sflag:s20] =	ssyncadd.s32 $0xFFFFEC00  }
0x3d: {  	[spmem:s2] =	stream.indirect.scatter.add.f32 [tilespmem:s17], [sflag:$0x3], $0x40, s29, s16, $0xb8;
	[tilespmem:$0x13620] =	vst v63  }
0x3e: {  	_ =	swait.ge [sflag:s14], $0x1400  }
0x3f: {  	[sflag:s14] =	ssyncset.done $0x0  }
0x40: {  	s30 =	simm.s32 $0xA0;
	[sflag:s14] =	ssyncadd.s32 $0xFFFFEC00  }
0x41: {  	[tilespmem:s17], [sflag:$0x1] =	stream.indirect.gather [hbm4b:s4+s16], $0x40, s30, s16, $0xb8;
	[tilespmem:$0x13620] =	vst v63  }
0x42: {  	_ =	swait.ge [sflag:s21], $0x1400  }
0x43: {  	[sflag:s21] =	ssyncset.done $0x0  }
0x44: {  	s31 =	simm.s32 $0x2760;
	[sflag:s21] =	ssyncadd.s32 $0xFFFFEC00  }
0x45: {  	[spmem:s2] =	stream.indirect.scatter.add.f32 [tilespmem:s19], [sflag:$0x3], $0x40, s31, s16, $0xb8;
	[tilespmem:$0x13620] =	vst v63  }
0x46: {  	_ =	swait.ge [sflag:s14], $0x1400  }
0x47: {  	s28 =	simm.s32 $0x500;
	s26 =	simm.s32 $0xA0;
	[sflag:s14] =	ssyncset.done $0x0  }
.LBB2_4:
0x48: {  	s29 =	sadd.s32 $0x50, s26  }
0x49: {  	[sflag:s14] =	ssyncadd.s32 $0xFFFFEC00;
	s30 =	smov.u32 s28;
	s31 =	sadd.s32 $0x280, s28  }
0x4a: {  	[tilespmem:s19], [sflag:$0x2] =	stream.indirect.gather [hbm4b:s4+s16], $0x40, s29, s16, $0xb8;
	[tilespmem:$0x13620] =	vst v63  }
0x4b: {  	p0 =	sne.s32 s28, $0x9880;
	_ =	swait.ge [sflag:s20], $0x1400  }
0x4c: {  	[sflag:s20] =	ssyncset.done $0x0  }
0x4d: {  	s28 =	sadd.s32 $0x2710, s26;
	[sflag:s20] =	ssyncadd.s32 $0xFFFFEC00  }
0x4e: {  	[spmem:s2] =	stream.indirect.scatter.add.f32 [tilespmem:s17], [sflag:$0x3], $0x40, s28, s16, $0xb8;
	[tilespmem:$0x13620] =	vst v63  }
0x4f: {  	_ =	swait.ge [sflag:s14], $0x1400  }
0x50: {  	[sflag:s14] =	ssyncset.done $0x0  }
0x51: {  	s28 =	sadd.s32 $0xA0, s26;
	[sflag:s14] =	ssyncadd.s32 $0xFFFFEC00  }
0x52: {  	[tilespmem:s17], [sflag:$0x1] =	stream.indirect.gather [hbm4b:s4+s16], $0x40, s28, s16, $0xb8;
	[tilespmem:$0x13620] =	vst v63  }
0x53: {  	_ =	swait.ge [sflag:s21], $0x1400  }
.Ltmp1:
0x54: {  	[sflag:s21] =	ssyncset.done $0x0;
	(pc) =	sbr.rel @p0 .LBB2_4-.Ltmp1, $4  }
0x55: {  	s26 =	sadd.s32 $0x2760, s26;
	[sflag:s21] =	ssyncadd.s32 $0xFFFFEC00  }
0x56: {  	[spmem:s2] =	stream.indirect.scatter.add.f32 [tilespmem:s19], [sflag:$0x3], $0x40, s26, s16, $0xb8;
	[tilespmem:$0x13620] =	vst v63  }
0x57: {  	_ =	swait.ge [sflag:s14], $0x1400  }
0x58: {  	s28 =	smov.u32 s31;
	s26 =	sshra.s32 s30, $0x2;
	[sflag:s14] =	ssyncset.done $0x0  }
0x59: {  	s28 =	sadd.s32 $0x50, s26;
	[sflag:s14] =	ssyncadd.s32 $0xFFFFEC00  }
0x5a: {  	[tilespmem:s19], [sflag:$0x2] =	stream.indirect.gather [hbm4b:s4+s16], $0x40, s28, s16, $0xb8;
	[tilespmem:$0x13620] =	vst v63  }
0x5b: {  	_ =	swait.ge [sflag:s20], $0x1400  }
0x5c: {  	[sflag:s20] =	ssyncset.done $0x0  }
0x5d: {  	s29 =	sadd.s32 $0x2710, s26;
	[sflag:s20] =	ssyncadd.s32 $0xFFFFEC00  }
0x5e: {  	[spmem:s2] =	stream.indirect.scatter.add.f32 [tilespmem:s17], [sflag:$0x3], $0x40, s29, s16, $0xb8;
	[tilespmem:$0x13620] =	vst v63  }
0x5f: {  	_ =	swait.ge [sflag:s14], $0x1400  }
0x60: {  	[sflag:s14] =	ssyncset.done $0x0  }
0x61: {  	s30 =	sadd.s32 $0xA0, s26;
	[sflag:s14] =	ssyncadd.s32 $0xFFFFEC00  }
0x62: {  	[tilespmem:s17], [sflag:$0x1] =	stream.indirect.gather [hbm4b:s4+s16], $0x40, s30, s16, $0xb8;
	[tilespmem:$0x13620] =	vst v63  }
0x63: {  	_ =	swait.ge [sflag:s21], $0x1400  }
0x64: {  	[sflag:s21] =	ssyncset.done $0x0  }
0x65: {  	s31 =	sadd.s32 $0x2760, s26;
	[sflag:s21] =	ssyncadd.s32 $0xFFFFEC00  }
0x66: {  	[spmem:s2] =	stream.indirect.scatter.add.f32 [tilespmem:s19], [sflag:$0x3], $0x40, s31, s16, $0xb8;
	[tilespmem:$0x13620] =	vst v63  }
0x67: {  	_ =	swait.ge [sflag:s14], $0x1400  }
0x68: {  	[sflag:s14] =	ssyncset.done $0x0  }
0x69: {  	[sflag:s14] =	ssyncadd.s32 $0xFFFFEC00  }
0x6a: {  	_ =	swait.ge [sflag:s20], $0x1400  }
0x6b: {  	[sflag:s20] =	ssyncset.done $0x0  }
0x6c: {  	[sflag:s20] =	ssyncadd.s32 $0xFFFFEC00  }
0x6d: {  	[spmem:s2] =	stream.indirect.scatter.add.f32 [tilespmem:s17], [sflag:$0x3], $0x40, s22, s16, $0xb8;
	[tilespmem:$0x13620] =	vst v63  }
0x6e: {  	_ =	swait.ge [sflag:s14], $0x1400  }
0x6f: {  	s25 =	sadd.s32 $0x1, s25;
	[sflag:s14] =	ssyncset.done $0x0  }
0x70: {  	p0 =	sne.s32 s25, s13;
	[sflag:s14] =	ssyncadd.s32 $0xFFFFEC00  }
.Ltmp2:
0x71: {  	[bflag:$0x0] =	sbarrier.arrive $0xFFFF;
	(pc) =	sbr.rel @p0 .LBB2_1-.Ltmp2, $4  }
0x72: {  	[hbm:s12], [sflag:s23] =	dma.local [spmem:s24], $0x1400  }
0x73: {  	_ =	swait.ge [sflag:s14], $0x1400  }
0x74: {  	[sflag:s14] =	ssyncset.done $0x0  }
0x75: {  	[sflag:s14] =	ssyncadd.s32 $0xFFFFEC00  }
0x76: {  	_ =	sfence.sel $0x180000  }
0x77: {  	[bflag:$0x0] =	sbarrier.arrive $0xFFFF  }
0x78: {  	p0 =	sne.s32 s1, $0x0;
	_ =	strace $0x9000004A  }
0x79: {  	s0 =	sadd.s32 @!p0 $0x100000, s0;
	[bflag:$0x2] =	sbarrier.arrive $0xFFFF  }
0x7a: {  	[sflag:s0] =	ssyncadd.tile.s32 @!p0 $0x1;
	_ =	shalt  }
.Lfunc_end2:
_tile_overlayer_lowered:
.L_overlay_start_2:
0x7b: {  	(tag) =	ssettag $0x2  }
0x7c: {  	s0 =	rddreg [dreg:$0x0];
	s2 =	stileid.u32  }
0x7d: {  	s1 =	rddreg [dreg:$0x1];
	p0 =	sne.s32 s2, $0x0  }
0x7e: {  	s3 =	rddreg [dreg:$0x2];
	[bflag:$0x3] =	sbarrier.arrive $0xFFFF;
	s2 =	simm.s32 @!p0 $0x1C03  }
0x7f: {  	[timem:s3], [sflag:s2] =	dma.local @!p0 [hbm:s0], s1  }
0x80: {  	s0 =	simm.s32 @!p0 $0x3  }
0x81: {  	_ =	swait.ge @!p0 [sflag:s0], s1  }
0x82: {  	s1 =	ssub.s32 @!p0 $0x0, s1;
	[sflag:s0] =	ssyncset.done @!p0 $0x0  }
0x83: {  	[sflag:s0] =	ssyncadd.s32 @!p0 s1  }
0x84: {  	[bflag:$0x3] =	sbarrier.arrive $0xFFFF  }
0x85: {  	_ =	shalt  }

// kernel: kernel.17.cloned.1.call-start
scs
__scs_entry_jumppad:
0x0: {  	(pc) =	sbr.rel $0x88, $3  }
0x1: {  	(tag) =	ssettag $0x0;
	lr =	simm.s32 $0x1  }
0x2: {  	[smem:$0x3F94] =	sst lr;
	_ =	strace $0xD0000000  }
0x3: {  	_ = 	snop  }
0x4: {  	_ = 	snop  }
0x5: {  	_ = 	snop  }
0x6: {  	_ = 	snop  }
0x7: {  	_ = 	snop  }
__scs_overlays_trampoline_lowered:
0x8: {  	[smem:$0x3FA3] =	sst s0  }
0x9: {  	[smem:$0x3FA4] =	sst s1  }
0xa: {  	[smem:$0x3FA5] =	sst s2  }
0xb: {  	[smem:$0x3FA6] =	sst s3  }
0xc: {  	[smem:$0x3FA7] =	sst s4  }
0xd: {  	[smem:$0x3FA8] =	sst s5  }
0xe: {  	[smem:$0x3FA9] =	sst s6  }
0xf: {  	[smem:$0x3FAA] =	sst s7  }
0x10: {  	[smem:$0x3FAB] =	sst s8  }
0x11: {  	[smem:$0x3FAC] =	sst s9;
	s0 =	simm.s32 @!p0 $0x0  }
0x12: {  	s1 =	sld [smem:$0x3F92];
	s0 =	simm.s32 @p0 $0x1  }
0x13: {  	[smem:$0x3FAD] =	sst s0;
	s0 =	simm.s32 @!p1 $0x0  }
0x14: {  	s2 =	sld [smem:$0x3F91];
	s0 =	simm.s32 @p1 $0x1  }
0x15: {  	[smem:$0x3FAE] =	sst s0;
	s0 =	simm.s32 @!p2 $0x0  }
0x16: {  	s3 =	sld [smem:$0x3FDB];
	s0 =	simm.s32 @p2 $0x1  }
0x17: {  	s4 =	simm.s32 $0x1BF5;
	[smem:$0x3FB0] =	sst s0  }
0x18: {  	s0 =	sld [smem:$0x3F93];
	_ =	swait.ge [sflag:s4], $0x0  }
0x19: {  	s7 =	sld [smem:$0x3F94]  }
0x1a: {  	s8 =	sadd.s32 $0xFFFFE003, lr  }
0x1b: {  	s9 =	sadd.s32 $0xFFFFFEF7, lr;
	s5 =	simm.s32 $0xFFFFFFFF;
	p2 =	slt.u32 s8, $0xFFFFF086  }
0x1c: {  	p1 =	slt.u32 s9, $0xF7A;
	s5 =	simm.s32 @!p2 $0x0  }
0x1d: {  	s5 =	simm.s32 @p1 $0x1;
	p0 =	seq.s32 s7, s2  }
0x1e: {  	s7 =	smul.u32 @!p0 $0xF7A, s2;
	p2 =	seq.s32 @!p0 s5, $0x0  }
0x1f: {  	s9 =	smul.u32 $0xF7A, s1;
	s8 =	simm.s32 @!p0 $0x1BF5;
	p2 =	por !p2, p0  }
0x20: {  	[sflag:s8] =	ssyncset.s32 @!p0 $0xFFFFF086;
	s6 =	sadd.s32 @!p0 s3, s7;
	s7 =	simm.s32 @!p0 $0x108  }
0x21: {  	s3 =	sadd.s32 s3, s9;
	s6 =	sadd.s32 @!p0 $0x88, s6;
	s7 =	simm.s32 @p2 $0x1082  }
0x22: {  	[simem:s7], [sflag:s8] =	dma.local @!p0 [hbm:s6], $0xF7A  }
0x23: {  	s9 =	sor.u32 $0xD0000000, s2;
	s6 =	simm.s32 $0x108;
	_ =	swait.ge @!p0 [sflag:s8], $0x0  }
0x24: {  	s3 =	sadd.s32 $0x88, s3;
	s6 =	simm.s32 @!p1 $0x1082;
	[sflag:s4] =	ssyncset.s32 $0xFFFFF086  }
0x25: {  	[simem:s6], [sflag:s4] =	dma.local [hbm:s3], $0xF7A  }
0x26: {  	[smem:$0x3F94] =	sst s1;
	(tag) =	ssettag s2;
	_ =	strace s9  }
0x27: {  	s1 =	sld [smem:$0x3FA4]  }
0x28: {  	s2 =	sld [smem:$0x3FA5]  }
0x29: {  	s4 =	sld [smem:$0x3FA7]  }
0x2a: {  	p0 =	seq.s32 s5, $0x0;
	s5 =	sld [smem:$0x3FA8]  }
0x2b: {  	s6 =	sld [smem:$0x3FA9]  }
0x2c: {  	s7 =	sld [smem:$0x3FAA]  }
0x2d: {  	s3 =	simm.s32 $0x108;
	s8 =	sld [smem:$0x3FAB]  }
0x2e: {  	s3 =	simm.s32 @!p0 $0x1082;
	s9 =	sld [smem:$0x3FAC]  }
0x2f: {  	lr =	sadd.s32 s0, s3;
	s0 =	sld [smem:$0x3FA3]  }
0x30: {  	s3 =	sld [smem:$0x3FA6]  }
0x31: {  	[smem:$0x3FAF] =	sst s10  }
0x32: {  	s10 =	sld [smem:$0x3FAD];
	_ =	sdelay $0x3  }
0x33: {  	p0 =	seq.s32 s10, $0x1;
	s10 =	sld [smem:$0x3FAF];
	_ =	sdelay $0x3  }
0x34: {  	[smem:$0x3FAF] =	sst s10  }
0x35: {  	s10 =	sld [smem:$0x3FAE];
	_ =	sdelay $0x3  }
0x36: {  	p1 =	seq.s32 s10, $0x1;
	s10 =	sld [smem:$0x3FAF];
	_ =	sdelay $0x3  }
0x37: {  	[smem:$0x3FAF] =	sst s10  }
0x38: {  	s10 =	sld [smem:$0x3FB0]  }
0x39: {  	_ = 	snop;
	(pc) =	sbr.ind lr, $3  }
0x3a: {  	_ = 	snop  }
0x3b: {  	_ = 	snop  }
0x3c: {  	p2 =	seq.s32 s10, $0x1;
	s10 =	sld [smem:$0x3FAF]  }
0x3d: {  	_ =	shalt  }
0x3e: {  	_ =	shalt  }
0x3f: {  	_ =	shalt  }
0x40: {  	_ =	shalt  }
0x41: {  	_ =	shalt  }
0x42: {  	_ =	shalt  }
0x43: {  	_ =	shalt  }
0x44: {  	_ =	shalt  }
0x45: {  	_ =	shalt  }
0x46: {  	_ =	shalt  }
0x47: {  	_ =	shalt  }
0x48: {  	_ =	shalt  }
0x49: {  	_ =	shalt  }
0x4a: {  	_ =	shalt  }
0x4b: {  	_ =	shalt  }
0x4c: {  	_ =	shalt  }
0x4d: {  	_ =	shalt  }
0x4e: {  	_ =	shalt  }
0x4f: {  	_ =	shalt  }
0x50: {  	_ =	shalt  }
0x51: {  	_ =	shalt  }
0x52: {  	_ =	shalt  }
0x53: {  	_ =	shalt  }
0x54: {  	_ =	shalt  }
0x55: {  	_ =	shalt  }
0x56: {  	_ =	shalt  }
0x57: {  	_ =	shalt  }
0x58: {  	_ =	shalt  }
0x59: {  	_ =	shalt  }
0x5a: {  	_ =	shalt  }
0x5b: {  	_ =	shalt  }
0x5c: {  	_ =	shalt  }
0x5d: {  	_ =	shalt  }
0x5e: {  	_ =	shalt  }
0x5f: {  	_ =	shalt  }
0x60: {  	_ =	shalt  }
0x61: {  	_ =	shalt  }
0x62: {  	_ =	shalt  }
0x63: {  	_ =	shalt  }
0x64: {  	_ =	shalt  }
0x65: {  	_ =	shalt  }
0x66: {  	_ =	shalt  }
0x67: {  	_ =	shalt  }
0x68: {  	_ =	shalt  }
0x69: {  	_ =	shalt  }
0x6a: {  	_ =	shalt  }
0x6b: {  	_ =	shalt  }
0x6c: {  	_ =	shalt  }
0x6d: {  	_ =	shalt  }
0x6e: {  	_ =	shalt  }
0x6f: {  	_ =	shalt  }
0x70: {  	_ =	shalt  }
0x71: {  	_ =	shalt  }
0x72: {  	_ =	shalt  }
0x73: {  	_ =	shalt  }
0x74: {  	_ =	shalt  }
0x75: {  	_ =	shalt  }
0x76: {  	_ =	shalt  }
0x77: {  	_ =	shalt  }
0x78: {  	_ =	shalt  }
0x79: {  	_ =	shalt  }
0x7a: {  	_ =	shalt  }
0x7b: {  	_ =	shalt  }
0x7c: {  	_ =	shalt  }
0x7d: {  	_ =	shalt  }
0x7e: {  	_ =	shalt  }
0x7f: {  	_ =	shalt  }
0x80: {  	_ =	shalt  }
0x81: {  	_ =	shalt  }
0x82: {  	_ =	shalt  }
0x83: {  	_ =	shalt  }
0x84: {  	_ =	shalt  }
0x85: {  	_ =	shalt  }
0x86: {  	_ =	shalt  }
0x87: {  	_ =	shalt  }
.Lfunc_end0:
.L_simem_size_0:
called_computation.2_lowered:
.L_overlay_start_0:
0x88: {  	s2 =	sld [smem:$0x3FD9]  }
0x89: {  	s3 =	sld [smem:$0x3FFE];
	_ =	sdelay $0x1  }
0x8a: {  	s1 =	srdreg.scid  }
0x8b: {  	s0 =	sand.u32 $0x1, s1  }
0x8c: {  	s16 =	sshll.u32 s0, $0xA;
	s2 =	sadd.s32 s3, s2  }
0x8d: {  	s2 =	sadd.s32 s2, s16  }
0x8e: {  	[smem:$0x3FBB] =	sst s2  }
0x8f: {  	_ = 	snop  }
0x90: {  	(tm) =	ssettm $0x1  }
0x91: {  	s17 =	sld [smem:$0x3FFB];
	_ =	sdelay $0x3  }
0x92: {  	_ =	strace s17  }
0x93: {  	s2 =	sld [smem:$0x3FFC];
	_ =	sdelay $0x3  }
0x94: {  	_ =	strace s2  }
0x95: {  	s2 =	sld [smem:$0x3FFD];
	_ =	sdelay $0x3  }
0x96: {  	_ =	strace s2  }
0x97: {  	_ =	strace $0x8FFFFFFF  }
0x98: {  	s18 =	sld [smem:$0x3FDB];
	_ =	sdelay $0x1  }
0x99: {  	s19 =	simm.s32 $_scs_section_size  }
0x9a: {  	s4 =	simm.s32 $_size__tile_overlayer_lowered;
	s5 =	simm.s32 $_tile_overlayer_lowered  }
0x9b: {  	s22 =	simm.s32 $0x1BFF;
	s21 =	sshll.u32 s5, $0x1;
	s2 =	sadd.s32 s19, s18  }
0x9c: {  	s6 =	simm.s32 $0x0;
	s20 =	sshll.u32 s4, $0x1;
	s4 =	sadd.s32 s21, s2  }
0x9d: {  	[timem:s6], [sflag:s22] =	dma.local [hbm:s4], s20  }
0x9e: {  	_ =	swait.ge [sflag:s22], s20  }
0x9f: {  	s3 =	ssub.s32 $0x0, s20;
	[sflag:s22] =	ssyncset.done $0x0  }
0xa0: {  	[sflag:s22] =	ssyncadd.s32 s3;
	_ =	sdelay $0x1  }
0xa1: {  	s23 =	simm.s32 $0x1B8B  }
0xa2: {  	_ =	swait.ge [sflag:s23], $0x1  }
0xa3: {  	[sflag:s23] =	ssyncset.done $0x0  }
0xa4: {  	s25 =	simm.s32 $0x1B8E;
	s24 =	sld [smem:$0x3FFE];
	[sflag:s23] =	ssyncadd.s32 $0xFFFFFFFF  }
0xa5: {  	s26 =	simm.s32 $execute0_lowered;
	[smem:$0x3FD2] =	sst s25  }
0xa6: {  	s4 =	sshll.u32 s26, $0x1;
	_ =	strace $0x8000004C;
	[dreg:$0x1] =	wrdreg $0xFFFFFFFF  }
0xa7: {  	s28 =	simm.s32 $_size_execute0_lowered;
	s2 =	sadd.s32 s2, s4;
	[dreg:$0x0] =	wrdreg $0x0  }
0xa8: {  	s4 =	sshll.u32 s28, $0x1;
	[dreg:$0x2] =	wrdreg s2  }
0xa9: {  	[dreg:$0x3] =	wrdreg s4  }
0xaa: {  	[dreg:$0x4] =	wrdreg $0xC0  }
0xab: {  	_ =	task [dreg:s6], $0x5FFFF  }
0xac: {  	[dreg:$0x1] =	wrdreg $0xFFFFFFFF  }
0xad: {  	[dreg:$0x0] =	wrdreg $0x60  }
0xae: {  	[dreg:$0x2] =	wrdreg s24  }
0xaf: {  	[dreg:$0x3] =	wrdreg $0x96200  }
0xb0: {  	[dreg:$0x4] =	wrdreg $0x9  }
0xb1: {  	_ =	task.clear_ibuf [dreg:s6], $0x5FFFF;
	_ =	strace $0x9000004C  }
0xb2: {  	s29 =	simm.s32 $0x9;
	_ =	strace $0x8000004E  }
0xb3: {  	_ =	swait.ge [sflag:s29], $0x1  }
0xb4: {  	[sflag:s29] =	ssyncadd.s32 $0xFFFFFFFF  }
0xb5: {  	_ =	strace $0x9000004E  }
0xb6: {  	_ =	sfence  }
0xb7: {  	s30 =	sld [smem:$0x0];
	_ =	sdelay $0x2  }
0xb8: {  	s31 =	sshll.u32 s1, $0xD;
	s1 =	sshrl.u32 s1, $0x2  }
0xb9: {  	s3 =	sand.u32 $0x4000, s31;
	s1 =	sadd.s32 s1, s30  }
0xba: {  	s0 =	sor.u32 s3, s0;
	s1 =	sshll.u32 s1, $0x11  }
0xbb: {  	s0 =	sor.u32 s1, s0  }
0xbc: {  	s0 =	sadd.s32 $0x8F2B, s0  }
0xbd: {  	[sflag:s0] =	ssyncadd.remote.s32 $0x1  }
0xbe: {  	_ =	sfence.sel $0xFFFF  }
0xbf: {  	[dreg:$0x0] =	wrdreg $0xFFFFFFFF;
	(pc) =	sbr.abs _section_cstart, $3  }
0xc0: {  	[dreg:$0x1] =	wrdreg $0xFFFFFFFF  }
0xc1: {  	_ =	task.clear_ibuf [dreg:s6], $0x2FFFF;
	_ =	strace $0x9FFFFFFF  }
0xc2: {  	(tm) =	ssettm $0x7FFFFFFF  }
0xc3: {  	_ =	shalt  }
tec
execute0_lowered:
.L_overlay_start_1:
0x0: {  	(tag) =	ssettag $0x1  }
0x1: {  	s5 =	rddreg [dreg:$0x0]  }
0x2: {  	s2 =	rddreg [dreg:$0x1]  }
0x3: {  	s0 =	rddreg [dreg:$0x2];
	s3 =	simm.s32 $0x0;
	s4 =	srdreg.scid  }
0x4: {  	s1 =	stileid.u32;
	s14 =	simm.s32 $0x3;
	s15 =	simm.s32 $0x2710  }
0x5: {  	s16 =	simm.s32 $0x50;
	s17 =	simm.s32 $0x4E20;
	s18 =	simm.s32 $0x7620  }
0x6: {  	s19 =	simm.s32 $0x6220;
	s20 =	simm.s32 $0x1;
	s21 =	simm.s32 $0x2  }
0x7: {  	s22 =	simm.s32 $0x4DD0;
	s25 =	simm.s32 $0x0;
	s6 =	sand.u32 $0x1, s4  }
0x8: {  	s29 =	sshll.u32 s1, $0x1;
	s7 =	smul.u32 $0xA000, s1;
	[smem:$0x7FF] =	sst s3  }
0x9: {  	s10 =	smul.u32 $0x28000, s1;
	s23 =	sshll.u32 s1, $0x6;
	s4 =	sor.u32 s6, s29  }
0xa: {  	s8 =	smul.u32 $0xA0000, s6;
	_ =	strace $0x8000004D;
	s6 =	ssub.s32 $0x2, s6  }
0xb: {  	s23 =	sor.u32 $0x1C03, s23;
	s9 =	smul.u32 $0x4E2, s4;
	s4 =	sadd.s32 $0x16200, s5  }
0xc: {  	s30 =	sshrl.u32 s6, $0x1;
	s31 =	sshrl.u32 s10, $0x2;
	s8 =	sadd.s32 s7, s8  }
0xd: {  	s13 =	ssub.s32 s6, s30;
	s11 =	sadd.s32 s31, s2;
	s7 =	sadd.s32 s7, s2  }
0xe: {  	s9 =	sadd.s32 s9, s5;
	s8 =	sshrl.u32 s8, $0x3;
	s10 =	sadd.s32 $0x6000, s11  }
0xf: {  	s13 =	smax.u32 s13, $0x1;
	s24 =	sshrl.u32 s7, $0x3;
	s12 =	sadd.s32 s8, s5  }
0x10: {  	s5 =	sadd.s32 $0xC400, s9;
	s6 =	sadd.s32 $0x2600, s9;
	s8 =	sadd.s32 $0x2000, s11  }
0x11: {  	v0 =	vimm.f32 $0.0e+00;
	s9 =	sadd.s32 $0x4000, s11;
	s11 =	sadd.s32 $0x8000, s11;
	s12 =	sadd.s32 $0x2A200, s12  }
.LBB2_1:
0x12: {  	[tilespmem:s3], [sflag:$0x3] =	stream.linear.gather [hbm4b:s5+s3], $0x2710, $0x38;
	[tilespmem:$0x13620] =	vst v63  }
0x13: {  	_ =	swait.ge [sflag:s14], $0x2710  }
0x14: {  	[sflag:s14] =	ssyncset.done $0x0  }
0x15: {  	[sflag:s14] =	ssyncadd.s32 $0xFFFFD8F0  }
0x16: {  	[tilespmem:s15], [sflag:$0x3] =	stream.linear.gather [hbm4b:s6+s3], $0x2710, $0x38;
	[tilespmem:$0x13620] =	vst v63  }
0x17: {  	_ =	swait.ge [sflag:s14], $0x2710  }
0x18: {  	[sflag:s14] =	ssyncset.done $0x0  }
0x19: {  	s28 =	simm.s32 $0x100;
	s26 =	simm.s32 $0x0;
	[sflag:s14] =	ssyncadd.s32 $0xFFFFD8F0  }
0x1a: {  	[tilespmem:s17], [sflag:$0x1] =	stream.indirect.gather [hbm4b:s4+s16], $0x40, s3, s16, $0xb8;
	[tilespmem:$0x13620] =	vst v63  }
.LBB2_2:
0x1b: {  	p0 =	sne.s32 s28, $0x7F00;
	[tilespmem:s26+$0x7650] =	vst v0;
	s29 =	smov.u32 s28;
	s28 =	sadd.s32 $0x100, s28  }
.Ltmp0:
0x1c: {  	[tilespmem:s26+$0x7640] =	vst v0;
	(pc) =	sbr.rel @p0 .LBB2_2-.Ltmp0, $3  }
0x1d: {  	[tilespmem:s26+$0x7620] =	vst v0  }
0x1e: {  	[tilespmem:s26+$0x7630] =	vst v0;
	_ =	sdelay $0x1  }
0x1f: {  	s26 =	sshra.s32 s29, $0x2  }
0x20: {  	[tilespmem:s26+$0x7650] =	vst v0  }
0x21: {  	[tilespmem:s26+$0x7640] =	vst v0  }
0x22: {  	[tilespmem:s26+$0x7620] =	vst v0  }
0x23: {  	[tilespmem:s26+$0x7630] =	vst v0  }
0x24: {  	[spmem:s7] =	stream.linear.scatter [tilespmem:s18], [sflag:$0x3], $0x2000, $0x38;
	[tilespmem:$0x13620] =	vst v63  }
0x25: {  	_ =	swait.ge [sflag:s14], $0x2000  }
0x26: {  	[sflag:s14] =	ssyncset.done $0x0  }
0x27: {  	[sflag:s14] =	ssyncadd.s32 $0xFFFFE000  }
0x28: {  	[spmem:s8] =	stream.linear.scatter [tilespmem:s18], [sflag:$0x3], $0x2000, $0x38;
	[tilespmem:$0x13620] =	vst v63  }
0x29: {  	_ =	swait.ge [sflag:s14], $0x2000  }
0x2a: {  	[sflag:s14] =	ssyncset.done $0x0  }
0x2b: {  	[sflag:s14] =	ssyncadd.s32 $0xFFFFE000  }
0x2c: {  	[spmem:s9] =	stream.linear.scatter [tilespmem:s18], [sflag:$0x3], $0x2000, $0x38;
	[tilespmem:$0x13620] =	vst v63  }
0x2d: {  	_ =	swait.ge [sflag:s14], $0x2000  }
0x2e: {  	[sflag:s14] =	ssyncset.done $0x0  }
0x2f: {  	[sflag:s14] =	ssyncadd.s32 $0xFFFFE000  }
0x30: {  	[spmem:s10] =	stream.linear.scatter [tilespmem:s18], [sflag:$0x3], $0x2000, $0x38;
	[tilespmem:$0x13620] =	vst v63  }
0x31: {  	_ =	swait.ge [sflag:s14], $0x2000  }
0x32: {  	[sflag:s14] =	ssyncset.done $0x0  }
0x33: {  	[sflag:s14] =	ssyncadd.s32 $0xFFFFE000  }
0x34: {  	[spmem:s11] =	stream.linear.scatter [tilespmem:s18], [sflag:$0x3], $0x2000, $0x38;
	[tilespmem:$0x13620] =	vst v63  }
0x35: {  	_ =	swait.ge [sflag:s14], $0x2000  }
0x36: {  	[sflag:s14] =	ssyncset.done $0x0  }
0x37: {  	[sflag:s14] =	ssyncadd.s32 $0xFFFFE000  }
0x38: {  	s31 =	simm.s32 $0x50;
	[bflag:$0x0] =	sbarrier.arrive $0xFFFF  }
0x39: {  	[tilespmem:s19], [sflag:$0x2] =	stream.indirect.gather [hbm4b:s4+s16], $0x40, s31, s16, $0xb8;
	[tilespmem:$0x13620] =	vst v63  }
0x3a: {  	_ =	swait.ge [sflag:s20], $0x1400  }
0x3b: {  	[sflag:s20] =	ssyncset.done $0x0  }
0x3c: {  	s29 =	simm.s32 $0x2710;
	[sflag:s20] =	ssyncadd.s32 $0xFFFFEC00  }
0x3d: {  	[spmem:s2] =	stream.indirect.scatter.add.f32 [tilespmem:s17], [sflag:$0x3], $0x40, s29, s16, $0xb8;
	[tilespmem:$0x13620] =	vst v63  }
0x3e: {  	_ =	swait.ge [sflag:s14], $0x1400  }
0x3f: {  	[sflag:s14] =	ssyncset.done $0x0  }
0x40: {  	s30 =	simm.s32 $0xA0;
	[sflag:s14] =	ssyncadd.s32 $0xFFFFEC00  }
0x41: {  	[tilespmem:s17], [sflag:$0x1] =	stream.indirect.gather [hbm4b:s4+s16], $0x40, s30, s16, $0xb8;
	[tilespmem:$0x13620] =	vst v63  }
0x42: {  	_ =	swait.ge [sflag:s21], $0x1400  }
0x43: {  	[sflag:s21] =	ssyncset.done $0x0  }
0x44: {  	s31 =	simm.s32 $0x2760;
	[sflag:s21] =	ssyncadd.s32 $0xFFFFEC00  }
0x45: {  	[spmem:s2] =	stream.indirect.scatter.add.f32 [tilespmem:s19], [sflag:$0x3], $0x40, s31, s16, $0xb8;
	[tilespmem:$0x13620] =	vst v63  }
0x46: {  	_ =	swait.ge [sflag:s14], $0x1400  }
0x47: {  	s28 =	simm.s32 $0x500;
	s26 =	simm.s32 $0xA0;
	[sflag:s14] =	ssyncset.done $0x0  }
.LBB2_4:
0x48: {  	s29 =	sadd.s32 $0x50, s26  }
0x49: {  	[sflag:s14] =	ssyncadd.s32 $0xFFFFEC00;
	s30 =	smov.u32 s28;
	s31 =	sadd.s32 $0x280, s28  }
0x4a: {  	[tilespmem:s19], [sflag:$0x2] =	stream.indirect.gather [hbm4b:s4+s16], $0x40, s29, s16, $0xb8;
	[tilespmem:$0x13620] =	vst v63  }
0x4b: {  	p0 =	sne.s32 s28, $0x9880;
	_ =	swait.ge [sflag:s20], $0x1400  }
0x4c: {  	[sflag:s20] =	ssyncset.done $0x0  }
0x4d: {  	s28 =	sadd.s32 $0x2710, s26;
	[sflag:s20] =	ssyncadd.s32 $0xFFFFEC00  }
0x4e: {  	[spmem:s2] =	stream.indirect.scatter.add.f32 [tilespmem:s17], [sflag:$0x3], $0x40, s28, s16, $0xb8;
	[tilespmem:$0x13620] =	vst v63  }
0x4f: {  	_ =	swait.ge [sflag:s14], $0x1400  }
0x50: {  	[sflag:s14] =	ssyncset.done $0x0  }
0x51: {  	s28 =	sadd.s32 $0xA0, s26;
	[sflag:s14] =	ssyncadd.s32 $0xFFFFEC00  }
0x52: {  	[tilespmem:s17], [sflag:$0x1] =	stream.indirect.gather [hbm4b:s4+s16], $0x40, s28, s16, $0xb8;
	[tilespmem:$0x13620] =	vst v63  }
0x53: {  	_ =	swait.ge [sflag:s21], $0x1400  }
.Ltmp1:
0x54: {  	[sflag:s21] =	ssyncset.done $0x0;
	(pc) =	sbr.rel @p0 .LBB2_4-.Ltmp1, $4  }
0x55: {  	s26 =	sadd.s32 $0x2760, s26;
	[sflag:s21] =	ssyncadd.s32 $0xFFFFEC00  }
0x56: {  	[spmem:s2] =	stream.indirect.scatter.add.f32 [tilespmem:s19], [sflag:$0x3], $0x40, s26, s16, $0xb8;
	[tilespmem:$0x13620] =	vst v63  }
0x57: {  	_ =	swait.ge [sflag:s14], $0x1400  }
0x58: {  	s28 =	smov.u32 s31;
	s26 =	sshra.s32 s30, $0x2;
	[sflag:s14] =	ssyncset.done $0x0  }
0x59: {  	s28 =	sadd.s32 $0x50, s26;
	[sflag:s14] =	ssyncadd.s32 $0xFFFFEC00  }
0x5a: {  	[tilespmem:s19], [sflag:$0x2] =	stream.indirect.gather [hbm4b:s4+s16], $0x40, s28, s16, $0xb8;
	[tilespmem:$0x13620] =	vst v63  }
0x5b: {  	_ =	swait.ge [sflag:s20], $0x1400  }
0x5c: {  	[sflag:s20] =	ssyncset.done $0x0  }
0x5d: {  	s29 =	sadd.s32 $0x2710, s26;
	[sflag:s20] =	ssyncadd.s32 $0xFFFFEC00  }
0x5e: {  	[spmem:s2] =	stream.indirect.scatter.add.f32 [tilespmem:s17], [sflag:$0x3], $0x40, s29, s16, $0xb8;
	[tilespmem:$0x13620] =	vst v63  }
0x5f: {  	_ =	swait.ge [sflag:s14], $0x1400  }
0x60: {  	[sflag:s14] =	ssyncset.done $0x0  }
0x61: {  	s30 =	sadd.s32 $0xA0, s26;
	[sflag:s14] =	ssyncadd.s32 $0xFFFFEC00  }
0x62: {  	[tilespmem:s17], [sflag:$0x1] =	stream.indirect.gather [hbm4b:s4+s16], $0x40, s30, s16, $0xb8;
	[tilespmem:$0x13620] =	vst v63  }
0x63: {  	_ =	swait.ge [sflag:s21], $0x1400  }
0x64: {  	[sflag:s21] =	ssyncset.done $0x0  }
0x65: {  	s31 =	sadd.s32 $0x2760, s26;
	[sflag:s21] =	ssyncadd.s32 $0xFFFFEC00  }
0x66: {  	[spmem:s2] =	stream.indirect.scatter.add.f32 [tilespmem:s19], [sflag:$0x3], $0x40, s31, s16, $0xb8;
	[tilespmem:$0x13620] =	vst v63  }
0x67: {  	_ =	swait.ge [sflag:s14], $0x1400  }
0x68: {  	[sflag:s14] =	ssyncset.done $0x0  }
0x69: {  	[sflag:s14] =	ssyncadd.s32 $0xFFFFEC00  }
0x6a: {  	_ =	swait.ge [sflag:s20], $0x1400  }
0x6b: {  	[sflag:s20] =	ssyncset.done $0x0  }
0x6c: {  	[sflag:s20] =	ssyncadd.s32 $0xFFFFEC00  }
0x6d: {  	[spmem:s2] =	stream.indirect.scatter.add.f32 [tilespmem:s17], [sflag:$0x3], $0x40, s22, s16, $0xb8;
	[tilespmem:$0x13620] =	vst v63  }
0x6e: {  	_ =	swait.ge [sflag:s14], $0x1400  }
0x6f: {  	s25 =	sadd.s32 $0x1, s25;
	[sflag:s14] =	ssyncset.done $0x0  }
0x70: {  	p0 =	sne.s32 s25, s13;
	[sflag:s14] =	ssyncadd.s32 $0xFFFFEC00  }
.Ltmp2:
0x71: {  	[bflag:$0x0] =	sbarrier.arrive $0xFFFF;
	(pc) =	sbr.rel @p0 .LBB2_1-.Ltmp2, $4  }
0x72: {  	[hbm:s12], [sflag:s23] =	dma.local [spmem:s24], $0x1400  }
0x73: {  	_ =	swait.ge [sflag:s14], $0x1400  }
0x74: {  	[sflag:s14] =	ssyncset.done $0x0  }
0x75: {  	[sflag:s14] =	ssyncadd.s32 $0xFFFFEC00  }
0x76: {  	_ =	sfence.sel $0x180000  }
0x77: {  	[bflag:$0x0] =	sbarrier.arrive $0xFFFF  }
0x78: {  	p0 =	sne.s32 s1, $0x0;
	_ =	strace $0x9000004D  }
0x79: {  	s0 =	sadd.s32 @!p0 $0x100000, s0;
	[bflag:$0x2] =	sbarrier.arrive $0xFFFF  }
0x7a: {  	[sflag:s0] =	ssyncadd.tile.s32 @!p0 $0x1;
	_ =	shalt  }
.Lfunc_end2:
_tile_overlayer_lowered:
.L_overlay_start_2:
0x7b: {  	(tag) =	ssettag $0x2  }
0x7c: {  	s0 =	rddreg [dreg:$0x0];
	s2 =	stileid.u32  }
0x7d: {  	s1 =	rddreg [dreg:$0x1];
	p0 =	sne.s32 s2, $0x0  }
0x7e: {  	s3 =	rddreg [dreg:$0x2];
	[bflag:$0x3] =	sbarrier.arrive $0xFFFF;
	s2 =	simm.s32 @!p0 $0x1C03  }
0x7f: {  	[timem:s3], [sflag:s2] =	dma.local @!p0 [hbm:s0], s1  }
0x80: {  	s0 =	simm.s32 @!p0 $0x3  }
0x81: {  	_ =	swait.ge @!p0 [sflag:s0], s1  }
0x82: {  	s1 =	ssub.s32 @!p0 $0x0, s1;
	[sflag:s0] =	ssyncset.done @!p0 $0x0  }
0x83: {  	[sflag:s0] =	ssyncadd.s32 @!p0 s1  }
0x84: {  	[bflag:$0x3] =	sbarrier.arrive $0xFFFF  }
0x85: {  	_ =	shalt  }

// kernel: kernel.20.cloned.1.call-start
scs
__scs_entry_jumppad:
0x0: {  	(pc) =	sbr.rel $0x88, $3  }
0x1: {  	(tag) =	ssettag $0x0;
	lr =	simm.s32 $0x1  }
0x2: {  	[smem:$0x3F94] =	sst lr;
	_ =	strace $0xD0000000  }
0x3: {  	_ = 	snop  }
0x4: {  	_ = 	snop  }
0x5: {  	_ = 	snop  }
0x6: {  	_ = 	snop  }
0x7: {  	_ = 	snop  }
__scs_overlays_trampoline_lowered:
0x8: {  	[smem:$0x3FA3] =	sst s0  }
0x9: {  	[smem:$0x3FA4] =	sst s1  }
0xa: {  	[smem:$0x3FA5] =	sst s2  }
0xb: {  	[smem:$0x3FA6] =	sst s3  }
0xc: {  	[smem:$0x3FA7] =	sst s4  }
0xd: {  	[smem:$0x3FA8] =	sst s5  }
0xe: {  	[smem:$0x3FA9] =	sst s6  }
0xf: {  	[smem:$0x3FAA] =	sst s7  }
0x10: {  	[smem:$0x3FAB] =	sst s8  }
0x11: {  	[smem:$0x3FAC] =	sst s9;
	s0 =	simm.s32 @!p0 $0x0  }
0x12: {  	s1 =	sld [smem:$0x3F92];
	s0 =	simm.s32 @p0 $0x1  }
0x13: {  	[smem:$0x3FAD] =	sst s0;
	s0 =	simm.s32 @!p1 $0x0  }
0x14: {  	s2 =	sld [smem:$0x3F91];
	s0 =	simm.s32 @p1 $0x1  }
0x15: {  	[smem:$0x3FAE] =	sst s0;
	s0 =	simm.s32 @!p2 $0x0  }
0x16: {  	s3 =	sld [smem:$0x3FDB];
	s0 =	simm.s32 @p2 $0x1  }
0x17: {  	s4 =	simm.s32 $0x1BF5;
	[smem:$0x3FB0] =	sst s0  }
0x18: {  	s0 =	sld [smem:$0x3F93];
	_ =	swait.ge [sflag:s4], $0x0  }
0x19: {  	s7 =	sld [smem:$0x3F94]  }
0x1a: {  	s8 =	sadd.s32 $0xFFFFE003, lr  }
0x1b: {  	s9 =	sadd.s32 $0xFFFFFEF7, lr;
	s5 =	simm.s32 $0xFFFFFFFF;
	p2 =	slt.u32 s8, $0xFFFFF086  }
0x1c: {  	p1 =	slt.u32 s9, $0xF7A;
	s5 =	simm.s32 @!p2 $0x0  }
0x1d: {  	s5 =	simm.s32 @p1 $0x1;
	p0 =	seq.s32 s7, s2  }
0x1e: {  	s7 =	smul.u32 @!p0 $0xF7A, s2;
	p2 =	seq.s32 @!p0 s5, $0x0  }
0x1f: {  	s9 =	smul.u32 $0xF7A, s1;
	s8 =	simm.s32 @!p0 $0x1BF5;
	p2 =	por !p2, p0  }
0x20: {  	[sflag:s8] =	ssyncset.s32 @!p0 $0xFFFFF086;
	s6 =	sadd.s32 @!p0 s3, s7;
	s7 =	simm.s32 @!p0 $0x108  }
0x21: {  	s3 =	sadd.s32 s3, s9;
	s6 =	sadd.s32 @!p0 $0x88, s6;
	s7 =	simm.s32 @p2 $0x1082  }
0x22: {  	[simem:s7], [sflag:s8] =	dma.local @!p0 [hbm:s6], $0xF7A  }
0x23: {  	s9 =	sor.u32 $0xD0000000, s2;
	s6 =	simm.s32 $0x108;
	_ =	swait.ge @!p0 [sflag:s8], $0x0  }
0x24: {  	s3 =	sadd.s32 $0x88, s3;
	s6 =	simm.s32 @!p1 $0x1082;
	[sflag:s4] =	ssyncset.s32 $0xFFFFF086  }
0x25: {  	[simem:s6], [sflag:s4] =	dma.local [hbm:s3], $0xF7A  }
0x26: {  	[smem:$0x3F94] =	sst s1;
	(tag) =	ssettag s2;
	_ =	strace s9  }
0x27: {  	s1 =	sld [smem:$0x3FA4]  }
0x28: {  	s2 =	sld [smem:$0x3FA5]  }
0x29: {  	s4 =	sld [smem:$0x3FA7]  }
0x2a: {  	p0 =	seq.s32 s5, $0x0;
	s5 =	sld [smem:$0x3FA8]  }
0x2b: {  	s6 =	sld [smem:$0x3FA9]  }
0x2c: {  	s7 =	sld [smem:$0x3FAA]  }
0x2d: {  	s3 =	simm.s32 $0x108;
	s8 =	sld [smem:$0x3FAB]  }
0x2e: {  	s3 =	simm.s32 @!p0 $0x1082;
	s9 =	sld [smem:$0x3FAC]  }
0x2f: {  	lr =	sadd.s32 s0, s3;
	s0 =	sld [smem:$0x3FA3]  }
0x30: {  	s3 =	sld [smem:$0x3FA6]  }
0x31: {  	[smem:$0x3FAF] =	sst s10  }
0x32: {  	s10 =	sld [smem:$0x3FAD];
	_ =	sdelay $0x3  }
0x33: {  	p0 =	seq.s32 s10, $0x1;
	s10 =	sld [smem:$0x3FAF];
	_ =	sdelay $0x3  }
0x34: {  	[smem:$0x3FAF] =	sst s10  }
0x35: {  	s10 =	sld [smem:$0x3FAE];
	_ =	sdelay $0x3  }
0x36: {  	p1 =	seq.s32 s10, $0x1;
	s10 =	sld [smem:$0x3FAF];
	_ =	sdelay $0x3  }
0x37: {  	[smem:$0x3FAF] =	sst s10  }
0x38: {  	s10 =	sld [smem:$0x3FB0]  }
0x39: {  	_ = 	snop;
	(pc) =	sbr.ind lr, $3  }
0x3a: {  	_ = 	snop  }
0x3b: {  	_ = 	snop  }
0x3c: {  	p2 =	seq.s32 s10, $0x1;
	s10 =	sld [smem:$0x3FAF]  }
0x3d: {  	_ =	shalt  }
0x3e: {  	_ =	shalt  }
0x3f: {  	_ =	shalt  }
0x40: {  	_ =	shalt  }
0x41: {  	_ =	shalt  }
0x42: {  	_ =	shalt  }
0x43: {  	_ =	shalt  }
0x44: {  	_ =	shalt  }
0x45: {  	_ =	shalt  }
0x46: {  	_ =	shalt  }
0x47: {  	_ =	shalt  }
0x48: {  	_ =	shalt  }
0x49: {  	_ =	shalt  }
0x4a: {  	_ =	shalt  }
0x4b: {  	_ =	shalt  }
0x4c: {  	_ =	shalt  }
0x4d: {  	_ =	shalt  }
0x4e: {  	_ =	shalt  }
0x4f: {  	_ =	shalt  }
0x50: {  	_ =	shalt  }
0x51: {  	_ =	shalt  }
0x52: {  	_ =	shalt  }
0x53: {  	_ =	shalt  }
0x54: {  	_ =	shalt  }
0x55: {  	_ =	shalt  }
0x56: {  	_ =	shalt  }
0x57: {  	_ =	shalt  }
0x58: {  	_ =	shalt  }
0x59: {  	_ =	shalt  }
0x5a: {  	_ =	shalt  }
0x5b: {  	_ =	shalt  }
0x5c: {  	_ =	shalt  }
0x5d: {  	_ =	shalt  }
0x5e: {  	_ =	shalt  }
0x5f: {  	_ =	shalt  }
0x60: {  	_ =	shalt  }
0x61: {  	_ =	shalt  }
0x62: {  	_ =	shalt  }
0x63: {  	_ =	shalt  }
0x64: {  	_ =	shalt  }
0x65: {  	_ =	shalt  }
0x66: {  	_ =	shalt  }
0x67: {  	_ =	shalt  }
0x68: {  	_ =	shalt  }
0x69: {  	_ =	shalt  }
0x6a: {  	_ =	shalt  }
0x6b: {  	_ =	shalt  }
0x6c: {  	_ =	shalt  }
0x6d: {  	_ =	shalt  }
0x6e: {  	_ =	shalt  }
0x6f: {  	_ =	shalt  }
0x70: {  	_ =	shalt  }
0x71: {  	_ =	shalt  }
0x72: {  	_ =	shalt  }
0x73: {  	_ =	shalt  }
0x74: {  	_ =	shalt  }
0x75: {  	_ =	shalt  }
0x76: {  	_ =	shalt  }
0x77: {  	_ =	shalt  }
0x78: {  	_ =	shalt  }
0x79: {  	_ =	shalt  }
0x7a: {  	_ =	shalt  }
0x7b: {  	_ =	shalt  }
0x7c: {  	_ =	shalt  }
0x7d: {  	_ =	shalt  }
0x7e: {  	_ =	shalt  }
0x7f: {  	_ =	shalt  }
0x80: {  	_ =	shalt  }
0x81: {  	_ =	shalt  }
0x82: {  	_ =	shalt  }
0x83: {  	_ =	shalt  }
0x84: {  	_ =	shalt  }
0x85: {  	_ =	shalt  }
0x86: {  	_ =	shalt  }
0x87: {  	_ =	shalt  }
.Lfunc_end0:
.L_simem_size_0:
called_computation.3_lowered:
.L_overlay_start_0:
0x88: {  	s2 =	sld [smem:$0x3FD9]  }
0x89: {  	s3 =	sld [smem:$0x3FFE];
	_ =	sdelay $0x1  }
0x8a: {  	s1 =	srdreg.scid  }
0x8b: {  	s0 =	sand.u32 $0x1, s1  }
0x8c: {  	s16 =	sshll.u32 s0, $0xA;
	s2 =	sadd.s32 s3, s2  }
0x8d: {  	s2 =	sadd.s32 s2, s16  }
0x8e: {  	[smem:$0x3FBB] =	sst s2  }
0x8f: {  	_ = 	snop  }
0x90: {  	(tm) =	ssettm $0x1  }
0x91: {  	s17 =	sld [smem:$0x3FFB];
	_ =	sdelay $0x3  }
0x92: {  	_ =	strace s17  }
0x93: {  	s2 =	sld [smem:$0x3FFC];
	_ =	sdelay $0x3  }
0x94: {  	_ =	strace s2  }
0x95: {  	s2 =	sld [smem:$0x3FFD];
	_ =	sdelay $0x3  }
0x96: {  	_ =	strace s2  }
0x97: {  	_ =	strace $0x8FFFFFFF  }
0x98: {  	s18 =	sld [smem:$0x3FDB];
	_ =	sdelay $0x1  }
0x99: {  	s19 =	simm.s32 $_scs_section_size  }
0x9a: {  	s4 =	simm.s32 $_size__tile_overlayer_lowered;
	s5 =	simm.s32 $_tile_overlayer_lowered  }
0x9b: {  	s22 =	simm.s32 $0x1BFF;
	s21 =	sshll.u32 s5, $0x1;
	s2 =	sadd.s32 s19, s18  }
0x9c: {  	s6 =	simm.s32 $0x0;
	s20 =	sshll.u32 s4, $0x1;
	s4 =	sadd.s32 s21, s2  }
0x9d: {  	[timem:s6], [sflag:s22] =	dma.local [hbm:s4], s20  }
0x9e: {  	_ =	swait.ge [sflag:s22], s20  }
0x9f: {  	s3 =	ssub.s32 $0x0, s20;
	[sflag:s22] =	ssyncset.done $0x0  }
0xa0: {  	[sflag:s22] =	ssyncadd.s32 s3;
	_ =	sdelay $0x1  }
0xa1: {  	s23 =	simm.s32 $0x1B8B  }
0xa2: {  	_ =	swait.ge [sflag:s23], $0x1  }
0xa3: {  	[sflag:s23] =	ssyncset.done $0x0  }
0xa4: {  	s25 =	simm.s32 $0x1B8E;
	s24 =	sld [smem:$0x3FFE];
	[sflag:s23] =	ssyncadd.s32 $0xFFFFFFFF  }
0xa5: {  	s26 =	simm.s32 $execute0_lowered;
	[smem:$0x3FD2] =	sst s25  }
0xa6: {  	s4 =	sshll.u32 s26, $0x1;
	_ =	strace $0x8000004F;
	[dreg:$0x1] =	wrdreg $0xFFFFFFFF  }
0xa7: {  	s28 =	simm.s32 $_size_execute0_lowered;
	s2 =	sadd.s32 s2, s4;
	[dreg:$0x0] =	wrdreg $0x0  }
0xa8: {  	s4 =	sshll.u32 s28, $0x1;
	[dreg:$0x2] =	wrdreg s2  }
0xa9: {  	[dreg:$0x3] =	wrdreg s4  }
0xaa: {  	[dreg:$0x4] =	wrdreg $0xC0  }
0xab: {  	_ =	task [dreg:s6], $0x5FFFF  }
0xac: {  	[dreg:$0x1] =	wrdreg $0xFFFFFFFF  }
0xad: {  	[dreg:$0x0] =	wrdreg $0x60  }
0xae: {  	[dreg:$0x2] =	wrdreg s24  }
0xaf: {  	[dreg:$0x3] =	wrdreg $0x37000  }
0xb0: {  	[dreg:$0x4] =	wrdreg $0x9  }
0xb1: {  	_ =	task.clear_ibuf [dreg:s6], $0x5FFFF;
	_ =	strace $0x9000004F  }
0xb2: {  	s29 =	simm.s32 $0x9;
	_ =	strace $0x80000051  }
0xb3: {  	_ =	swait.ge [sflag:s29], $0x1  }
0xb4: {  	[sflag:s29] =	ssyncadd.s32 $0xFFFFFFFF  }
0xb5: {  	_ =	strace $0x90000051  }
0xb6: {  	_ =	sfence  }
0xb7: {  	s30 =	sld [smem:$0x0];
	_ =	sdelay $0x2  }
0xb8: {  	s31 =	sshll.u32 s1, $0xD;
	s1 =	sshrl.u32 s1, $0x2  }
0xb9: {  	s3 =	sand.u32 $0x4000, s31;
	s1 =	sadd.s32 s1, s30  }
0xba: {  	s0 =	sor.u32 s3, s0;
	s1 =	sshll.u32 s1, $0x11  }
0xbb: {  	s0 =	sor.u32 s1, s0  }
0xbc: {  	s0 =	sadd.s32 $0x8F2B, s0  }
0xbd: {  	[sflag:s0] =	ssyncadd.remote.s32 $0x1  }
0xbe: {  	_ =	sfence.sel $0xFFFF  }
0xbf: {  	[dreg:$0x0] =	wrdreg $0xFFFFFFFF;
	(pc) =	sbr.abs _section_cstart, $3  }
0xc0: {  	[dreg:$0x1] =	wrdreg $0xFFFFFFFF  }
0xc1: {  	_ =	task.clear_ibuf [dreg:s6], $0x2FFFF;
	_ =	strace $0x9FFFFFFF  }
0xc2: {  	(tm) =	ssettm $0x7FFFFFFF  }
0xc3: {  	_ =	shalt  }
tec
execute0_lowered:
.L_overlay_start_1:
0x0: {  	(tag) =	ssettag $0x1  }
0x1: {  	s1 =	srdreg.scid;
	s0 =	stileid.u32  }
0x2: {  	s12 =	sand.u32 $0x1, s1;
	s30 =	sshll.u32 s0, $0x1  }
0x3: {  	s11 =	rddreg [dreg:$0x0];
	s1 =	sor.u32 s12, s30  }
0x4: {  	s3 =	rddreg [dreg:$0x1];
	s7 =	simm.s32 $0x0;
	s2 =	smul.u32 $0x28, s1  }
0x5: {  	[smem:$0x7FF] =	sst s7  }
0x6: {  	s1 =	rddreg [dreg:$0x2];
	s4 =	sadd.s32 s2, s11  }
0x7: {  	_ =	strace $0x80000050;
	s2 =	simm.s32 $0x3;
	s8 =	sadd.s32 $0x52200, s4  }
0x8: {  	[tilespmem:s7], [sflag:$0x3] =	stream.linear.gather [hbm4b:s8+s7], $0x140, $0x38;
	[tilespmem:$0x3980] =	vst v63  }
0x9: {  	_ =	swait.ge [sflag:s2], $0x140  }
0xa: {  	[sflag:s2] =	ssyncset.done $0x0  }
0xb: {  	s9 =	simm.s32 $0x140;
	s10 =	sadd.s32 $0x52800, s4;
	[sflag:s2] =	ssyncadd.s32 $0xFFFFFEC0  }
0xc: {  	[tilespmem:s9], [sflag:$0x3] =	stream.linear.gather [hbm4b:s10+s7], $0x140, $0x38;
	[tilespmem:$0x3980] =	vst v63  }
0xd: {  	_ =	swait.ge [sflag:s2], $0x140  }
0xe: {  	s6 =	simm.s32 $0x280;
	[sflag:s2] =	ssyncset.done $0x0  }
0xf: {  	s5 =	sadd.s32 $0x2600, s11;
	s4 =	simm.s32 $0x50;
	[sflag:s2] =	ssyncadd.s32 $0xFFFFFEC0  }
0x10: {  	v0 =	vimm.f32 $0.0e+00;
	[tilespmem:s6], [sflag:$0x1] =	stream.indirect.gather [hbm4b:s5+s4], $0x50, s7, s4, $0xb8;
	[tilespmem:$0x3980] =	vst v63  }
0x11: {  	[tilespmem:$0x36F0] =	vst v0  }
0x12: {  	[tilespmem:$0x36E0] =	vst v0  }
0x13: {  	[tilespmem:$0x36D0] =	vst v0  }
0x14: {  	[tilespmem:$0x36C0] =	vst v0  }
0x15: {  	[tilespmem:$0x36B0] =	vst v0  }
0x16: {  	[tilespmem:$0x36A0] =	vst v0  }
0x17: {  	[tilespmem:$0x3690] =	vst v0  }
0x18: {  	[tilespmem:$0x3680] =	vst v0  }
0x19: {  	[tilespmem:$0x3670] =	vst v0  }
0x1a: {  	[tilespmem:$0x3660] =	vst v0  }
0x1b: {  	[tilespmem:$0x3650] =	vst v0  }
0x1c: {  	[tilespmem:$0x3640] =	vst v0  }
0x1d: {  	[tilespmem:$0x3630] =	vst v0  }
0x1e: {  	[tilespmem:$0x3620] =	vst v0  }
0x1f: {  	[tilespmem:$0x3610] =	vst v0  }
0x20: {  	[tilespmem:$0x3600] =	vst v0  }
0x21: {  	[tilespmem:$0x35F0] =	vst v0  }
0x22: {  	[tilespmem:$0x35E0] =	vst v0  }
0x23: {  	[tilespmem:$0x35D0] =	vst v0  }
0x24: {  	[tilespmem:$0x35C0] =	vst v0  }
0x25: {  	[tilespmem:$0x35B0] =	vst v0  }
0x26: {  	[tilespmem:$0x35A0] =	vst v0  }
0x27: {  	[tilespmem:$0x3590] =	vst v0  }
0x28: {  	[tilespmem:$0x3580] =	vst v0  }
0x29: {  	[tilespmem:$0x3570] =	vst v0  }
0x2a: {  	[tilespmem:$0x3560] =	vst v0  }
0x2b: {  	[tilespmem:$0x3550] =	vst v0  }
0x2c: {  	[tilespmem:$0x3540] =	vst v0  }
0x2d: {  	[tilespmem:$0x3530] =	vst v0  }
0x2e: {  	[tilespmem:$0x3520] =	vst v0  }
0x2f: {  	[tilespmem:$0x3510] =	vst v0  }
0x30: {  	[tilespmem:$0x3500] =	vst v0  }
0x31: {  	[tilespmem:$0x34F0] =	vst v0  }
0x32: {  	[tilespmem:$0x34E0] =	vst v0  }
0x33: {  	[tilespmem:$0x34D0] =	vst v0  }
0x34: {  	s23 =	simm.s32 $0x3480;
	s14 =	smul.u32 $0x2800, s12;
	s12 =	ssub.s32 $0x2, s12;
	[tilespmem:$0x34C0] =	vst v0  }
0x35: {  	s21 =	simm.s32 $0xA0;
	s20 =	simm.s32 $0x190;
	s15 =	sshrl.u32 s12, $0x1;
	[tilespmem:$0x34B0] =	vst v0  }
0x36: {  	s18 =	simm.s32 $0xF0;
	s13 =	smul.u32 $0x280, s0;
	s12 =	ssub.s32 s12, s15;
	[tilespmem:$0x34A0] =	vst v0  }
0x37: {  	s19 =	simm.s32 $0x1E0;
	s17 =	simm.s32 $0x230;
	s24 =	smax.u32 s12, $0x1;
	[tilespmem:$0x3480] =	vst v0  }
0x38: {  	s31 =	sshll.u32 s0, $0x6;
	s22 =	sadd.s32 s13, s3;
	p0 =	sne.s32 s24, $0x1;
	[tilespmem:$0x3490] =	vst v0  }
0x39: {  	[spmem:s22] =	stream.linear.scatter [tilespmem:s23], [sflag:$0x3], $0x280, $0x38;
	[tilespmem:$0x3980] =	vst v63  }
.Ltmp0:
0x3a: {  	s14 =	sadd.s32 s13, s14;
	_ =	swait.ge [sflag:s2], $0x280;
	(pc) =	sbr.rel @!p0 .LBB2_2-.Ltmp0, $4  }
0x3b: {  	s13 =	simm.s32 $0x1B80;
	s15 =	sor.u32 $0x1C03, s31;
	[sflag:s2] =	ssyncset.done $0x0  }
0x3c: {  	s16 =	sshrl.u32 s22, $0x3;
	s14 =	sshrl.u32 s14, $0x3;
	[sflag:s2] =	ssyncadd.s32 $0xFFFFFD80  }
0x3d: {  	s12 =	simm.s32 $0x1;
	s11 =	sadd.s32 s14, s11;
	[bflag:$0x0] =	sbarrier.arrive $0xFFFF  }
0x3e: {  	s14 =	simm.s32 $0x2;
	s24 =	sadd.s32 $0xFFFFFFFF, s24;
	s11 =	sadd.s32 $0x1B600, s11  }
.LBB2_1:
0x3f: {  	[tilespmem:s13], [sflag:$0x2] =	stream.indirect.gather [hbm4b:s5+s4], $0x50, s4, s4, $0xb8;
	[tilespmem:$0x3980] =	vst v63  }
0x40: {  	p0 =	sne.s32 s24, $0x1;
	s24 =	sadd.s32 $0xFFFFFFFF, s24;
	_ =	swait.ge [sflag:s12], $0x1900  }
0x41: {  	[sflag:s12] =	ssyncset.done $0x0  }
0x42: {  	[sflag:s12] =	ssyncadd.s32 $0xFFFFE700  }
0x43: {  	[spmem:s3] =	stream.indirect.scatter.add.f32 [tilespmem:s6], [sflag:$0x3], $0x50, s9, s4, $0xb8;
	[tilespmem:$0x3980] =	vst v63  }
0x44: {  	_ =	swait.ge [sflag:s2], $0x1900  }
0x45: {  	[sflag:s2] =	ssyncset.done $0x0  }
0x46: {  	[sflag:s2] =	ssyncadd.s32 $0xFFFFE700  }
0x47: {  	[tilespmem:s6], [sflag:$0x1] =	stream.indirect.gather [hbm4b:s5+s4], $0x50, s21, s4, $0xb8;
	[tilespmem:$0x3980] =	vst v63  }
0x48: {  	_ =	swait.ge [sflag:s14], $0x1900  }
0x49: {  	[sflag:s14] =	ssyncset.done $0x0  }
0x4a: {  	[sflag:s14] =	ssyncadd.s32 $0xFFFFE700  }
0x4b: {  	[spmem:s3] =	stream.indirect.scatter.add.f32 [tilespmem:s13], [sflag:$0x3], $0x50, s20, s4, $0xb8;
	[tilespmem:$0x3980] =	vst v63  }
0x4c: {  	_ =	swait.ge [sflag:s2], $0x1900  }
0x4d: {  	[sflag:s2] =	ssyncset.done $0x0  }
0x4e: {  	[sflag:s2] =	ssyncadd.s32 $0xFFFFE700  }
0x4f: {  	[tilespmem:s13], [sflag:$0x2] =	stream.indirect.gather [hbm4b:s5+s4], $0x50, s18, s4, $0xb8;
	[tilespmem:$0x3980] =	vst v63  }
0x50: {  	_ =	swait.ge [sflag:s12], $0x1900  }
0x51: {  	[sflag:s12] =	ssyncset.done $0x0  }
0x52: {  	[sflag:s12] =	ssyncadd.s32 $0xFFFFE700  }
0x53: {  	[spmem:s3] =	stream.indirect.scatter.add.f32 [tilespmem:s6], [sflag:$0x3], $0x50, s19, s4, $0xb8;
	[tilespmem:$0x3980] =	vst v63  }
0x54: {  	_ =	swait.ge [sflag:s2], $0x1900  }
0x55: {  	[sflag:s2] =	ssyncset.done $0x0  }
0x56: {  	[sflag:s2] =	ssyncadd.s32 $0xFFFFE700  }
0x57: {  	[tilespmem:s6], [sflag:$0x1] =	stream.indirect.gather [hbm4b:s5+s4], $0x50, s18, s4, $0xb8;
	[tilespmem:$0x3980] =	vst v63  }
0x58: {  	_ =	swait.ge [sflag:s14], $0x1900  }
0x59: {  	[sflag:s14] =	ssyncset.done $0x0  }
0x5a: {  	[sflag:s14] =	ssyncadd.s32 $0xFFFFE700  }
0x5b: {  	[spmem:s3] =	stream.indirect.scatter.add.f32 [tilespmem:s13], [sflag:$0x3], $0x50, s17, s4, $0xb8;
	[tilespmem:$0x3980] =	vst v63  }
0x5c: {  	_ =	swait.ge [sflag:s2], $0x1900  }
0x5d: {  	[sflag:s2] =	ssyncset.done $0x0  }
0x5e: {  	[sflag:s2] =	ssyncadd.s32 $0xFFFFE700  }
0x5f: {  	_ =	swait.ge [sflag:s12], $0x1900  }
0x60: {  	[sflag:s12] =	ssyncset.done $0x0  }
0x61: {  	[sflag:s12] =	ssyncadd.s32 $0xFFFFE700  }
0x62: {  	[bflag:$0x0] =	sbarrier.arrive $0xFFFF  }
0x63: {  	[hbm:s11], [sflag:s15] =	dma.local [spmem:s16], $0x50  }
0x64: {  	_ =	swait.ge [sflag:s2], $0x50  }
0x65: {  	[sflag:s2] =	ssyncset.done $0x0  }
0x66: {  	[sflag:s2] =	ssyncadd.s32 $0xFFFFFFB0  }
0x67: {  	[tilespmem:s7], [sflag:$0x3] =	stream.linear.gather [hbm4b:s8+s7], $0x140, $0x38;
	[tilespmem:$0x3980] =	vst v63  }
0x68: {  	_ =	swait.ge [sflag:s2], $0x140  }
0x69: {  	[sflag:s2] =	ssyncset.done $0x0  }
0x6a: {  	[sflag:s2] =	ssyncadd.s32 $0xFFFFFEC0  }
0x6b: {  	[tilespmem:s9], [sflag:$0x3] =	stream.linear.gather [hbm4b:s10+s7], $0x140, $0x38;
	[tilespmem:$0x3980] =	vst v63  }
0x6c: {  	_ =	swait.ge [sflag:s2], $0x140  }
0x6d: {  	[sflag:s2] =	ssyncset.done $0x0  }
0x6e: {  	[sflag:s2] =	ssyncadd.s32 $0xFFFFFEC0  }
0x6f: {  	[tilespmem:s6], [sflag:$0x1] =	stream.indirect.gather [hbm4b:s5+s4], $0x50, s7, s4, $0xb8;
	[tilespmem:$0x3980] =	vst v63  }
0x70: {  	[tilespmem:$0x36F0] =	vst v0  }
0x71: {  	[tilespmem:$0x36E0] =	vst v0  }
0x72: {  	[tilespmem:$0x36D0] =	vst v0  }
0x73: {  	[tilespmem:$0x36C0] =	vst v0  }
0x74: {  	[tilespmem:$0x36B0] =	vst v0  }
0x75: {  	[tilespmem:$0x36A0] =	vst v0  }
0x76: {  	[tilespmem:$0x3690] =	vst v0  }
0x77: {  	[tilespmem:$0x3680] =	vst v0  }
0x78: {  	[tilespmem:$0x3670] =	vst v0  }
0x79: {  	[tilespmem:$0x3660] =	vst v0  }
0x7a: {  	[tilespmem:$0x3650] =	vst v0  }
0x7b: {  	[tilespmem:$0x3640] =	vst v0  }
0x7c: {  	[tilespmem:$0x3630] =	vst v0  }
0x7d: {  	[tilespmem:$0x3620] =	vst v0  }
0x7e: {  	[tilespmem:$0x3610] =	vst v0  }
0x7f: {  	[tilespmem:$0x3600] =	vst v0  }
0x80: {  	[tilespmem:$0x35F0] =	vst v0  }
0x81: {  	[tilespmem:$0x35E0] =	vst v0  }
0x82: {  	[tilespmem:$0x35D0] =	vst v0  }
0x83: {  	[tilespmem:$0x35C0] =	vst v0  }
0x84: {  	[tilespmem:$0x35B0] =	vst v0  }
0x85: {  	[tilespmem:$0x35A0] =	vst v0  }
0x86: {  	[tilespmem:$0x3590] =	vst v0  }
0x87: {  	[tilespmem:$0x3580] =	vst v0  }
0x88: {  	[tilespmem:$0x3570] =	vst v0  }
0x89: {  	[tilespmem:$0x3560] =	vst v0  }
0x8a: {  	[tilespmem:$0x3550] =	vst v0  }
0x8b: {  	[tilespmem:$0x3540] =	vst v0  }
0x8c: {  	[tilespmem:$0x3530] =	vst v0  }
0x8d: {  	[tilespmem:$0x3520] =	vst v0  }
0x8e: {  	[tilespmem:$0x3510] =	vst v0  }
0x8f: {  	[tilespmem:$0x3500] =	vst v0  }
0x90: {  	[tilespmem:$0x34F0] =	vst v0  }
0x91: {  	[tilespmem:$0x34E0] =	vst v0  }
0x92: {  	[tilespmem:$0x34D0] =	vst v0  }
0x93: {  	[tilespmem:$0x34C0] =	vst v0  }
0x94: {  	[tilespmem:$0x34B0] =	vst v0  }
0x95: {  	[tilespmem:$0x34A0] =	vst v0  }
0x96: {  	[tilespmem:$0x3480] =	vst v0  }
0x97: {  	[tilespmem:$0x3490] =	vst v0  }
0x98: {  	[spmem:s22] =	stream.linear.scatter [tilespmem:s23], [sflag:$0x3], $0x280, $0x38;
	[tilespmem:$0x3980] =	vst v63  }
.Ltmp1:
0x99: {  	_ =	swait.ge [sflag:s2], $0x280;
	(pc) =	sbr.rel @p0 .LBB2_1-.Ltmp1, $3  }
0x9a: {  	[sflag:s2] =	ssyncset.done $0x0  }
0x9b: {  	[sflag:s2] =	ssyncadd.s32 $0xFFFFFD80  }
0x9c: {  	[bflag:$0x0] =	sbarrier.arrive $0xFFFF;
	_ =	sdelay $0x1  }
.LBB2_2:
0x9d: {  	[tilespmem:s13], [sflag:$0x2] =	stream.indirect.gather [hbm4b:s5+s4], $0x50, s4, s4, $0xb8;
	[tilespmem:$0x3980] =	vst v63  }
0x9e: {  	_ =	swait.ge [sflag:s12], $0x1900  }
0x9f: {  	[sflag:s12] =	ssyncset.done $0x0  }
0xa0: {  	[sflag:s12] =	ssyncadd.s32 $0xFFFFE700  }
0xa1: {  	[spmem:s3] =	stream.indirect.scatter.add.f32 [tilespmem:s6], [sflag:$0x3], $0x50, s9, s4, $0xb8;
	[tilespmem:$0x3980] =	vst v63  }
0xa2: {  	_ =	swait.ge [sflag:s2], $0x1900  }
0xa3: {  	[sflag:s2] =	ssyncset.done $0x0  }
0xa4: {  	[sflag:s2] =	ssyncadd.s32 $0xFFFFE700  }
0xa5: {  	[tilespmem:s6], [sflag:$0x1] =	stream.indirect.gather [hbm4b:s5+s4], $0x50, s21, s4, $0xb8;
	[tilespmem:$0x3980] =	vst v63  }
0xa6: {  	_ =	swait.ge [sflag:s14], $0x1900  }
0xa7: {  	[sflag:s14] =	ssyncset.done $0x0  }
0xa8: {  	[sflag:s14] =	ssyncadd.s32 $0xFFFFE700  }
0xa9: {  	[spmem:s3] =	stream.indirect.scatter.add.f32 [tilespmem:s13], [sflag:$0x3], $0x50, s20, s4, $0xb8;
	[tilespmem:$0x3980] =	vst v63  }
0xaa: {  	_ =	swait.ge [sflag:s2], $0x1900  }
0xab: {  	[sflag:s2] =	ssyncset.done $0x0  }
0xac: {  	[sflag:s2] =	ssyncadd.s32 $0xFFFFE700  }
0xad: {  	[tilespmem:s13], [sflag:$0x2] =	stream.indirect.gather [hbm4b:s5+s4], $0x50, s18, s4, $0xb8;
	[tilespmem:$0x3980] =	vst v63  }
0xae: {  	_ =	swait.ge [sflag:s12], $0x1900  }
0xaf: {  	[sflag:s12] =	ssyncset.done $0x0  }
0xb0: {  	[sflag:s12] =	ssyncadd.s32 $0xFFFFE700  }
0xb1: {  	[spmem:s3] =	stream.indirect.scatter.add.f32 [tilespmem:s6], [sflag:$0x3], $0x50, s19, s4, $0xb8;
	[tilespmem:$0x3980] =	vst v63  }
0xb2: {  	_ =	swait.ge [sflag:s2], $0x1900  }
0xb3: {  	[sflag:s2] =	ssyncset.done $0x0  }
0xb4: {  	[sflag:s2] =	ssyncadd.s32 $0xFFFFE700  }
0xb5: {  	[tilespmem:s6], [sflag:$0x1] =	stream.indirect.gather [hbm4b:s5+s4], $0x50, s18, s4, $0xb8;
	[tilespmem:$0x3980] =	vst v63  }
0xb6: {  	_ =	swait.ge [sflag:s14], $0x1900  }
0xb7: {  	[sflag:s14] =	ssyncset.done $0x0  }
0xb8: {  	[sflag:s14] =	ssyncadd.s32 $0xFFFFE700  }
0xb9: {  	[spmem:s3] =	stream.indirect.scatter.add.f32 [tilespmem:s13], [sflag:$0x3], $0x50, s17, s4, $0xb8;
	[tilespmem:$0x3980] =	vst v63  }
0xba: {  	_ =	swait.ge [sflag:s2], $0x1900  }
0xbb: {  	[sflag:s2] =	ssyncset.done $0x0  }
0xbc: {  	[sflag:s2] =	ssyncadd.s32 $0xFFFFE700  }
0xbd: {  	_ =	swait.ge [sflag:s12], $0x1900  }
0xbe: {  	[sflag:s12] =	ssyncset.done $0x0  }
0xbf: {  	[sflag:s12] =	ssyncadd.s32 $0xFFFFE700  }
0xc0: {  	[bflag:$0x0] =	sbarrier.arrive $0xFFFF  }
0xc1: {  	[hbm:s11], [sflag:s15] =	dma.local [spmem:s16], $0x50  }
0xc2: {  	_ =	swait.ge [sflag:s2], $0x50  }
0xc3: {  	[sflag:s2] =	ssyncset.done $0x0  }
0xc4: {  	[sflag:s2] =	ssyncadd.s32 $0xFFFFFFB0  }
0xc5: {  	_ =	sfence.sel $0x180000  }
0xc6: {  	[bflag:$0x0] =	sbarrier.arrive $0xFFFF  }
0xc7: {  	p0 =	sne.s32 s0, $0x0;
	_ =	strace $0x90000050  }
0xc8: {  	s0 =	sadd.s32 @!p0 $0x100000, s1;
	[bflag:$0x2] =	sbarrier.arrive $0xFFFF  }
0xc9: {  	[sflag:s0] =	ssyncadd.tile.s32 @!p0 $0x1;
	_ =	shalt  }
.Lfunc_end2:
_tile_overlayer_lowered:
.L_overlay_start_2:
0xca: {  	(tag) =	ssettag $0x2  }
0xcb: {  	s0 =	rddreg [dreg:$0x0];
	s2 =	stileid.u32  }
0xcc: {  	s1 =	rddreg [dreg:$0x1];
	p0 =	sne.s32 s2, $0x0  }
0xcd: {  	s3 =	rddreg [dreg:$0x2];
	[bflag:$0x3] =	sbarrier.arrive $0xFFFF;
	s2 =	simm.s32 @!p0 $0x1C03  }
0xce: {  	[timem:s3], [sflag:s2] =	dma.local @!p0 [hbm:s0], s1  }
0xcf: {  	s0 =	simm.s32 @!p0 $0x3  }
0xd0: {  	_ =	swait.ge @!p0 [sflag:s0], s1  }
0xd1: {  	s1 =	ssub.s32 @!p0 $0x0, s1;
	[sflag:s0] =	ssyncset.done @!p0 $0x0  }
0xd2: {  	[sflag:s0] =	ssyncadd.s32 @!p0 s1  }
0xd3: {  	[bflag:$0x3] =	sbarrier.arrive $0xFFFF  }
0xd4: {  	_ =	shalt  }

</sc_bundles>
